<compile_context>
chip_gen: v7x
topology: tpu7x:2x2x1
jax: 0.10.2.dev20260603
libtpu: 0.0.44.dev20260713+nightly
codegen_flags: <defaults>
</compile_context>

<pallas_src>
import functools

import jax
import jax.numpy as jnp
from jax import lax
from jax.experimental import pallas as pl
from jax.experimental.pallas import tpu as pltpu
from jax.experimental.pallas import tpu_sc as plsc

_NUM_CORES = 2
_NUM_SUBCORES = 16
_NW = _NUM_CORES * _NUM_SUBCORES


def _gather_blocked(ids_t, weight):
    l, b = ids_t.shape
    v, d = weight.shape
    ntc = b // 128
    per_w = ntc // _NW
    assert ntc % _NW == 0 and l % 2 == 0

    mesh = plsc.VectorSubcoreMesh(
        core_axis_name="c", subcore_axis_name="s",
        num_cores=_NUM_CORES, num_subcores=_NUM_SUBCORES)

    @functools.partial(
        pl.kernel,
        out_type=jax.ShapeDtypeStruct((l, ntc // 2, 128, 2 * d),
                                      jnp.float32),
        mesh=mesh,
        scratch_types=[
            pltpu.VMEM((l, 128), jnp.int32),
            [pltpu.VMEM((128, d), jnp.float32) for _ in range(2)],
            [pltpu.SemaphoreType.DMA for _ in range(2)],
            [pltpu.SemaphoreType.DMA for _ in range(2)],
        ],
        compiler_params=pltpu.CompilerParams(use_tc_tiling_on_sc=False),
    )
    def kb(ids_hbm, table_hbm, out_hbm, idx_all, rows_v, gsem, ssem):
        wid = lax.axis_index("s") * _NUM_CORES + lax.axis_index("c")

        for t in range(per_w):
            tc = wid * per_w + t
            tc2 = wid * (per_w // 2) + t // 2
            half = pl.ds((t % 2) * d, d)

            def dst(ll):
                return out_hbm.at[ll, tc2, :, half]

            pltpu.sync_copy(ids_hbm.at[:, pl.ds(tc * 128, 128)], idx_all)
            pltpu.async_copy(table_hbm.at[idx_all.at[0]], rows_v[0], gsem[0])

            def lbody(i, carry):
                for q in range(2):
                    ll = 2 * i + q
                    pltpu.make_async_copy(
                        table_hbm.at[idx_all.at[ll]], rows_v[q],
                        gsem[q]).wait()

                    @pl.when(ll + 1 < l)
                    def _():
                        @pl.when(ll >= 1)
                        def _():
                            pltpu.make_async_copy(
                                rows_v[1 - q], dst(ll), ssem[1 - q]).wait()

                        pltpu.async_copy(
                            table_hbm.at[idx_all.at[ll + 1]], rows_v[1 - q],
                            gsem[1 - q])

                    pltpu.async_copy(rows_v[q], dst(ll), ssem[q])
                return carry

            lax.fori_loop(0, l // 2, lbody, 0)

            for q in range(2):
                pltpu.make_async_copy(
                    rows_v[q], dst(0), ssem[q]).wait()

    return kb(ids_t, weight)


def _retile(blocked):
    l, ntc2, d2 = blocked.shape[0], blocked.shape[1], blocked.shape[3]
    d = d2 // 2
    ntr = d // 8

    blk = 64

    def body(x_ref, o_ref):
        eye = (lax.broadcasted_iota(jnp.int32, (128, 128), 0) ==
               lax.broadcasted_iota(jnp.int32, (128, 128), 1)
               ).astype(jnp.float32)
        for u in range(blk):
            z = lax.dot_general(
                x_ref[0, u], eye, (((0,), (0,)), ((), ())),
                precision=lax.Precision.DEFAULT)
            o_ref[0, :, 2 * u] = z[:d].reshape(ntr, 8, 128)
            o_ref[0, :, 2 * u + 1] = z[d:].reshape(ntr, 8, 128)

    return pl.pallas_call(
        body,
        out_shape=jax.ShapeDtypeStruct((l, ntr, 2 * ntc2, 8, 128),
                                       jnp.float32),
        grid=(l, ntc2 // blk),
        in_specs=[pl.BlockSpec((1, blk, 128, d2),
                               lambda a, b: (a, b, 0, 0))],
        out_specs=pl.BlockSpec((1, ntr, 2 * blk, 8, 128),
                               lambda a, b: (a, 0, b, 0, 0)),
    )(blocked)


def kernel(input_ids, weight):
    b, l = input_ids.shape
    d = weight.shape[1]
    blocked = _gather_blocked(input_ids.T, weight)
    out5 = _retile(blocked)
    f3 = out5.transpose(0, 1, 3, 2, 4).reshape(l, d, b)
    return f3.transpose(2, 0, 1)

# --- scband reference (transcript-rebuilt; emitter-appended) ---
"""Pipeline reference for scband-parallel-embedding-30313879175866 (READ-ONLY COPY).

The authoritative reference and input builder live on the scoring server;
editing this copy changes nothing except your own understanding.
"""

import jax, jax.numpy as jnp
import numpy as np

VOCAB = 1000000
DIM = 64
B = 16384
L = 50
# tp_size = 1 -> vocab_start_idx = 0, vocab_end_idx = VOCAB
VOCAB_START = 0
VOCAB_END = VOCAB


def setup_inputs(seed: int = 0) -> dict:
    key = jax.random.key(seed)
    k1, k2 = jax.random.split(key)
    input_ids = jax.random.randint(k1, (B, L), 0, VOCAB, dtype=jnp.int32)
    # learned parameter: embedding table, init normal(0, 0.02) as in the module
    weight = jax.random.normal(k2, (VOCAB, DIM), dtype=jnp.float32) * 0.02
    return {"input_ids": input_ids, "weight": weight}


def reference(input_ids, weight):
    # Faithful translation of ParallelEmbedding.forward with tp_size=1
    mask = (input_ids >= VOCAB_START) & (input_ids < VOCAB_END)
    local_indices = jnp.where(mask, input_ids - VOCAB_START, jnp.zeros_like(input_ids))
    embeddings = jnp.take(weight, local_indices, axis=0)
    embeddings = embeddings * mask[..., None].astype(jnp.float32)
    return embeddings

if __name__ == "__main__":
    import jax
    _d = setup_inputs()
    print(jax.jit(kernel)(*tuple(_d.values())))

</pallas_src>

<mosaic_0001>
#map = affine_map<(d0, d1) -> (0, 0)>
#map1 = affine_map<(d0, d1) -> (0, 0, 0, 0)>
module attributes {stable_mosaic.version = 14 : i64} {
  func.func @kb(%arg0: i32, %arg1: i32, %arg2: memref<50x16384xi32, #tpu.memory_space<hbm>>, %arg3: memref<1000000x64xf32, #tpu.memory_space<hbm>>, %arg4: memref<50x64x128x128xf32, #tpu.memory_space<hbm>>, %arg5: memref<50x128xi32, #tpu.memory_space<vmem>>, %arg6: memref<128x64xf32, #tpu.memory_space<vmem>>, %arg7: memref<128x64xf32, #tpu.memory_space<vmem>>, %arg8: memref<!tpu.dma_semaphore, #tpu.memory_space<semaphore_mem>>, %arg9: memref<!tpu.dma_semaphore, #tpu.memory_space<semaphore_mem>>, %arg10: memref<!tpu.dma_semaphore, #tpu.memory_space<semaphore_mem>>, %arg11: memref<!tpu.dma_semaphore, #tpu.memory_space<semaphore_mem>>) attributes {dimension_semantics = [#tpu.dimension_semantics<core_parallel>, #tpu.dimension_semantics<subcore_parallel>], iteration_bounds = array<i64: 2, 16>, scalar_prefetch = 0 : i64, scratch_operands = 7 : i64, tpu.core_type = #tpu.core_type<sc_vector_subcore>, window_params = [{transform_indices = #map}, {transform_indices = #map}, {transform_indices = #map1}]} {
    %mul3A = arith.constant 2 : i32
    %mul3A_0 = arith.muli %arg1, %mul3A : i32
    %add3A = arith.addi %mul3A_0, %arg0 : i32
    %mul3A_1 = arith.constant 4 : i32
    %mul3A_2 = arith.muli %add3A, %mul3A_1 : i32
    %add3A_3 = arith.constant 0 : i32
    %add3A_4 = arith.addi %mul3A_2, %add3A_3 : i32
    %mul3A_5 = arith.constant 2 : i32
    %mul3A_6 = arith.muli %add3A, %mul3A_5 : i32
    %add3A_7 = arith.constant 0 : i32
    %add3A_8 = arith.addi %mul3A_6, %add3A_7 : i32
    %mul3A_9 = arith.constant 128 : i32
    %mul3A_10 = arith.muli %add3A_4, %mul3A_9 : i32
    "tpu.region"() ({
      %run_scoped3A = tpu.sem_alloc : memref<!tpu.dma_semaphore, #tpu.memory_space<semaphore_mem>>
      %dma_start3A_162 = arith.constant 0 : i32
      %dma_start3A_163 = tpu.memref_slice %arg2[%dma_start3A_162, %mul3A_10] : memref<50x16384xi32, #tpu.memory_space<hbm>> -> memref<50x128xi32, #tpu.memory_space<hbm>>
      %dma_start3A_164 = arith.constant 0 : i32
      %dma_start3A_165 = tpu.memref_slice %arg2[%dma_start3A_164, %mul3A_10] : memref<50x16384xi32, #tpu.memory_space<hbm>> -> memref<50x128xi32, #tpu.memory_space<hbm>>
      tpu.enqueue_dma source(%dma_start3A_165 : memref<50x128xi32, #tpu.memory_space<hbm>>) target(%arg5 : memref<50x128xi32, #tpu.memory_space<vmem>>) target_semaphore(%run_scoped3A : memref<!tpu.dma_semaphore, #tpu.memory_space<semaphore_mem>>)
      %dma_wait3A_166 = arith.constant 0 : i32
      %dma_wait3A_167 = tpu.memref_slice %arg2[%dma_wait3A_166, %mul3A_10] : memref<50x16384xi32, #tpu.memory_space<hbm>> -> memref<50x128xi32, #tpu.memory_space<hbm>>
      %dma_wait3A_168 = arith.constant 0 : i32
      %dma_wait3A_169 = tpu.memref_slice %arg2[%dma_wait3A_168, %mul3A_10] : memref<50x16384xi32, #tpu.memory_space<hbm>> -> memref<50x128xi32, #tpu.memory_space<hbm>>
      tpu.wait_dma2 semaphore(%run_scoped3A : memref<!tpu.dma_semaphore, #tpu.memory_space<semaphore_mem>>) src(%dma_wait3A_169 : memref<50x128xi32, #tpu.memory_space<hbm>>) dst(%arg5 : memref<50x128xi32, #tpu.memory_space<vmem>>)
      tpu.yield
    }) : () -> ()
    %dma_start3A = arith.constant 0 : i32
    %dma_start3A_11 = arith.constant 0 : i32
    %dma_start3A_12 = tpu.memref_slice %arg5[%dma_start3A, %dma_start3A_11] : memref<50x128xi32, #tpu.memory_space<vmem>> -> memref<1x128xi32, #tpu.memory_space<vmem>>
    %dma_start3A_13 = tpu.memref_squeeze %dma_start3A_12 : memref<1x128xi32, #tpu.memory_space<vmem>> -> memref<128xi32, #tpu.memory_space<vmem>>
    %dma_start3A_14 = arith.constant 0 : i32
    %dma_start3A_15 = arith.constant 0 : i32
    %dma_start3A_16 = tpu.memref_slice %arg3[%dma_start3A_14, %dma_start3A_15] : memref<1000000x64xf32, #tpu.memory_space<hbm>> -> memref<1000000x64xf32, #tpu.memory_space<hbm>>
    tpu.enqueue_indirect_dma source(%dma_start3A_16 : memref<1000000x64xf32, #tpu.memory_space<hbm>>) target(%arg6 : memref<128x64xf32, #tpu.memory_space<vmem>>) offsets(%dma_start3A_13 : memref<128xi32, #tpu.memory_space<vmem>>) semaphore(%arg8 : memref<!tpu.dma_semaphore, #tpu.memory_space<semaphore_mem>>)
    %scan3A = arith.constant 0 : i32
    %scan3A_17 = arith.constant 0 : i32
    %scan3A_18 = arith.constant 25 : i32
    %scan3A_19 = arith.addi %scan3A_17, %scan3A_18 : i32
    %scan3A_20 = arith.constant 1 : i32
    scf.for %scan3A_162 = %scan3A_17 to %scan3A_19 step %scan3A_20  : i32 {
      %mul3A_163 = arith.constant 2 : i32
      %mul3A_164 = arith.muli %mul3A_163, %scan3A_162 : i32
      %add3A_165 = arith.constant 0 : i32
      %add3A_166 = arith.addi %mul3A_164, %add3A_165 : i32
      %dma_wait3A_167 = arith.constant 0 : i32
      %dma_wait3A_168 = tpu.memref_slice %arg5[%add3A_166, %dma_wait3A_167] : memref<50x128xi32, #tpu.memory_space<vmem>> -> memref<1x128xi32, #tpu.memory_space<vmem>>
      %dma_wait3A_169 = tpu.memref_squeeze %dma_wait3A_168 : memref<1x128xi32, #tpu.memory_space<vmem>> -> memref<128xi32, #tpu.memory_space<vmem>>
      %dma_wait3A_170 = arith.constant 0 : i32
      %dma_wait3A_171 = arith.constant 0 : i32
      %dma_wait3A_172 = tpu.memref_slice %arg3[%dma_wait3A_170, %dma_wait3A_171] : memref<1000000x64xf32, #tpu.memory_space<hbm>> -> memref<1000000x64xf32, #tpu.memory_space<hbm>>
      tpu.wait_indirect_dma semaphore(%arg8 : memref<!tpu.dma_semaphore, #tpu.memory_space<semaphore_mem>>) src(%dma_wait3A_172 : memref<1000000x64xf32, #tpu.memory_space<hbm>>) dst(%arg6 : memref<128x64xf32, #tpu.memory_space<vmem>>)
      %add3A_173 = arith.constant 1 : i32
      %add3A_174 = arith.addi %add3A_166, %add3A_173 : i32
      %lt3A = arith.constant 50 : i32
      %lt3A_175 = arith.cmpi slt, %add3A_174, %lt3A : i32
      %convert_element_type3A = arith.extui %lt3A_175 : i1 to i32
      %cond3A = arith.constant 0 : i32
      %cond3A_176 = arith.cmpi ne, %convert_element_type3A, %cond3A : i32
      scf.if %cond3A_176 {
        %ge3A = arith.constant 1 : i32
        %ge3A_210 = arith.cmpi sge, %add3A_166, %ge3A : i32
        %convert_element_type3A_211 = arith.extui %ge3A_210 : i1 to i32
        %cond3A_212 = arith.constant 0 : i32
        %cond3A_213 = arith.cmpi ne, %convert_element_type3A_211, %cond3A_212 : i32
        scf.if %cond3A_213 {
          %dma_wait3A_222 = arith.constant 0 : i32
          %dma_wait3A_223 = arith.constant 0 : i32
          %dma_wait3A_224 = tpu.memref_slice %arg4[%add3A_166, %add3A_8, %dma_wait3A_222, %dma_wait3A_223] : memref<50x64x128x128xf32, #tpu.memory_space<hbm>> -> memref<1x1x128x64xf32, #tpu.memory_space<hbm>>
          %dma_wait3A_225 = tpu.memref_squeeze %dma_wait3A_224 : memref<1x1x128x64xf32, #tpu.memory_space<hbm>> -> memref<128x64xf32, #tpu.memory_space<hbm>>
          %dma_wait3A_226 = arith.constant 0 : i32
          %dma_wait3A_227 = arith.constant 0 : i32
          %dma_wait3A_228 = tpu.memref_slice %arg4[%add3A_166, %add3A_8, %dma_wait3A_226, %dma_wait3A_227] : memref<50x64x128x128xf32, #tpu.memory_space<hbm>> -> memref<1x1x128x64xf32, #tpu.memory_space<hbm>>
          %dma_wait3A_229 = tpu.memref_squeeze %dma_wait3A_228 : memref<1x1x128x64xf32, #tpu.memory_space<hbm>> -> memref<128x64xf32, #tpu.memory_space<hbm>>
          tpu.wait_dma2 semaphore(%arg11 : memref<!tpu.dma_semaphore, #tpu.memory_space<semaphore_mem>>) src(%arg7 : memref<128x64xf32, #tpu.memory_space<vmem>>) dst(%dma_wait3A_229 : memref<128x64xf32, #tpu.memory_space<hbm>>)
        } else {
        }
        %add3A_214 = arith.constant 1 : i32
        %add3A_215 = arith.addi %add3A_166, %add3A_214 : i32
        %dma_start3A_216 = arith.constant 0 : i32
        %dma_start3A_217 = tpu.memref_slice %arg5[%add3A_215, %dma_start3A_216] : memref<50x128xi32, #tpu.memory_space<vmem>> -> memref<1x128xi32, #tpu.memory_space<vmem>>
        %dma_start3A_218 = tpu.memref_squeeze %dma_start3A_217 : memref<1x128xi32, #tpu.memory_space<vmem>> -> memref<128xi32, #tpu.memory_space<vmem>>
        %dma_start3A_219 = arith.constant 0 : i32
        %dma_start3A_220 = arith.constant 0 : i32
        %dma_start3A_221 = tpu.memref_slice %arg3[%dma_start3A_219, %dma_start3A_220] : memref<1000000x64xf32, #tpu.memory_space<hbm>> -> memref<1000000x64xf32, #tpu.memory_space<hbm>>
        tpu.enqueue_indirect_dma source(%dma_start3A_221 : memref<1000000x64xf32, #tpu.memory_space<hbm>>) target(%arg7 : memref<128x64xf32, #tpu.memory_space<vmem>>) offsets(%dma_start3A_218 : memref<128xi32, #tpu.memory_space<vmem>>) semaphore(%arg9 : memref<!tpu.dma_semaphore, #tpu.memory_space<semaphore_mem>>)
      } else {
      }
      %dma_start3A_177 = arith.constant 0 : i32
      %dma_start3A_178 = arith.constant 0 : i32
      %dma_start3A_179 = tpu.memref_slice %arg4[%add3A_166, %add3A_8, %dma_start3A_177, %dma_start3A_178] : memref<50x64x128x128xf32, #tpu.memory_space<hbm>> -> memref<1x1x128x64xf32, #tpu.memory_space<hbm>>
      %dma_start3A_180 = tpu.memref_squeeze %dma_start3A_179 : memref<1x1x128x64xf32, #tpu.memory_space<hbm>> -> memref<128x64xf32, #tpu.memory_space<hbm>>
      %dma_start3A_181 = arith.constant 0 : i32
      %dma_start3A_182 = arith.constant 0 : i32
      %dma_start3A_183 = tpu.memref_slice %arg4[%add3A_166, %add3A_8, %dma_start3A_181, %dma_start3A_182] : memref<50x64x128x128xf32, #tpu.memory_space<hbm>> -> memref<1x1x128x64xf32, #tpu.memory_space<hbm>>
      %dma_start3A_184 = tpu.memref_squeeze %dma_start3A_183 : memref<1x1x128x64xf32, #tpu.memory_space<hbm>> -> memref<128x64xf32, #tpu.memory_space<hbm>>
      tpu.enqueue_dma source(%arg6 : memref<128x64xf32, #tpu.memory_space<vmem>>) target(%dma_start3A_184 : memref<128x64xf32, #tpu.memory_space<hbm>>) target_semaphore(%arg10 : memref<!tpu.dma_semaphore, #tpu.memory_space<semaphore_mem>>)
      %mul3A_185 = arith.constant 2 : i32
      %mul3A_186 = arith.muli %mul3A_185, %scan3A_162 : i32
      %add3A_187 = arith.constant 1 : i32
      %add3A_188 = arith.addi %mul3A_186, %add3A_187 : i32
      %dma_wait3A_189 = arith.constant 0 : i32
      %dma_wait3A_190 = tpu.memref_slice %arg5[%add3A_188, %dma_wait3A_189] : memref<50x128xi32, #tpu.memory_space<vmem>> -> memref<1x128xi32, #tpu.memory_space<vmem>>
      %dma_wait3A_191 = tpu.memref_squeeze %dma_wait3A_190 : memref<1x128xi32, #tpu.memory_space<vmem>> -> memref<128xi32, #tpu.memory_space<vmem>>
      %dma_wait3A_192 = arith.constant 0 : i32
      %dma_wait3A_193 = arith.constant 0 : i32
      %dma_wait3A_194 = tpu.memref_slice %arg3[%dma_wait3A_192, %dma_wait3A_193] : memref<1000000x64xf32, #tpu.memory_space<hbm>> -> memref<1000000x64xf32, #tpu.memory_space<hbm>>
      tpu.wait_indirect_dma semaphore(%arg9 : memref<!tpu.dma_semaphore, #tpu.memory_space<semaphore_mem>>) src(%dma_wait3A_194 : memref<1000000x64xf32, #tpu.memory_space<hbm>>) dst(%arg7 : memref<128x64xf32, #tpu.memory_space<vmem>>)
      %add3A_195 = arith.constant 1 : i32
      %add3A_196 = arith.addi %add3A_188, %add3A_195 : i32
      %lt3A_197 = arith.constant 50 : i32
      %lt3A_198 = arith.cmpi slt, %add3A_196, %lt3A_197 : i32
      %convert_element_type3A_199 = arith.extui %lt3A_198 : i1 to i32
      %cond3A_200 = arith.constant 0 : i32
      %cond3A_201 = arith.cmpi ne, %convert_element_type3A_199, %cond3A_200 : i32
      scf.if %cond3A_201 {
        %ge3A = arith.constant 1 : i32
        %ge3A_210 = arith.cmpi sge, %add3A_188, %ge3A : i32
        %convert_element_type3A_211 = arith.extui %ge3A_210 : i1 to i32
        %cond3A_212 = arith.constant 0 : i32
        %cond3A_213 = arith.cmpi ne, %convert_element_type3A_211, %cond3A_212 : i32
        scf.if %cond3A_213 {
          %dma_wait3A_222 = arith.constant 0 : i32
          %dma_wait3A_223 = arith.constant 0 : i32
          %dma_wait3A_224 = tpu.memref_slice %arg4[%add3A_188, %add3A_8, %dma_wait3A_222, %dma_wait3A_223] : memref<50x64x128x128xf32, #tpu.memory_space<hbm>> -> memref<1x1x128x64xf32, #tpu.memory_space<hbm>>
          %dma_wait3A_225 = tpu.memref_squeeze %dma_wait3A_224 : memref<1x1x128x64xf32, #tpu.memory_space<hbm>> -> memref<128x64xf32, #tpu.memory_space<hbm>>
          %dma_wait3A_226 = arith.constant 0 : i32
          %dma_wait3A_227 = arith.constant 0 : i32
          %dma_wait3A_228 = tpu.memref_slice %arg4[%add3A_188, %add3A_8, %dma_wait3A_226, %dma_wait3A_227] : memref<50x64x128x128xf32, #tpu.memory_space<hbm>> -> memref<1x1x128x64xf32, #tpu.memory_space<hbm>>
          %dma_wait3A_229 = tpu.memref_squeeze %dma_wait3A_228 : memref<1x1x128x64xf32, #tpu.memory_space<hbm>> -> memref<128x64xf32, #tpu.memory_space<hbm>>
          tpu.wait_dma2 semaphore(%arg10 : memref<!tpu.dma_semaphore, #tpu.memory_space<semaphore_mem>>) src(%arg6 : memref<128x64xf32, #tpu.memory_space<vmem>>) dst(%dma_wait3A_229 : memref<128x64xf32, #tpu.memory_space<hbm>>)
        } else {
        }
        %add3A_214 = arith.constant 1 : i32
        %add3A_215 = arith.addi %add3A_188, %add3A_214 : i32
        %dma_start3A_216 = arith.constant 0 : i32
        %dma_start3A_217 = tpu.memref_slice %arg5[%add3A_215, %dma_start3A_216] : memref<50x128xi32, #tpu.memory_space<vmem>> -> memref<1x128xi32, #tpu.memory_space<vmem>>
        %dma_start3A_218 = tpu.memref_squeeze %dma_start3A_217 : memref<1x128xi32, #tpu.memory_space<vmem>> -> memref<128xi32, #tpu.memory_space<vmem>>
        %dma_start3A_219 = arith.constant 0 : i32
        %dma_start3A_220 = arith.constant 0 : i32
        %dma_start3A_221 = tpu.memref_slice %arg3[%dma_start3A_219, %dma_start3A_220] : memref<1000000x64xf32, #tpu.memory_space<hbm>> -> memref<1000000x64xf32, #tpu.memory_space<hbm>>
        tpu.enqueue_indirect_dma source(%dma_start3A_221 : memref<1000000x64xf32, #tpu.memory_space<hbm>>) target(%arg6 : memref<128x64xf32, #tpu.memory_space<vmem>>) offsets(%dma_start3A_218 : memref<128xi32, #tpu.memory_space<vmem>>) semaphore(%arg8 : memref<!tpu.dma_semaphore, #tpu.memory_space<semaphore_mem>>)
      } else {
      }
      %dma_start3A_202 = arith.constant 0 : i32
      %dma_start3A_203 = arith.constant 0 : i32
      %dma_start3A_204 = tpu.memref_slice %arg4[%add3A_188, %add3A_8, %dma_start3A_202, %dma_start3A_203] : memref<50x64x128x128xf32, #tpu.memory_space<hbm>> -> memref<1x1x128x64xf32, #tpu.memory_space<hbm>>
      %dma_start3A_205 = tpu.memref_squeeze %dma_start3A_204 : memref<1x1x128x64xf32, #tpu.memory_space<hbm>> -> memref<128x64xf32, #tpu.memory_space<hbm>>
      %dma_start3A_206 = arith.constant 0 : i32
      %dma_start3A_207 = arith.constant 0 : i32
      %dma_start3A_208 = tpu.memref_slice %arg4[%add3A_188, %add3A_8, %dma_start3A_206, %dma_start3A_207] : memref<50x64x128x128xf32, #tpu.memory_space<hbm>> -> memref<1x1x128x64xf32, #tpu.memory_space<hbm>>
      %dma_start3A_209 = tpu.memref_squeeze %dma_start3A_208 : memref<1x1x128x64xf32, #tpu.memory_space<hbm>> -> memref<128x64xf32, #tpu.memory_space<hbm>>
      tpu.enqueue_dma source(%arg7 : memref<128x64xf32, #tpu.memory_space<vmem>>) target(%dma_start3A_209 : memref<128x64xf32, #tpu.memory_space<hbm>>) target_semaphore(%arg11 : memref<!tpu.dma_semaphore, #tpu.memory_space<semaphore_mem>>)
    }
    %scan3A_21 = arith.constant 25 : i32
    %dma_wait3A = arith.constant 0 : i32
    %dma_wait3A_22 = arith.constant 0 : i32
    %dma_wait3A_23 = arith.constant 0 : i32
    %dma_wait3A_24 = tpu.memref_slice %arg4[%dma_wait3A, %add3A_8, %dma_wait3A_22, %dma_wait3A_23] : memref<50x64x128x128xf32, #tpu.memory_space<hbm>> -> memref<1x1x128x64xf32, #tpu.memory_space<hbm>>
    %dma_wait3A_25 = tpu.memref_squeeze %dma_wait3A_24 : memref<1x1x128x64xf32, #tpu.memory_space<hbm>> -> memref<128x64xf32, #tpu.memory_space<hbm>>
    %dma_wait3A_26 = arith.constant 0 : i32
    %dma_wait3A_27 = arith.constant 0 : i32
    %dma_wait3A_28 = tpu.memref_slice %arg4[%dma_wait3A, %add3A_8, %dma_wait3A_26, %dma_wait3A_27] : memref<50x64x128x128xf32, #tpu.memory_space<hbm>> -> memref<1x1x128x64xf32, #tpu.memory_space<hbm>>
    %dma_wait3A_29 = tpu.memref_squeeze %dma_wait3A_28 : memref<1x1x128x64xf32, #tpu.memory_space<hbm>> -> memref<128x64xf32, #tpu.memory_space<hbm>>
    tpu.wait_dma2 semaphore(%arg10 : memref<!tpu.dma_semaphore, #tpu.memory_space<semaphore_mem>>) src(%arg6 : memref<128x64xf32, #tpu.memory_space<vmem>>) dst(%dma_wait3A_29 : memref<128x64xf32, #tpu.memory_space<hbm>>)
    %dma_wait3A_30 = arith.constant 0 : i32
    %dma_wait3A_31 = arith.constant 0 : i32
    %dma_wait3A_32 = arith.constant 0 : i32
    %dma_wait3A_33 = tpu.memref_slice %arg4[%dma_wait3A_30, %add3A_8, %dma_wait3A_31, %dma_wait3A_32] : memref<50x64x128x128xf32, #tpu.memory_space<hbm>> -> memref<1x1x128x64xf32, #tpu.memory_space<hbm>>
    %dma_wait3A_34 = tpu.memref_squeeze %dma_wait3A_33 : memref<1x1x128x64xf32, #tpu.memory_space<hbm>> -> memref<128x64xf32, #tpu.memory_space<hbm>>
    %dma_wait3A_35 = arith.constant 0 : i32
    %dma_wait3A_36 = arith.constant 0 : i32
    %dma_wait3A_37 = tpu.memref_slice %arg4[%dma_wait3A_30, %add3A_8, %dma_wait3A_35, %dma_wait3A_36] : memref<50x64x128x128xf32, #tpu.memory_space<hbm>> -> memref<1x1x128x64xf32, #tpu.memory_space<hbm>>
    %dma_wait3A_38 = tpu.memref_squeeze %dma_wait3A_37 : memref<1x1x128x64xf32, #tpu.memory_space<hbm>> -> memref<128x64xf32, #tpu.memory_space<hbm>>
    tpu.wait_dma2 semaphore(%arg11 : memref<!tpu.dma_semaphore, #tpu.memory_space<semaphore_mem>>) src(%arg7 : memref<128x64xf32, #tpu.memory_space<vmem>>) dst(%dma_wait3A_38 : memref<128x64xf32, #tpu.memory_space<hbm>>)
    %mul3A_39 = arith.constant 4 : i32
    %mul3A_40 = arith.muli %add3A, %mul3A_39 : i32
    %add3A_41 = arith.constant 1 : i32
    %add3A_42 = arith.addi %mul3A_40, %add3A_41 : i32
    %mul3A_43 = arith.constant 2 : i32
    %mul3A_44 = arith.muli %add3A, %mul3A_43 : i32
    %add3A_45 = arith.constant 0 : i32
    %add3A_46 = arith.addi %mul3A_44, %add3A_45 : i32
    %mul3A_47 = arith.constant 128 : i32
    %mul3A_48 = arith.muli %add3A_42, %mul3A_47 : i32
    "tpu.region"() ({
      %run_scoped3A = tpu.sem_alloc : memref<!tpu.dma_semaphore, #tpu.memory_space<semaphore_mem>>
      %dma_start3A_162 = arith.constant 0 : i32
      %dma_start3A_163 = tpu.memref_slice %arg2[%dma_start3A_162, %mul3A_48] : memref<50x16384xi32, #tpu.memory_space<hbm>> -> memref<50x128xi32, #tpu.memory_space<hbm>>
      %dma_start3A_164 = arith.constant 0 : i32
      %dma_start3A_165 = tpu.memref_slice %arg2[%dma_start3A_164, %mul3A_48] : memref<50x16384xi32, #tpu.memory_space<hbm>> -> memref<50x128xi32, #tpu.memory_space<hbm>>
      tpu.enqueue_dma source(%dma_start3A_165 : memref<50x128xi32, #tpu.memory_space<hbm>>) target(%arg5 : memref<50x128xi32, #tpu.memory_space<vmem>>) target_semaphore(%run_scoped3A : memref<!tpu.dma_semaphore, #tpu.memory_space<semaphore_mem>>)
      %dma_wait3A_166 = arith.constant 0 : i32
      %dma_wait3A_167 = tpu.memref_slice %arg2[%dma_wait3A_166, %mul3A_48] : memref<50x16384xi32, #tpu.memory_space<hbm>> -> memref<50x128xi32, #tpu.memory_space<hbm>>
      %dma_wait3A_168 = arith.constant 0 : i32
      %dma_wait3A_169 = tpu.memref_slice %arg2[%dma_wait3A_168, %mul3A_48] : memref<50x16384xi32, #tpu.memory_space<hbm>> -> memref<50x128xi32, #tpu.memory_space<hbm>>
      tpu.wait_dma2 semaphore(%run_scoped3A : memref<!tpu.dma_semaphore, #tpu.memory_space<semaphore_mem>>) src(%dma_wait3A_169 : memref<50x128xi32, #tpu.memory_space<hbm>>) dst(%arg5 : memref<50x128xi32, #tpu.memory_space<vmem>>)
      tpu.yield
    }) : () -> ()
    %dma_start3A_49 = arith.constant 0 : i32
    %dma_start3A_50 = arith.constant 0 : i32
    %dma_start3A_51 = tpu.memref_slice %arg5[%dma_start3A_49, %dma_start3A_50] : memref<50x128xi32, #tpu.memory_space<vmem>> -> memref<1x128xi32, #tpu.memory_space<vmem>>
    %dma_start3A_52 = tpu.memref_squeeze %dma_start3A_51 : memref<1x128xi32, #tpu.memory_space<vmem>> -> memref<128xi32, #tpu.memory_space<vmem>>
    %dma_start3A_53 = arith.constant 0 : i32
    %dma_start3A_54 = arith.constant 0 : i32
    %dma_start3A_55 = tpu.memref_slice %arg3[%dma_start3A_53, %dma_start3A_54] : memref<1000000x64xf32, #tpu.memory_space<hbm>> -> memref<1000000x64xf32, #tpu.memory_space<hbm>>
    tpu.enqueue_indirect_dma source(%dma_start3A_55 : memref<1000000x64xf32, #tpu.memory_space<hbm>>) target(%arg6 : memref<128x64xf32, #tpu.memory_space<vmem>>) offsets(%dma_start3A_52 : memref<128xi32, #tpu.memory_space<vmem>>) semaphore(%arg8 : memref<!tpu.dma_semaphore, #tpu.memory_space<semaphore_mem>>)
    %scan3A_56 = arith.constant 0 : i32
    %scan3A_57 = arith.constant 0 : i32
    %scan3A_58 = arith.constant 25 : i32
    %scan3A_59 = arith.addi %scan3A_57, %scan3A_58 : i32
    %scan3A_60 = arith.constant 1 : i32
    scf.for %scan3A_162 = %scan3A_57 to %scan3A_59 step %scan3A_60  : i32 {
      %mul3A_163 = arith.constant 2 : i32
      %mul3A_164 = arith.muli %mul3A_163, %scan3A_162 : i32
      %add3A_165 = arith.constant 0 : i32
      %add3A_166 = arith.addi %mul3A_164, %add3A_165 : i32
      %dma_wait3A_167 = arith.constant 0 : i32
      %dma_wait3A_168 = tpu.memref_slice %arg5[%add3A_166, %dma_wait3A_167] : memref<50x128xi32, #tpu.memory_space<vmem>> -> memref<1x128xi32, #tpu.memory_space<vmem>>
      %dma_wait3A_169 = tpu.memref_squeeze %dma_wait3A_168 : memref<1x128xi32, #tpu.memory_space<vmem>> -> memref<128xi32, #tpu.memory_space<vmem>>
      %dma_wait3A_170 = arith.constant 0 : i32
      %dma_wait3A_171 = arith.constant 0 : i32
      %dma_wait3A_172 = tpu.memref_slice %arg3[%dma_wait3A_170, %dma_wait3A_171] : memref<1000000x64xf32, #tpu.memory_space<hbm>> -> memref<1000000x64xf32, #tpu.memory_space<hbm>>
      tpu.wait_indirect_dma semaphore(%arg8 : memref<!tpu.dma_semaphore, #tpu.memory_space<semaphore_mem>>) src(%dma_wait3A_172 : memref<1000000x64xf32, #tpu.memory_space<hbm>>) dst(%arg6 : memref<128x64xf32, #tpu.memory_space<vmem>>)
      %add3A_173 = arith.constant 1 : i32
      %add3A_174 = arith.addi %add3A_166, %add3A_173 : i32
      %lt3A = arith.constant 50 : i32
      %lt3A_175 = arith.cmpi slt, %add3A_174, %lt3A : i32
      %convert_element_type3A = arith.extui %lt3A_175 : i1 to i32
      %cond3A = arith.constant 0 : i32
      %cond3A_176 = arith.cmpi ne, %convert_element_type3A, %cond3A : i32
      scf.if %cond3A_176 {
        %ge3A = arith.constant 1 : i32
        %ge3A_210 = arith.cmpi sge, %add3A_166, %ge3A : i32
        %convert_element_type3A_211 = arith.extui %ge3A_210 : i1 to i32
        %cond3A_212 = arith.constant 0 : i32
        %cond3A_213 = arith.cmpi ne, %convert_element_type3A_211, %cond3A_212 : i32
        scf.if %cond3A_213 {
          %dma_wait3A_222 = arith.constant 0 : i32
          %dma_wait3A_223 = arith.constant 64 : i32
          %dma_wait3A_224 = tpu.memref_slice %arg4[%add3A_166, %add3A_46, %dma_wait3A_222, %dma_wait3A_223] : memref<50x64x128x128xf32, #tpu.memory_space<hbm>> -> memref<1x1x128x64xf32, #tpu.memory_space<hbm>>
          %dma_wait3A_225 = tpu.memref_squeeze %dma_wait3A_224 : memref<1x1x128x64xf32, #tpu.memory_space<hbm>> -> memref<128x64xf32, #tpu.memory_space<hbm>>
          %dma_wait3A_226 = arith.constant 0 : i32
          %dma_wait3A_227 = arith.constant 64 : i32
          %dma_wait3A_228 = tpu.memref_slice %arg4[%add3A_166, %add3A_46, %dma_wait3A_226, %dma_wait3A_227] : memref<50x64x128x128xf32, #tpu.memory_space<hbm>> -> memref<1x1x128x64xf32, #tpu.memory_space<hbm>>
          %dma_wait3A_229 = tpu.memref_squeeze %dma_wait3A_228 : memref<1x1x128x64xf32, #tpu.memory_space<hbm>> -> memref<128x64xf32, #tpu.memory_space<hbm>>
          tpu.wait_dma2 semaphore(%arg11 : memref<!tpu.dma_semaphore, #tpu.memory_space<semaphore_mem>>) src(%arg7 : memref<128x64xf32, #tpu.memory_space<vmem>>) dst(%dma_wait3A_229 : memref<128x64xf32, #tpu.memory_space<hbm>>)
        } else {
        }
        %add3A_214 = arith.constant 1 : i32
        %add3A_215 = arith.addi %add3A_166, %add3A_214 : i32
        %dma_start3A_216 = arith.constant 0 : i32
        %dma_start3A_217 = tpu.memref_slice %arg5[%add3A_215, %dma_start3A_216] : memref<50x128xi32, #tpu.memory_space<vmem>> -> memref<1x128xi32, #tpu.memory_space<vmem>>
        %dma_start3A_218 = tpu.memref_squeeze %dma_start3A_217 : memref<1x128xi32, #tpu.memory_space<vmem>> -> memref<128xi32, #tpu.memory_space<vmem>>
        %dma_start3A_219 = arith.constant 0 : i32
        %dma_start3A_220 = arith.constant 0 : i32
        %dma_start3A_221 = tpu.memref_slice %arg3[%dma_start3A_219, %dma_start3A_220] : memref<1000000x64xf32, #tpu.memory_space<hbm>> -> memref<1000000x64xf32, #tpu.memory_space<hbm>>
        tpu.enqueue_indirect_dma source(%dma_start3A_221 : memref<1000000x64xf32, #tpu.memory_space<hbm>>) target(%arg7 : memref<128x64xf32, #tpu.memory_space<vmem>>) offsets(%dma_start3A_218 : memref<128xi32, #tpu.memory_space<vmem>>) semaphore(%arg9 : memref<!tpu.dma_semaphore, #tpu.memory_space<semaphore_mem>>)
      } else {
      }
      %dma_start3A_177 = arith.constant 0 : i32
      %dma_start3A_178 = arith.constant 64 : i32
      %dma_start3A_179 = tpu.memref_slice %arg4[%add3A_166, %add3A_46, %dma_start3A_177, %dma_start3A_178] : memref<50x64x128x128xf32, #tpu.memory_space<hbm>> -> memref<1x1x128x64xf32, #tpu.memory_space<hbm>>
      %dma_start3A_180 = tpu.memref_squeeze %dma_start3A_179 : memref<1x1x128x64xf32, #tpu.memory_space<hbm>> -> memref<128x64xf32, #tpu.memory_space<hbm>>
      %dma_start3A_181 = arith.constant 0 : i32
      %dma_start3A_182 = arith.constant 64 : i32
      %dma_start3A_183 = tpu.memref_slice %arg4[%add3A_166, %add3A_46, %dma_start3A_181, %dma_start3A_182] : memref<50x64x128x128xf32, #tpu.memory_space<hbm>> -> memref<1x1x128x64xf32, #tpu.memory_space<hbm>>
      %dma_start3A_184 = tpu.memref_squeeze %dma_start3A_183 : memref<1x1x128x64xf32, #tpu.memory_space<hbm>> -> memref<128x64xf32, #tpu.memory_space<hbm>>
      tpu.enqueue_dma source(%arg6 : memref<128x64xf32, #tpu.memory_space<vmem>>) target(%dma_start3A_184 : memref<128x64xf32, #tpu.memory_space<hbm>>) target_semaphore(%arg10 : memref<!tpu.dma_semaphore, #tpu.memory_space<semaphore_mem>>)
      %mul3A_185 = arith.constant 2 : i32
      %mul3A_186 = arith.muli %mul3A_185, %scan3A_162 : i32
      %add3A_187 = arith.constant 1 : i32
      %add3A_188 = arith.addi %mul3A_186, %add3A_187 : i32
      %dma_wait3A_189 = arith.constant 0 : i32
      %dma_wait3A_190 = tpu.memref_slice %arg5[%add3A_188, %dma_wait3A_189] : memref<50x128xi32, #tpu.memory_space<vmem>> -> memref<1x128xi32, #tpu.memory_space<vmem>>
      %dma_wait3A_191 = tpu.memref_squeeze %dma_wait3A_190 : memref<1x128xi32, #tpu.memory_space<vmem>> -> memref<128xi32, #tpu.memory_space<vmem>>
      %dma_wait3A_192 = arith.constant 0 : i32
      %dma_wait3A_193 = arith.constant 0 : i32
      %dma_wait3A_194 = tpu.memref_slice %arg3[%dma_wait3A_192, %dma_wait3A_193] : memref<1000000x64xf32, #tpu.memory_space<hbm>> -> memref<1000000x64xf32, #tpu.memory_space<hbm>>
      tpu.wait_indirect_dma semaphore(%arg9 : memref<!tpu.dma_semaphore, #tpu.memory_space<semaphore_mem>>) src(%dma_wait3A_194 : memref<1000000x64xf32, #tpu.memory_space<hbm>>) dst(%arg7 : memref<128x64xf32, #tpu.memory_space<vmem>>)
      %add3A_195 = arith.constant 1 : i32
      %add3A_196 = arith.addi %add3A_188, %add3A_195 : i32
      %lt3A_197 = arith.constant 50 : i32
      %lt3A_198 = arith.cmpi slt, %add3A_196, %lt3A_197 : i32
      %convert_element_type3A_199 = arith.extui %lt3A_198 : i1 to i32
      %cond3A_200 = arith.constant 0 : i32
      %cond3A_201 = arith.cmpi ne, %convert_element_type3A_199, %cond3A_200 : i32
      scf.if %cond3A_201 {
        %ge3A = arith.constant 1 : i32
        %ge3A_210 = arith.cmpi sge, %add3A_188, %ge3A : i32
        %convert_element_type3A_211 = arith.extui %ge3A_210 : i1 to i32
        %cond3A_212 = arith.constant 0 : i32
        %cond3A_213 = arith.cmpi ne, %convert_element_type3A_211, %cond3A_212 : i32
        scf.if %cond3A_213 {
          %dma_wait3A_222 = arith.constant 0 : i32
          %dma_wait3A_223 = arith.constant 64 : i32
          %dma_wait3A_224 = tpu.memref_slice %arg4[%add3A_188, %add3A_46, %dma_wait3A_222, %dma_wait3A_223] : memref<50x64x128x128xf32, #tpu.memory_space<hbm>> -> memref<1x1x128x64xf32, #tpu.memory_space<hbm>>
          %dma_wait3A_225 = tpu.memref_squeeze %dma_wait3A_224 : memref<1x1x128x64xf32, #tpu.memory_space<hbm>> -> memref<128x64xf32, #tpu.memory_space<hbm>>
          %dma_wait3A_226 = arith.constant 0 : i32
          %dma_wait3A_227 = arith.constant 64 : i32
          %dma_wait3A_228 = tpu.memref_slice %arg4[%add3A_188, %add3A_46, %dma_wait3A_226, %dma_wait3A_227] : memref<50x64x128x128xf32, #tpu.memory_space<hbm>> -> memref<1x1x128x64xf32, #tpu.memory_space<hbm>>
          %dma_wait3A_229 = tpu.memref_squeeze %dma_wait3A_228 : memref<1x1x128x64xf32, #tpu.memory_space<hbm>> -> memref<128x64xf32, #tpu.memory_space<hbm>>
          tpu.wait_dma2 semaphore(%arg10 : memref<!tpu.dma_semaphore, #tpu.memory_space<semaphore_mem>>) src(%arg6 : memref<128x64xf32, #tpu.memory_space<vmem>>) dst(%dma_wait3A_229 : memref<128x64xf32, #tpu.memory_space<hbm>>)
        } else {
        }
        %add3A_214 = arith.constant 1 : i32
        %add3A_215 = arith.addi %add3A_188, %add3A_214 : i32
        %dma_start3A_216 = arith.constant 0 : i32
        %dma_start3A_217 = tpu.memref_slice %arg5[%add3A_215, %dma_start3A_216] : memref<50x128xi32, #tpu.memory_space<vmem>> -> memref<1x128xi32, #tpu.memory_space<vmem>>
        %dma_start3A_218 = tpu.memref_squeeze %dma_start3A_217 : memref<1x128xi32, #tpu.memory_space<vmem>> -> memref<128xi32, #tpu.memory_space<vmem>>
        %dma_start3A_219 = arith.constant 0 : i32
        %dma_start3A_220 = arith.constant 0 : i32
        %dma_start3A_221 = tpu.memref_slice %arg3[%dma_start3A_219, %dma_start3A_220] : memref<1000000x64xf32, #tpu.memory_space<hbm>> -> memref<1000000x64xf32, #tpu.memory_space<hbm>>
        tpu.enqueue_indirect_dma source(%dma_start3A_221 : memref<1000000x64xf32, #tpu.memory_space<hbm>>) target(%arg6 : memref<128x64xf32, #tpu.memory_space<vmem>>) offsets(%dma_start3A_218 : memref<128xi32, #tpu.memory_space<vmem>>) semaphore(%arg8 : memref<!tpu.dma_semaphore, #tpu.memory_space<semaphore_mem>>)
      } else {
      }
      %dma_start3A_202 = arith.constant 0 : i32
      %dma_start3A_203 = arith.constant 64 : i32
      %dma_start3A_204 = tpu.memref_slice %arg4[%add3A_188, %add3A_46, %dma_start3A_202, %dma_start3A_203] : memref<50x64x128x128xf32, #tpu.memory_space<hbm>> -> memref<1x1x128x64xf32, #tpu.memory_space<hbm>>
      %dma_start3A_205 = tpu.memref_squeeze %dma_start3A_204 : memref<1x1x128x64xf32, #tpu.memory_space<hbm>> -> memref<128x64xf32, #tpu.memory_space<hbm>>
      %dma_start3A_206 = arith.constant 0 : i32
      %dma_start3A_207 = arith.constant 64 : i32
      %dma_start3A_208 = tpu.memref_slice %arg4[%add3A_188, %add3A_46, %dma_start3A_206, %dma_start3A_207] : memref<50x64x128x128xf32, #tpu.memory_space<hbm>> -> memref<1x1x128x64xf32, #tpu.memory_space<hbm>>
      %dma_start3A_209 = tpu.memref_squeeze %dma_start3A_208 : memref<1x1x128x64xf32, #tpu.memory_space<hbm>> -> memref<128x64xf32, #tpu.memory_space<hbm>>
      tpu.enqueue_dma source(%arg7 : memref<128x64xf32, #tpu.memory_space<vmem>>) target(%dma_start3A_209 : memref<128x64xf32, #tpu.memory_space<hbm>>) target_semaphore(%arg11 : memref<!tpu.dma_semaphore, #tpu.memory_space<semaphore_mem>>)
    }
    %scan3A_61 = arith.constant 25 : i32
    %dma_wait3A_62 = arith.constant 0 : i32
    %dma_wait3A_63 = arith.constant 0 : i32
    %dma_wait3A_64 = arith.constant 64 : i32
    %dma_wait3A_65 = tpu.memref_slice %arg4[%dma_wait3A_62, %add3A_46, %dma_wait3A_63, %dma_wait3A_64] : memref<50x64x128x128xf32, #tpu.memory_space<hbm>> -> memref<1x1x128x64xf32, #tpu.memory_space<hbm>>
    %dma_wait3A_66 = tpu.memref_squeeze %dma_wait3A_65 : memref<1x1x128x64xf32, #tpu.memory_space<hbm>> -> memref<128x64xf32, #tpu.memory_space<hbm>>
    %dma_wait3A_67 = arith.constant 0 : i32
    %dma_wait3A_68 = arith.constant 64 : i32
    %dma_wait3A_69 = tpu.memref_slice %arg4[%dma_wait3A_62, %add3A_46, %dma_wait3A_67, %dma_wait3A_68] : memref<50x64x128x128xf32, #tpu.memory_space<hbm>> -> memref<1x1x128x64xf32, #tpu.memory_space<hbm>>
    %dma_wait3A_70 = tpu.memref_squeeze %dma_wait3A_69 : memref<1x1x128x64xf32, #tpu.memory_space<hbm>> -> memref<128x64xf32, #tpu.memory_space<hbm>>
    tpu.wait_dma2 semaphore(%arg10 : memref<!tpu.dma_semaphore, #tpu.memory_space<semaphore_mem>>) src(%arg6 : memref<128x64xf32, #tpu.memory_space<vmem>>) dst(%dma_wait3A_70 : memref<128x64xf32, #tpu.memory_space<hbm>>)
    %dma_wait3A_71 = arith.constant 0 : i32
    %dma_wait3A_72 = arith.constant 0 : i32
    %dma_wait3A_73 = arith.constant 64 : i32
    %dma_wait3A_74 = tpu.memref_slice %arg4[%dma_wait3A_71, %add3A_46, %dma_wait3A_72, %dma_wait3A_73] : memref<50x64x128x128xf32, #tpu.memory_space<hbm>> -> memref<1x1x128x64xf32, #tpu.memory_space<hbm>>
    %dma_wait3A_75 = tpu.memref_squeeze %dma_wait3A_74 : memref<1x1x128x64xf32, #tpu.memory_space<hbm>> -> memref<128x64xf32, #tpu.memory_space<hbm>>
    %dma_wait3A_76 = arith.constant 0 : i32
    %dma_wait3A_77 = arith.constant 64 : i32
    %dma_wait3A_78 = tpu.memref_slice %arg4[%dma_wait3A_71, %add3A_46, %dma_wait3A_76, %dma_wait3A_77] : memref<50x64x128x128xf32, #tpu.memory_space<hbm>> -> memref<1x1x128x64xf32, #tpu.memory_space<hbm>>
    %dma_wait3A_79 = tpu.memref_squeeze %dma_wait3A_78 : memref<1x1x128x64xf32, #tpu.memory_space<hbm>> -> memref<128x64xf32, #tpu.memory_space<hbm>>
    tpu.wait_dma2 semaphore(%arg11 : memref<!tpu.dma_semaphore, #tpu.memory_space<semaphore_mem>>) src(%arg7 : memref<128x64xf32, #tpu.memory_space<vmem>>) dst(%dma_wait3A_79 : memref<128x64xf32, #tpu.memory_space<hbm>>)
    %mul3A_80 = arith.constant 4 : i32
    %mul3A_81 = arith.muli %add3A, %mul3A_80 : i32
    %add3A_82 = arith.constant 2 : i32
    %add3A_83 = arith.addi %mul3A_81, %add3A_82 : i32
    %mul3A_84 = arith.constant 2 : i32
    %mul3A_85 = arith.muli %add3A, %mul3A_84 : i32
    %add3A_86 = arith.constant 1 : i32
    %add3A_87 = arith.addi %mul3A_85, %add3A_86 : i32
    %mul3A_88 = arith.constant 128 : i32
    %mul3A_89 = arith.muli %add3A_83, %mul3A_88 : i32
    "tpu.region"() ({
      %run_scoped3A = tpu.sem_alloc : memref<!tpu.dma_semaphore, #tpu.memory_space<semaphore_mem>>
      %dma_start3A_162 = arith.constant 0 : i32
      %dma_start3A_163 = tpu.memref_slice %arg2[%dma_start3A_162, %mul3A_89] : memref<50x16384xi32, #tpu.memory_space<hbm>> -> memref<50x128xi32, #tpu.memory_space<hbm>>
      %dma_start3A_164 = arith.constant 0 : i32
      %dma_start3A_165 = tpu.memref_slice %arg2[%dma_start3A_164, %mul3A_89] : memref<50x16384xi32, #tpu.memory_space<hbm>> -> memref<50x128xi32, #tpu.memory_space<hbm>>
      tpu.enqueue_dma source(%dma_start3A_165 : memref<50x128xi32, #tpu.memory_space<hbm>>) target(%arg5 : memref<50x128xi32, #tpu.memory_space<vmem>>) target_semaphore(%run_scoped3A : memref<!tpu.dma_semaphore, #tpu.memory_space<semaphore_mem>>)
      %dma_wait3A_166 = arith.constant 0 : i32
      %dma_wait3A_167 = tpu.memref_slice %arg2[%dma_wait3A_166, %mul3A_89] : memref<50x16384xi32, #tpu.memory_space<hbm>> -> memref<50x128xi32, #tpu.memory_space<hbm>>
      %dma_wait3A_168 = arith.constant 0 : i32
      %dma_wait3A_169 = tpu.memref_slice %arg2[%dma_wait3A_168, %mul3A_89] : memref<50x16384xi32, #tpu.memory_space<hbm>> -> memref<50x128xi32, #tpu.memory_space<hbm>>
      tpu.wait_dma2 semaphore(%run_scoped3A : memref<!tpu.dma_semaphore, #tpu.memory_space<semaphore_mem>>) src(%dma_wait3A_169 : memref<50x128xi32, #tpu.memory_space<hbm>>) dst(%arg5 : memref<50x128xi32, #tpu.memory_space<vmem>>)
      tpu.yield
    }) : () -> ()
    %dma_start3A_90 = arith.constant 0 : i32
    %dma_start3A_91 = arith.constant 0 : i32
    %dma_start3A_92 = tpu.memref_slice %arg5[%dma_start3A_90, %dma_start3A_91] : memref<50x128xi32, #tpu.memory_space<vmem>> -> memref<1x128xi32, #tpu.memory_space<vmem>>
    %dma_start3A_93 = tpu.memref_squeeze %dma_start3A_92 : memref<1x128xi32, #tpu.memory_space<vmem>> -> memref<128xi32, #tpu.memory_space<vmem>>
    %dma_start3A_94 = arith.constant 0 : i32
    %dma_start3A_95 = arith.constant 0 : i32
    %dma_start3A_96 = tpu.memref_slice %arg3[%dma_start3A_94, %dma_start3A_95] : memref<1000000x64xf32, #tpu.memory_space<hbm>> -> memref<1000000x64xf32, #tpu.memory_space<hbm>>
    tpu.enqueue_indirect_dma source(%dma_start3A_96 : memref<1000000x64xf32, #tpu.memory_space<hbm>>) target(%arg6 : memref<128x64xf32, #tpu.memory_space<vmem>>) offsets(%dma_start3A_93 : memref<128xi32, #tpu.memory_space<vmem>>) semaphore(%arg8 : memref<!tpu.dma_semaphore, #tpu.memory_space<semaphore_mem>>)
    %scan3A_97 = arith.constant 0 : i32
    %scan3A_98 = arith.constant 0 : i32
    %scan3A_99 = arith.constant 25 : i32
    %scan3A_100 = arith.addi %scan3A_98, %scan3A_99 : i32
    %scan3A_101 = arith.constant 1 : i32
    scf.for %scan3A_162 = %scan3A_98 to %scan3A_100 step %scan3A_101  : i32 {
      %mul3A_163 = arith.constant 2 : i32
      %mul3A_164 = arith.muli %mul3A_163, %scan3A_162 : i32
      %add3A_165 = arith.constant 0 : i32
      %add3A_166 = arith.addi %mul3A_164, %add3A_165 : i32
      %dma_wait3A_167 = arith.constant 0 : i32
      %dma_wait3A_168 = tpu.memref_slice %arg5[%add3A_166, %dma_wait3A_167] : memref<50x128xi32, #tpu.memory_space<vmem>> -> memref<1x128xi32, #tpu.memory_space<vmem>>
      %dma_wait3A_169 = tpu.memref_squeeze %dma_wait3A_168 : memref<1x128xi32, #tpu.memory_space<vmem>> -> memref<128xi32, #tpu.memory_space<vmem>>
      %dma_wait3A_170 = arith.constant 0 : i32
      %dma_wait3A_171 = arith.constant 0 : i32
      %dma_wait3A_172 = tpu.memref_slice %arg3[%dma_wait3A_170, %dma_wait3A_171] : memref<1000000x64xf32, #tpu.memory_space<hbm>> -> memref<1000000x64xf32, #tpu.memory_space<hbm>>
      tpu.wait_indirect_dma semaphore(%arg8 : memref<!tpu.dma_semaphore, #tpu.memory_space<semaphore_mem>>) src(%dma_wait3A_172 : memref<1000000x64xf32, #tpu.memory_space<hbm>>) dst(%arg6 : memref<128x64xf32, #tpu.memory_space<vmem>>)
      %add3A_173 = arith.constant 1 : i32
      %add3A_174 = arith.addi %add3A_166, %add3A_173 : i32
      %lt3A = arith.constant 50 : i32
      %lt3A_175 = arith.cmpi slt, %add3A_174, %lt3A : i32
      %convert_element_type3A = arith.extui %lt3A_175 : i1 to i32
      %cond3A = arith.constant 0 : i32
      %cond3A_176 = arith.cmpi ne, %convert_element_type3A, %cond3A : i32
      scf.if %cond3A_176 {
        %ge3A = arith.constant 1 : i32
        %ge3A_210 = arith.cmpi sge, %add3A_166, %ge3A : i32
        %convert_element_type3A_211 = arith.extui %ge3A_210 : i1 to i32
        %cond3A_212 = arith.constant 0 : i32
        %cond3A_213 = arith.cmpi ne, %convert_element_type3A_211, %cond3A_212 : i32
        scf.if %cond3A_213 {
          %dma_wait3A_222 = arith.constant 0 : i32
          %dma_wait3A_223 = arith.constant 0 : i32
          %dma_wait3A_224 = tpu.memref_slice %arg4[%add3A_166, %add3A_87, %dma_wait3A_222, %dma_wait3A_223] : memref<50x64x128x128xf32, #tpu.memory_space<hbm>> -> memref<1x1x128x64xf32, #tpu.memory_space<hbm>>
          %dma_wait3A_225 = tpu.memref_squeeze %dma_wait3A_224 : memref<1x1x128x64xf32, #tpu.memory_space<hbm>> -> memref<128x64xf32, #tpu.memory_space<hbm>>
          %dma_wait3A_226 = arith.constant 0 : i32
          %dma_wait3A_227 = arith.constant 0 : i32
          %dma_wait3A_228 = tpu.memref_slice %arg4[%add3A_166, %add3A_87, %dma_wait3A_226, %dma_wait3A_227] : memref<50x64x128x128xf32, #tpu.memory_space<hbm>> -> memref<1x1x128x64xf32, #tpu.memory_space<hbm>>
          %dma_wait3A_229 = tpu.memref_squeeze %dma_wait3A_228 : memref<1x1x128x64xf32, #tpu.memory_space<hbm>> -> memref<128x64xf32, #tpu.memory_space<hbm>>
          tpu.wait_dma2 semaphore(%arg11 : memref<!tpu.dma_semaphore, #tpu.memory_space<semaphore_mem>>) src(%arg7 : memref<128x64xf32, #tpu.memory_space<vmem>>) dst(%dma_wait3A_229 : memref<128x64xf32, #tpu.memory_space<hbm>>)
        } else {
        }
        %add3A_214 = arith.constant 1 : i32
        %add3A_215 = arith.addi %add3A_166, %add3A_214 : i32
        %dma_start3A_216 = arith.constant 0 : i32
        %dma_start3A_217 = tpu.memref_slice %arg5[%add3A_215, %dma_start3A_216] : memref<50x128xi32, #tpu.memory_space<vmem>> -> memref<1x128xi32, #tpu.memory_space<vmem>>
        %dma_start3A_218 = tpu.memref_squeeze %dma_start3A_217 : memref<1x128xi32, #tpu.memory_space<vmem>> -> memref<128xi32, #tpu.memory_space<vmem>>
        %dma_start3A_219 = arith.constant 0 : i32
        %dma_start3A_220 = arith.constant 0 : i32
        %dma_start3A_221 = tpu.memref_slice %arg3[%dma_start3A_219, %dma_start3A_220] : memref<1000000x64xf32, #tpu.memory_space<hbm>> -> memref<1000000x64xf32, #tpu.memory_space<hbm>>
        tpu.enqueue_indirect_dma source(%dma_start3A_221 : memref<1000000x64xf32, #tpu.memory_space<hbm>>) target(%arg7 : memref<128x64xf32, #tpu.memory_space<vmem>>) offsets(%dma_start3A_218 : memref<128xi32, #tpu.memory_space<vmem>>) semaphore(%arg9 : memref<!tpu.dma_semaphore, #tpu.memory_space<semaphore_mem>>)
      } else {
      }
      %dma_start3A_177 = arith.constant 0 : i32
      %dma_start3A_178 = arith.constant 0 : i32
      %dma_start3A_179 = tpu.memref_slice %arg4[%add3A_166, %add3A_87, %dma_start3A_177, %dma_start3A_178] : memref<50x64x128x128xf32, #tpu.memory_space<hbm>> -> memref<1x1x128x64xf32, #tpu.memory_space<hbm>>
      %dma_start3A_180 = tpu.memref_squeeze %dma_start3A_179 : memref<1x1x128x64xf32, #tpu.memory_space<hbm>> -> memref<128x64xf32, #tpu.memory_space<hbm>>
      %dma_start3A_181 = arith.constant 0 : i32
      %dma_start3A_182 = arith.constant 0 : i32
      %dma_start3A_183 = tpu.memref_slice %arg4[%add3A_166, %add3A_87, %dma_start3A_181, %dma_start3A_182] : memref<50x64x128x128xf32, #tpu.memory_space<hbm>> -> memref<1x1x128x64xf32, #tpu.memory_space<hbm>>
      %dma_start3A_184 = tpu.memref_squeeze %dma_start3A_183 : memref<1x1x128x64xf32, #tpu.memory_space<hbm>> -> memref<128x64xf32, #tpu.memory_space<hbm>>
      tpu.enqueue_dma source(%arg6 : memref<128x64xf32, #tpu.memory_space<vmem>>) target(%dma_start3A_184 : memref<128x64xf32, #tpu.memory_space<hbm>>) target_semaphore(%arg10 : memref<!tpu.dma_semaphore, #tpu.memory_space<semaphore_mem>>)
      %mul3A_185 = arith.constant 2 : i32
      %mul3A_186 = arith.muli %mul3A_185, %scan3A_162 : i32
      %add3A_187 = arith.constant 1 : i32
      %add3A_188 = arith.addi %mul3A_186, %add3A_187 : i32
      %dma_wait3A_189 = arith.constant 0 : i32
      %dma_wait3A_190 = tpu.memref_slice %arg5[%add3A_188, %dma_wait3A_189] : memref<50x128xi32, #tpu.memory_space<vmem>> -> memref<1x128xi32, #tpu.memory_space<vmem>>
      %dma_wait3A_191 = tpu.memref_squeeze %dma_wait3A_190 : memref<1x128xi32, #tpu.memory_space<vmem>> -> memref<128xi32, #tpu.memory_space<vmem>>
      %dma_wait3A_192 = arith.constant 0 : i32
      %dma_wait3A_193 = arith.constant 0 : i32
      %dma_wait3A_194 = tpu.memref_slice %arg3[%dma_wait3A_192, %dma_wait3A_193] : memref<1000000x64xf32, #tpu.memory_space<hbm>> -> memref<1000000x64xf32, #tpu.memory_space<hbm>>
      tpu.wait_indirect_dma semaphore(%arg9 : memref<!tpu.dma_semaphore, #tpu.memory_space<semaphore_mem>>) src(%dma_wait3A_194 : memref<1000000x64xf32, #tpu.memory_space<hbm>>) dst(%arg7 : memref<128x64xf32, #tpu.memory_space<vmem>>)
      %add3A_195 = arith.constant 1 : i32
      %add3A_196 = arith.addi %add3A_188, %add3A_195 : i32
      %lt3A_197 = arith.constant 50 : i32
      %lt3A_198 = arith.cmpi slt, %add3A_196, %lt3A_197 : i32
      %convert_element_type3A_199 = arith.extui %lt3A_198 : i1 to i32
      %cond3A_200 = arith.constant 0 : i32
      %cond3A_201 = arith.cmpi ne, %convert_element_type3A_199, %cond3A_200 : i32
      scf.if %cond3A_201 {
        %ge3A = arith.constant 1 : i32
        %ge3A_210 = arith.cmpi sge, %add3A_188, %ge3A : i32
        %convert_element_type3A_211 = arith.extui %ge3A_210 : i1 to i32
        %cond3A_212 = arith.constant 0 : i32
        %cond3A_213 = arith.cmpi ne, %convert_element_type3A_211, %cond3A_212 : i32
        scf.if %cond3A_213 {
          %dma_wait3A_222 = arith.constant 0 : i32
          %dma_wait3A_223 = arith.constant 0 : i32
          %dma_wait3A_224 = tpu.memref_slice %arg4[%add3A_188, %add3A_87, %dma_wait3A_222, %dma_wait3A_223] : memref<50x64x128x128xf32, #tpu.memory_space<hbm>> -> memref<1x1x128x64xf32, #tpu.memory_space<hbm>>
          %dma_wait3A_225 = tpu.memref_squeeze %dma_wait3A_224 : memref<1x1x128x64xf32, #tpu.memory_space<hbm>> -> memref<128x64xf32, #tpu.memory_space<hbm>>
          %dma_wait3A_226 = arith.constant 0 : i32
          %dma_wait3A_227 = arith.constant 0 : i32
          %dma_wait3A_228 = tpu.memref_slice %arg4[%add3A_188, %add3A_87, %dma_wait3A_226, %dma_wait3A_227] : memref<50x64x128x128xf32, #tpu.memory_space<hbm>> -> memref<1x1x128x64xf32, #tpu.memory_space<hbm>>
          %dma_wait3A_229 = tpu.memref_squeeze %dma_wait3A_228 : memref<1x1x128x64xf32, #tpu.memory_space<hbm>> -> memref<128x64xf32, #tpu.memory_space<hbm>>
          tpu.wait_dma2 semaphore(%arg10 : memref<!tpu.dma_semaphore, #tpu.memory_space<semaphore_mem>>) src(%arg6 : memref<128x64xf32, #tpu.memory_space<vmem>>) dst(%dma_wait3A_229 : memref<128x64xf32, #tpu.memory_space<hbm>>)
        } else {
        }
        %add3A_214 = arith.constant 1 : i32
        %add3A_215 = arith.addi %add3A_188, %add3A_214 : i32
        %dma_start3A_216 = arith.constant 0 : i32
        %dma_start3A_217 = tpu.memref_slice %arg5[%add3A_215, %dma_start3A_216] : memref<50x128xi32, #tpu.memory_space<vmem>> -> memref<1x128xi32, #tpu.memory_space<vmem>>
        %dma_start3A_218 = tpu.memref_squeeze %dma_start3A_217 : memref<1x128xi32, #tpu.memory_space<vmem>> -> memref<128xi32, #tpu.memory_space<vmem>>
        %dma_start3A_219 = arith.constant 0 : i32
        %dma_start3A_220 = arith.constant 0 : i32
        %dma_start3A_221 = tpu.memref_slice %arg3[%dma_start3A_219, %dma_start3A_220] : memref<1000000x64xf32, #tpu.memory_space<hbm>> -> memref<1000000x64xf32, #tpu.memory_space<hbm>>
        tpu.enqueue_indirect_dma source(%dma_start3A_221 : memref<1000000x64xf32, #tpu.memory_space<hbm>>) target(%arg6 : memref<128x64xf32, #tpu.memory_space<vmem>>) offsets(%dma_start3A_218 : memref<128xi32, #tpu.memory_space<vmem>>) semaphore(%arg8 : memref<!tpu.dma_semaphore, #tpu.memory_space<semaphore_mem>>)
      } else {
      }
      %dma_start3A_202 = arith.constant 0 : i32
      %dma_start3A_203 = arith.constant 0 : i32
      %dma_start3A_204 = tpu.memref_slice %arg4[%add3A_188, %add3A_87, %dma_start3A_202, %dma_start3A_203] : memref<50x64x128x128xf32, #tpu.memory_space<hbm>> -> memref<1x1x128x64xf32, #tpu.memory_space<hbm>>
      %dma_start3A_205 = tpu.memref_squeeze %dma_start3A_204 : memref<1x1x128x64xf32, #tpu.memory_space<hbm>> -> memref<128x64xf32, #tpu.memory_space<hbm>>
      %dma_start3A_206 = arith.constant 0 : i32
      %dma_start3A_207 = arith.constant 0 : i32
      %dma_start3A_208 = tpu.memref_slice %arg4[%add3A_188, %add3A_87, %dma_start3A_206, %dma_start3A_207] : memref<50x64x128x128xf32, #tpu.memory_space<hbm>> -> memref<1x1x128x64xf32, #tpu.memory_space<hbm>>
      %dma_start3A_209 = tpu.memref_squeeze %dma_start3A_208 : memref<1x1x128x64xf32, #tpu.memory_space<hbm>> -> memref<128x64xf32, #tpu.memory_space<hbm>>
      tpu.enqueue_dma source(%arg7 : memref<128x64xf32, #tpu.memory_space<vmem>>) target(%dma_start3A_209 : memref<128x64xf32, #tpu.memory_space<hbm>>) target_semaphore(%arg11 : memref<!tpu.dma_semaphore, #tpu.memory_space<semaphore_mem>>)
    }
    %scan3A_102 = arith.constant 25 : i32
    %dma_wait3A_103 = arith.constant 0 : i32
    %dma_wait3A_104 = arith.constant 0 : i32
    %dma_wait3A_105 = arith.constant 0 : i32
    %dma_wait3A_106 = tpu.memref_slice %arg4[%dma_wait3A_103, %add3A_87, %dma_wait3A_104, %dma_wait3A_105] : memref<50x64x128x128xf32, #tpu.memory_space<hbm>> -> memref<1x1x128x64xf32, #tpu.memory_space<hbm>>
    %dma_wait3A_107 = tpu.memref_squeeze %dma_wait3A_106 : memref<1x1x128x64xf32, #tpu.memory_space<hbm>> -> memref<128x64xf32, #tpu.memory_space<hbm>>
    %dma_wait3A_108 = arith.constant 0 : i32
    %dma_wait3A_109 = arith.constant 0 : i32
    %dma_wait3A_110 = tpu.memref_slice %arg4[%dma_wait3A_103, %add3A_87, %dma_wait3A_108, %dma_wait3A_109] : memref<50x64x128x128xf32, #tpu.memory_space<hbm>> -> memref<1x1x128x64xf32, #tpu.memory_space<hbm>>
    %dma_wait3A_111 = tpu.memref_squeeze %dma_wait3A_110 : memref<1x1x128x64xf32, #tpu.memory_space<hbm>> -> memref<128x64xf32, #tpu.memory_space<hbm>>
    tpu.wait_dma2 semaphore(%arg10 : memref<!tpu.dma_semaphore, #tpu.memory_space<semaphore_mem>>) src(%arg6 : memref<128x64xf32, #tpu.memory_space<vmem>>) dst(%dma_wait3A_111 : memref<128x64xf32, #tpu.memory_space<hbm>>)
    %dma_wait3A_112 = arith.constant 0 : i32
    %dma_wait3A_113 = arith.constant 0 : i32
    %dma_wait3A_114 = arith.constant 0 : i32
    %dma_wait3A_115 = tpu.memref_slice %arg4[%dma_wait3A_112, %add3A_87, %dma_wait3A_113, %dma_wait3A_114] : memref<50x64x128x128xf32, #tpu.memory_space<hbm>> -> memref<1x1x128x64xf32, #tpu.memory_space<hbm>>
    %dma_wait3A_116 = tpu.memref_squeeze %dma_wait3A_115 : memref<1x1x128x64xf32, #tpu.memory_space<hbm>> -> memref<128x64xf32, #tpu.memory_space<hbm>>
    %dma_wait3A_117 = arith.constant 0 : i32
    %dma_wait3A_118 = arith.constant 0 : i32
    %dma_wait3A_119 = tpu.memref_slice %arg4[%dma_wait3A_112, %add3A_87, %dma_wait3A_117, %dma_wait3A_118] : memref<50x64x128x128xf32, #tpu.memory_space<hbm>> -> memref<1x1x128x64xf32, #tpu.memory_space<hbm>>
    %dma_wait3A_120 = tpu.memref_squeeze %dma_wait3A_119 : memref<1x1x128x64xf32, #tpu.memory_space<hbm>> -> memref<128x64xf32, #tpu.memory_space<hbm>>
    tpu.wait_dma2 semaphore(%arg11 : memref<!tpu.dma_semaphore, #tpu.memory_space<semaphore_mem>>) src(%arg7 : memref<128x64xf32, #tpu.memory_space<vmem>>) dst(%dma_wait3A_120 : memref<128x64xf32, #tpu.memory_space<hbm>>)
    %mul3A_121 = arith.constant 4 : i32
    %mul3A_122 = arith.muli %add3A, %mul3A_121 : i32
    %add3A_123 = arith.constant 3 : i32
    %add3A_124 = arith.addi %mul3A_122, %add3A_123 : i32
    %mul3A_125 = arith.constant 2 : i32
    %mul3A_126 = arith.muli %add3A, %mul3A_125 : i32
    %add3A_127 = arith.constant 1 : i32
    %add3A_128 = arith.addi %mul3A_126, %add3A_127 : i32
    %mul3A_129 = arith.constant 128 : i32
    %mul3A_130 = arith.muli %add3A_124, %mul3A_129 : i32
    "tpu.region"() ({
      %run_scoped3A = tpu.sem_alloc : memref<!tpu.dma_semaphore, #tpu.memory_space<semaphore_mem>>
      %dma_start3A_162 = arith.constant 0 : i32
      %dma_start3A_163 = tpu.memref_slice %arg2[%dma_start3A_162, %mul3A_130] : memref<50x16384xi32, #tpu.memory_space<hbm>> -> memref<50x128xi32, #tpu.memory_space<hbm>>
      %dma_start3A_164 = arith.constant 0 : i32
      %dma_start3A_165 = tpu.memref_slice %arg2[%dma_start3A_164, %mul3A_130] : memref<50x16384xi32, #tpu.memory_space<hbm>> -> memref<50x128xi32, #tpu.memory_space<hbm>>
      tpu.enqueue_dma source(%dma_start3A_165 : memref<50x128xi32, #tpu.memory_space<hbm>>) target(%arg5 : memref<50x128xi32, #tpu.memory_space<vmem>>) target_semaphore(%run_scoped3A : memref<!tpu.dma_semaphore, #tpu.memory_space<semaphore_mem>>)
      %dma_wait3A_166 = arith.constant 0 : i32
      %dma_wait3A_167 = tpu.memref_slice %arg2[%dma_wait3A_166, %mul3A_130] : memref<50x16384xi32, #tpu.memory_space<hbm>> -> memref<50x128xi32, #tpu.memory_space<hbm>>
      %dma_wait3A_168 = arith.constant 0 : i32
      %dma_wait3A_169 = tpu.memref_slice %arg2[%dma_wait3A_168, %mul3A_130] : memref<50x16384xi32, #tpu.memory_space<hbm>> -> memref<50x128xi32, #tpu.memory_space<hbm>>
      tpu.wait_dma2 semaphore(%run_scoped3A : memref<!tpu.dma_semaphore, #tpu.memory_space<semaphore_mem>>) src(%dma_wait3A_169 : memref<50x128xi32, #tpu.memory_space<hbm>>) dst(%arg5 : memref<50x128xi32, #tpu.memory_space<vmem>>)
      tpu.yield
    }) : () -> ()
    %dma_start3A_131 = arith.constant 0 : i32
    %dma_start3A_132 = arith.constant 0 : i32
    %dma_start3A_133 = tpu.memref_slice %arg5[%dma_start3A_131, %dma_start3A_132] : memref<50x128xi32, #tpu.memory_space<vmem>> -> memref<1x128xi32, #tpu.memory_space<vmem>>
    %dma_start3A_134 = tpu.memref_squeeze %dma_start3A_133 : memref<1x128xi32, #tpu.memory_space<vmem>> -> memref<128xi32, #tpu.memory_space<vmem>>
    %dma_start3A_135 = arith.constant 0 : i32
    %dma_start3A_136 = arith.constant 0 : i32
    %dma_start3A_137 = tpu.memref_slice %arg3[%dma_start3A_135, %dma_start3A_136] : memref<1000000x64xf32, #tpu.memory_space<hbm>> -> memref<1000000x64xf32, #tpu.memory_space<hbm>>
    tpu.enqueue_indirect_dma source(%dma_start3A_137 : memref<1000000x64xf32, #tpu.memory_space<hbm>>) target(%arg6 : memref<128x64xf32, #tpu.memory_space<vmem>>) offsets(%dma_start3A_134 : memref<128xi32, #tpu.memory_space<vmem>>) semaphore(%arg8 : memref<!tpu.dma_semaphore, #tpu.memory_space<semaphore_mem>>)
    %scan3A_138 = arith.constant 0 : i32
    %scan3A_139 = arith.constant 0 : i32
    %scan3A_140 = arith.constant 25 : i32
    %scan3A_141 = arith.addi %scan3A_139, %scan3A_140 : i32
    %scan3A_142 = arith.constant 1 : i32
    scf.for %scan3A_162 = %scan3A_139 to %scan3A_141 step %scan3A_142  : i32 {
      %mul3A_163 = arith.constant 2 : i32
      %mul3A_164 = arith.muli %mul3A_163, %scan3A_162 : i32
      %add3A_165 = arith.constant 0 : i32
      %add3A_166 = arith.addi %mul3A_164, %add3A_165 : i32
      %dma_wait3A_167 = arith.constant 0 : i32
      %dma_wait3A_168 = tpu.memref_slice %arg5[%add3A_166, %dma_wait3A_167] : memref<50x128xi32, #tpu.memory_space<vmem>> -> memref<1x128xi32, #tpu.memory_space<vmem>>
      %dma_wait3A_169 = tpu.memref_squeeze %dma_wait3A_168 : memref<1x128xi32, #tpu.memory_space<vmem>> -> memref<128xi32, #tpu.memory_space<vmem>>
      %dma_wait3A_170 = arith.constant 0 : i32
      %dma_wait3A_171 = arith.constant 0 : i32
      %dma_wait3A_172 = tpu.memref_slice %arg3[%dma_wait3A_170, %dma_wait3A_171] : memref<1000000x64xf32, #tpu.memory_space<hbm>> -> memref<1000000x64xf32, #tpu.memory_space<hbm>>
      tpu.wait_indirect_dma semaphore(%arg8 : memref<!tpu.dma_semaphore, #tpu.memory_space<semaphore_mem>>) src(%dma_wait3A_172 : memref<1000000x64xf32, #tpu.memory_space<hbm>>) dst(%arg6 : memref<128x64xf32, #tpu.memory_space<vmem>>)
      %add3A_173 = arith.constant 1 : i32
      %add3A_174 = arith.addi %add3A_166, %add3A_173 : i32
      %lt3A = arith.constant 50 : i32
      %lt3A_175 = arith.cmpi slt, %add3A_174, %lt3A : i32
      %convert_element_type3A = arith.extui %lt3A_175 : i1 to i32
      %cond3A = arith.constant 0 : i32
      %cond3A_176 = arith.cmpi ne, %convert_element_type3A, %cond3A : i32
      scf.if %cond3A_176 {
        %ge3A = arith.constant 1 : i32
        %ge3A_210 = arith.cmpi sge, %add3A_166, %ge3A : i32
        %convert_element_type3A_211 = arith.extui %ge3A_210 : i1 to i32
        %cond3A_212 = arith.constant 0 : i32
        %cond3A_213 = arith.cmpi ne, %convert_element_type3A_211, %cond3A_212 : i32
        scf.if %cond3A_213 {
          %dma_wait3A_222 = arith.constant 0 : i32
          %dma_wait3A_223 = arith.constant 64 : i32
          %dma_wait3A_224 = tpu.memref_slice %arg4[%add3A_166, %add3A_128, %dma_wait3A_222, %dma_wait3A_223] : memref<50x64x128x128xf32, #tpu.memory_space<hbm>> -> memref<1x1x128x64xf32, #tpu.memory_space<hbm>>
          %dma_wait3A_225 = tpu.memref_squeeze %dma_wait3A_224 : memref<1x1x128x64xf32, #tpu.memory_space<hbm>> -> memref<128x64xf32, #tpu.memory_space<hbm>>
          %dma_wait3A_226 = arith.constant 0 : i32
          %dma_wait3A_227 = arith.constant 64 : i32
          %dma_wait3A_228 = tpu.memref_slice %arg4[%add3A_166, %add3A_128, %dma_wait3A_226, %dma_wait3A_227] : memref<50x64x128x128xf32, #tpu.memory_space<hbm>> -> memref<1x1x128x64xf32, #tpu.memory_space<hbm>>
          %dma_wait3A_229 = tpu.memref_squeeze %dma_wait3A_228 : memref<1x1x128x64xf32, #tpu.memory_space<hbm>> -> memref<128x64xf32, #tpu.memory_space<hbm>>
          tpu.wait_dma2 semaphore(%arg11 : memref<!tpu.dma_semaphore, #tpu.memory_space<semaphore_mem>>) src(%arg7 : memref<128x64xf32, #tpu.memory_space<vmem>>) dst(%dma_wait3A_229 : memref<128x64xf32, #tpu.memory_space<hbm>>)
        } else {
        }
        %add3A_214 = arith.constant 1 : i32
        %add3A_215 = arith.addi %add3A_166, %add3A_214 : i32
        %dma_start3A_216 = arith.constant 0 : i32
        %dma_start3A_217 = tpu.memref_slice %arg5[%add3A_215, %dma_start3A_216] : memref<50x128xi32, #tpu.memory_space<vmem>> -> memref<1x128xi32, #tpu.memory_space<vmem>>
        %dma_start3A_218 = tpu.memref_squeeze %dma_start3A_217 : memref<1x128xi32, #tpu.memory_space<vmem>> -> memref<128xi32, #tpu.memory_space<vmem>>
        %dma_start3A_219 = arith.constant 0 : i32
        %dma_start3A_220 = arith.constant 0 : i32
        %dma_start3A_221 = tpu.memref_slice %arg3[%dma_start3A_219, %dma_start3A_220] : memref<1000000x64xf32, #tpu.memory_space<hbm>> -> memref<1000000x64xf32, #tpu.memory_space<hbm>>
        tpu.enqueue_indirect_dma source(%dma_start3A_221 : memref<1000000x64xf32, #tpu.memory_space<hbm>>) target(%arg7 : memref<128x64xf32, #tpu.memory_space<vmem>>) offsets(%dma_start3A_218 : memref<128xi32, #tpu.memory_space<vmem>>) semaphore(%arg9 : memref<!tpu.dma_semaphore, #tpu.memory_space<semaphore_mem>>)
      } else {
      }
      %dma_start3A_177 = arith.constant 0 : i32
      %dma_start3A_178 = arith.constant 64 : i32
      %dma_start3A_179 = tpu.memref_slice %arg4[%add3A_166, %add3A_128, %dma_start3A_177, %dma_start3A_178] : memref<50x64x128x128xf32, #tpu.memory_space<hbm>> -> memref<1x1x128x64xf32, #tpu.memory_space<hbm>>
      %dma_start3A_180 = tpu.memref_squeeze %dma_start3A_179 : memref<1x1x128x64xf32, #tpu.memory_space<hbm>> -> memref<128x64xf32, #tpu.memory_space<hbm>>
      %dma_start3A_181 = arith.constant 0 : i32
      %dma_start3A_182 = arith.constant 64 : i32
      %dma_start3A_183 = tpu.memref_slice %arg4[%add3A_166, %add3A_128, %dma_start3A_181, %dma_start3A_182] : memref<50x64x128x128xf32, #tpu.memory_space<hbm>> -> memref<1x1x128x64xf32, #tpu.memory_space<hbm>>
      %dma_start3A_184 = tpu.memref_squeeze %dma_start3A_183 : memref<1x1x128x64xf32, #tpu.memory_space<hbm>> -> memref<128x64xf32, #tpu.memory_space<hbm>>
      tpu.enqueue_dma source(%arg6 : memref<128x64xf32, #tpu.memory_space<vmem>>) target(%dma_start3A_184 : memref<128x64xf32, #tpu.memory_space<hbm>>) target_semaphore(%arg10 : memref<!tpu.dma_semaphore, #tpu.memory_space<semaphore_mem>>)
      %mul3A_185 = arith.constant 2 : i32
      %mul3A_186 = arith.muli %mul3A_185, %scan3A_162 : i32
      %add3A_187 = arith.constant 1 : i32
      %add3A_188 = arith.addi %mul3A_186, %add3A_187 : i32
      %dma_wait3A_189 = arith.constant 0 : i32
      %dma_wait3A_190 = tpu.memref_slice %arg5[%add3A_188, %dma_wait3A_189] : memref<50x128xi32, #tpu.memory_space<vmem>> -> memref<1x128xi32, #tpu.memory_space<vmem>>
      %dma_wait3A_191 = tpu.memref_squeeze %dma_wait3A_190 : memref<1x128xi32, #tpu.memory_space<vmem>> -> memref<128xi32, #tpu.memory_space<vmem>>
      %dma_wait3A_192 = arith.constant 0 : i32
      %dma_wait3A_193 = arith.constant 0 : i32
      %dma_wait3A_194 = tpu.memref_slice %arg3[%dma_wait3A_192, %dma_wait3A_193] : memref<1000000x64xf32, #tpu.memory_space<hbm>> -> memref<1000000x64xf32, #tpu.memory_space<hbm>>
      tpu.wait_indirect_dma semaphore(%arg9 : memref<!tpu.dma_semaphore, #tpu.memory_space<semaphore_mem>>) src(%dma_wait3A_194 : memref<1000000x64xf32, #tpu.memory_space<hbm>>) dst(%arg7 : memref<128x64xf32, #tpu.memory_space<vmem>>)
      %add3A_195 = arith.constant 1 : i32
      %add3A_196 = arith.addi %add3A_188, %add3A_195 : i32
      %lt3A_197 = arith.constant 50 : i32
      %lt3A_198 = arith.cmpi slt, %add3A_196, %lt3A_197 : i32
      %convert_element_type3A_199 = arith.extui %lt3A_198 : i1 to i32
      %cond3A_200 = arith.constant 0 : i32
      %cond3A_201 = arith.cmpi ne, %convert_element_type3A_199, %cond3A_200 : i32
      scf.if %cond3A_201 {
        %ge3A = arith.constant 1 : i32
        %ge3A_210 = arith.cmpi sge, %add3A_188, %ge3A : i32
        %convert_element_type3A_211 = arith.extui %ge3A_210 : i1 to i32
        %cond3A_212 = arith.constant 0 : i32
        %cond3A_213 = arith.cmpi ne, %convert_element_type3A_211, %cond3A_212 : i32
        scf.if %cond3A_213 {
          %dma_wait3A_222 = arith.constant 0 : i32
          %dma_wait3A_223 = arith.constant 64 : i32
          %dma_wait3A_224 = tpu.memref_slice %arg4[%add3A_188, %add3A_128, %dma_wait3A_222, %dma_wait3A_223] : memref<50x64x128x128xf32, #tpu.memory_space<hbm>> -> memref<1x1x128x64xf32, #tpu.memory_space<hbm>>
          %dma_wait3A_225 = tpu.memref_squeeze %dma_wait3A_224 : memref<1x1x128x64xf32, #tpu.memory_space<hbm>> -> memref<128x64xf32, #tpu.memory_space<hbm>>
          %dma_wait3A_226 = arith.constant 0 : i32
          %dma_wait3A_227 = arith.constant 64 : i32
          %dma_wait3A_228 = tpu.memref_slice %arg4[%add3A_188, %add3A_128, %dma_wait3A_226, %dma_wait3A_227] : memref<50x64x128x128xf32, #tpu.memory_space<hbm>> -> memref<1x1x128x64xf32, #tpu.memory_space<hbm>>
          %dma_wait3A_229 = tpu.memref_squeeze %dma_wait3A_228 : memref<1x1x128x64xf32, #tpu.memory_space<hbm>> -> memref<128x64xf32, #tpu.memory_space<hbm>>
          tpu.wait_dma2 semaphore(%arg10 : memref<!tpu.dma_semaphore, #tpu.memory_space<semaphore_mem>>) src(%arg6 : memref<128x64xf32, #tpu.memory_space<vmem>>) dst(%dma_wait3A_229 : memref<128x64xf32, #tpu.memory_space<hbm>>)
        } else {
        }
        %add3A_214 = arith.constant 1 : i32
        %add3A_215 = arith.addi %add3A_188, %add3A_214 : i32
        %dma_start3A_216 = arith.constant 0 : i32
        %dma_start3A_217 = tpu.memref_slice %arg5[%add3A_215, %dma_start3A_216] : memref<50x128xi32, #tpu.memory_space<vmem>> -> memref<1x128xi32, #tpu.memory_space<vmem>>
        %dma_start3A_218 = tpu.memref_squeeze %dma_start3A_217 : memref<1x128xi32, #tpu.memory_space<vmem>> -> memref<128xi32, #tpu.memory_space<vmem>>
        %dma_start3A_219 = arith.constant 0 : i32
        %dma_start3A_220 = arith.constant 0 : i32
        %dma_start3A_221 = tpu.memref_slice %arg3[%dma_start3A_219, %dma_start3A_220] : memref<1000000x64xf32, #tpu.memory_space<hbm>> -> memref<1000000x64xf32, #tpu.memory_space<hbm>>
        tpu.enqueue_indirect_dma source(%dma_start3A_221 : memref<1000000x64xf32, #tpu.memory_space<hbm>>) target(%arg6 : memref<128x64xf32, #tpu.memory_space<vmem>>) offsets(%dma_start3A_218 : memref<128xi32, #tpu.memory_space<vmem>>) semaphore(%arg8 : memref<!tpu.dma_semaphore, #tpu.memory_space<semaphore_mem>>)
      } else {
      }
      %dma_start3A_202 = arith.constant 0 : i32
      %dma_start3A_203 = arith.constant 64 : i32
      %dma_start3A_204 = tpu.memref_slice %arg4[%add3A_188, %add3A_128, %dma_start3A_202, %dma_start3A_203] : memref<50x64x128x128xf32, #tpu.memory_space<hbm>> -> memref<1x1x128x64xf32, #tpu.memory_space<hbm>>
      %dma_start3A_205 = tpu.memref_squeeze %dma_start3A_204 : memref<1x1x128x64xf32, #tpu.memory_space<hbm>> -> memref<128x64xf32, #tpu.memory_space<hbm>>
      %dma_start3A_206 = arith.constant 0 : i32
      %dma_start3A_207 = arith.constant 64 : i32
      %dma_start3A_208 = tpu.memref_slice %arg4[%add3A_188, %add3A_128, %dma_start3A_206, %dma_start3A_207] : memref<50x64x128x128xf32, #tpu.memory_space<hbm>> -> memref<1x1x128x64xf32, #tpu.memory_space<hbm>>
      %dma_start3A_209 = tpu.memref_squeeze %dma_start3A_208 : memref<1x1x128x64xf32, #tpu.memory_space<hbm>> -> memref<128x64xf32, #tpu.memory_space<hbm>>
      tpu.enqueue_dma source(%arg7 : memref<128x64xf32, #tpu.memory_space<vmem>>) target(%dma_start3A_209 : memref<128x64xf32, #tpu.memory_space<hbm>>) target_semaphore(%arg11 : memref<!tpu.dma_semaphore, #tpu.memory_space<semaphore_mem>>)
    }
    %scan3A_143 = arith.constant 25 : i32
    %dma_wait3A_144 = arith.constant 0 : i32
    %dma_wait3A_145 = arith.constant 0 : i32
    %dma_wait3A_146 = arith.constant 64 : i32
    %dma_wait3A_147 = tpu.memref_slice %arg4[%dma_wait3A_144, %add3A_128, %dma_wait3A_145, %dma_wait3A_146] : memref<50x64x128x128xf32, #tpu.memory_space<hbm>> -> memref<1x1x128x64xf32, #tpu.memory_space<hbm>>
    %dma_wait3A_148 = tpu.memref_squeeze %dma_wait3A_147 : memref<1x1x128x64xf32, #tpu.memory_space<hbm>> -> memref<128x64xf32, #tpu.memory_space<hbm>>
    %dma_wait3A_149 = arith.constant 0 : i32
    %dma_wait3A_150 = arith.constant 64 : i32
    %dma_wait3A_151 = tpu.memref_slice %arg4[%dma_wait3A_144, %add3A_128, %dma_wait3A_149, %dma_wait3A_150] : memref<50x64x128x128xf32, #tpu.memory_space<hbm>> -> memref<1x1x128x64xf32, #tpu.memory_space<hbm>>
    %dma_wait3A_152 = tpu.memref_squeeze %dma_wait3A_151 : memref<1x1x128x64xf32, #tpu.memory_space<hbm>> -> memref<128x64xf32, #tpu.memory_space<hbm>>
    tpu.wait_dma2 semaphore(%arg10 : memref<!tpu.dma_semaphore, #tpu.memory_space<semaphore_mem>>) src(%arg6 : memref<128x64xf32, #tpu.memory_space<vmem>>) dst(%dma_wait3A_152 : memref<128x64xf32, #tpu.memory_space<hbm>>)
    %dma_wait3A_153 = arith.constant 0 : i32
    %dma_wait3A_154 = arith.constant 0 : i32
    %dma_wait3A_155 = arith.constant 64 : i32
    %dma_wait3A_156 = tpu.memref_slice %arg4[%dma_wait3A_153, %add3A_128, %dma_wait3A_154, %dma_wait3A_155] : memref<50x64x128x128xf32, #tpu.memory_space<hbm>> -> memref<1x1x128x64xf32, #tpu.memory_space<hbm>>
    %dma_wait3A_157 = tpu.memref_squeeze %dma_wait3A_156 : memref<1x1x128x64xf32, #tpu.memory_space<hbm>> -> memref<128x64xf32, #tpu.memory_space<hbm>>
    %dma_wait3A_158 = arith.constant 0 : i32
    %dma_wait3A_159 = arith.constant 64 : i32
    %dma_wait3A_160 = tpu.memref_slice %arg4[%dma_wait3A_153, %add3A_128, %dma_wait3A_158, %dma_wait3A_159] : memref<50x64x128x128xf32, #tpu.memory_space<hbm>> -> memref<1x1x128x64xf32, #tpu.memory_space<hbm>>
    %dma_wait3A_161 = tpu.memref_squeeze %dma_wait3A_160 : memref<1x1x128x64xf32, #tpu.memory_space<hbm>> -> memref<128x64xf32, #tpu.memory_space<hbm>>
    tpu.wait_dma2 semaphore(%arg11 : memref<!tpu.dma_semaphore, #tpu.memory_space<semaphore_mem>>) src(%arg7 : memref<128x64xf32, #tpu.memory_space<vmem>>) dst(%dma_wait3A_161 : memref<128x64xf32, #tpu.memory_space<hbm>>)
    return
  }
}

module attributes {stable_mosaic.version = 14 : i64} {
  func.func @body(%arg0: i32, %arg1: i32, %arg2: memref<1x64x128x128xf32, #tpu.memory_space<vmem>>, %arg3: memref<1x8x128x8x128xf32, #tpu.memory_space<vmem>>) attributes {dimension_semantics = [#tpu.dimension_semantics<arbitrary>, #tpu.dimension_semantics<arbitrary>], iteration_bounds = array<i64: 50, 1>, scalar_prefetch = 0 : i64, scratch_operands = 0 : i64, tpu.core_type = #tpu.core_type<tc>, window_params = [{transform_indices = @transform_0, window_bounds = array<i64: 1, 64, 128, 128>}, {transform_indices = @transform_1, window_bounds = array<i64: 1, 8, 128, 8, 128>}]} {
    %iota3A = tpu.iota {dimensions = array<i32: 0>} : vector<128x128xi32>
    %iota3A_0 = tpu.iota {dimensions = array<i32: 1>} : vector<128x128xi32>
    %eq3A = arith.cmpi eq, %iota3A, %iota3A_0 : vector<128x128xi32>
    %convert_element_type3A = arith.extui %eq3A : vector<128x128xi1> to vector<128x128xi32>
    %convert_element_type3A_1 = arith.sitofp %convert_element_type3A : vector<128x128xi32> to vector<128x128xf32>
    %get3A = arith.constant 0 : index
    %get3A_2 = arith.constant 0 : index
    %get3A_3 = arith.constant 0 : index
    %get3A_4 = arith.constant 0 : index
    %get3A_5 = vector.load %arg2[%get3A, %get3A_2, %get3A_3, %get3A_4] : memref<1x64x128x128xf32, #tpu.memory_space<vmem>>, vector<1x1x128x128xf32>
    %get3A_6 = vector.shape_cast %get3A_5 : vector<1x1x128x128xf32> to vector<128x128xf32>
    %dot_general3A = arith.constant dense<0.000000e+00> : vector<128x128xf32>
    %dot_general3A_7 = tpu.matmul %get3A_6, %convert_element_type3A_1, %dot_general3A {dimension_numbers = #tpu.dot_dimension_numbers<[0], [0], [1], [1], [0, 1, 1, 1], [], []>, transpose_lhs_hint = false} : vector<128x128xf32>, vector<128x128xf32>, vector<128x128xf32> -> vector<128x128xf32>
    %slice3A = vector.extract_strided_slice %dot_general3A_7 {offsets = [0, 0], sizes = [64, 128], strides = [1, 1]} : vector<128x128xf32> to vector<64x128xf32>
    %reshape3A = vector.shape_cast %slice3A : vector<64x128xf32> to vector<8x8x128xf32>
    %swap3A = arith.constant 0 : index
    %swap3A_8 = arith.constant 0 : index
    %swap3A_9 = arith.constant 0 : index
    %swap3A_10 = arith.constant 0 : index
    %swap3A_11 = arith.constant 0 : index
    %swap3A_12 = vector.load %arg3[%swap3A, %swap3A_8, %swap3A_9, %swap3A_10, %swap3A_11] : memref<1x8x128x8x128xf32, #tpu.memory_space<vmem>>, vector<1x8x1x8x128xf32>
    %swap3A_13 = vector.shape_cast %swap3A_12 : vector<1x8x1x8x128xf32> to vector<8x8x128xf32>
    %swap3A_14 = vector.shape_cast %reshape3A : vector<8x8x128xf32> to vector<1x8x1x8x128xf32>
    tpu.vector_store %arg3[%swap3A, %swap3A_8, %swap3A_9, %swap3A_10, %swap3A_11], %swap3A_14 {strides = array<i32>} : memref<1x8x128x8x128xf32, #tpu.memory_space<vmem>>, vector<1x8x1x8x128xf32>,
    %slice3A_15 = vector.extract_strided_slice %dot_general3A_7 {offsets = [64, 0], sizes = [64, 128], strides = [1, 1]} : vector<128x128xf32> to vector<64x128xf32>
    %reshape3A_16 = vector.shape_cast %slice3A_15 : vector<64x128xf32> to vector<8x8x128xf32>
    %swap3A_17 = arith.constant 0 : index
    %swap3A_18 = arith.constant 0 : index
    %swap3A_19 = arith.constant 1 : index
    %swap3A_20 = arith.constant 0 : index
    %swap3A_21 = arith.constant 0 : index
    %swap3A_22 = vector.load %arg3[%swap3A_17, %swap3A_18, %swap3A_19, %swap3A_20, %swap3A_21] : memref<1x8x128x8x128xf32, #tpu.memory_space<vmem>>, vector<1x8x1x8x128xf32>
    %swap3A_23 = vector.shape_cast %swap3A_22 : vector<1x8x1x8x128xf32> to vector<8x8x128xf32>
    %swap3A_24 = vector.shape_cast %reshape3A_16 : vector<8x8x128xf32> to vector<1x8x1x8x128xf32>
    tpu.vector_store %arg3[%swap3A_17, %swap3A_18, %swap3A_19, %swap3A_20, %swap3A_21], %swap3A_24 {strides = array<i32>} : memref<1x8x128x8x128xf32, #tpu.memory_space<vmem>>, vector<1x8x1x8x128xf32>,
    %get3A_25 = arith.constant 0 : index
    %get3A_26 = arith.constant 1 : index
    %get3A_27 = arith.constant 0 : index
    %get3A_28 = arith.constant 0 : index
    %get3A_29 = vector.load %arg2[%get3A_25, %get3A_26, %get3A_27, %get3A_28] : memref<1x64x128x128xf32, #tpu.memory_space<vmem>>, vector<1x1x128x128xf32>
    %get3A_30 = vector.shape_cast %get3A_29 : vector<1x1x128x128xf32> to vector<128x128xf32>
    %dot_general3A_31 = arith.constant dense<0.000000e+00> : vector<128x128xf32>
    %dot_general3A_32 = tpu.matmul %get3A_30, %convert_element_type3A_1, %dot_general3A_31 {dimension_numbers = #tpu.dot_dimension_numbers<[0], [0], [1], [1], [0, 1, 1, 1], [], []>, transpose_lhs_hint = false} : vector<128x128xf32>, vector<128x128xf32>, vector<128x128xf32> -> vector<128x128xf32>
    %slice3A_33 = vector.extract_strided_slice %dot_general3A_32 {offsets = [0, 0], sizes = [64, 128], strides = [1, 1]} : vector<128x128xf32> to vector<64x128xf32>
    %reshape3A_34 = vector.shape_cast %slice3A_33 : vector<64x128xf32> to vector<8x8x128xf32>
    %swap3A_35 = arith.constant 0 : index
    %swap3A_36 = arith.constant 0 : index
    %swap3A_37 = arith.constant 2 : index
    %swap3A_38 = arith.constant 0 : index
    %swap3A_39 = arith.constant 0 : index
    %swap3A_40 = vector.load %arg3[%swap3A_35, %swap3A_36, %swap3A_37, %swap3A_38, %swap3A_39] : memref<1x8x128x8x128xf32, #tpu.memory_space<vmem>>, vector<1x8x1x8x128xf32>
    %swap3A_41 = vector.shape_cast %swap3A_40 : vector<1x8x1x8x128xf32> to vector<8x8x128xf32>
    %swap3A_42 = vector.shape_cast %reshape3A_34 : vector<8x8x128xf32> to vector<1x8x1x8x128xf32>
    tpu.vector_store %arg3[%swap3A_35, %swap3A_36, %swap3A_37, %swap3A_38, %swap3A_39], %swap3A_42 {strides = array<i32>} : memref<1x8x128x8x128xf32, #tpu.memory_space<vmem>>, vector<1x8x1x8x128xf32>,
    %slice3A_43 = vector.extract_strided_slice %dot_general3A_32 {offsets = [64, 0], sizes = [64, 128], strides = [1, 1]} : vector<128x128xf32> to vector<64x128xf32>
    %reshape3A_44 = vector.shape_cast %slice3A_43 : vector<64x128xf32> to vector<8x8x128xf32>
    %swap3A_45 = arith.constant 0 : index
    %swap3A_46 = arith.constant 0 : index
    %swap3A_47 = arith.constant 3 : index
    %swap3A_48 = arith.constant 0 : index
    %swap3A_49 = arith.constant 0 : index
    %swap3A_50 = vector.load %arg3[%swap3A_45, %swap3A_46, %swap3A_47, %swap3A_48, %swap3A_49] : memref<1x8x128x8x128xf32, #tpu.memory_space<vmem>>, vector<1x8x1x8x128xf32>
    %swap3A_51 = vector.shape_cast %swap3A_50 : vector<1x8x1x8x128xf32> to vector<8x8x128xf32>
    %swap3A_52 = vector.shape_cast %reshape3A_44 : vector<8x8x128xf32> to vector<1x8x1x8x128xf32>
    tpu.vector_store %arg3[%swap3A_45, %swap3A_46, %swap3A_47, %swap3A_48, %swap3A_49], %swap3A_52 {strides = array<i32>} : memref<1x8x128x8x128xf32, #tpu.memory_space<vmem>>, vector<1x8x1x8x128xf32>,
    %get3A_53 = arith.constant 0 : index
    %get3A_54 = arith.constant 2 : index
    %get3A_55 = arith.constant 0 : index
    %get3A_56 = arith.constant 0 : index
    %get3A_57 = vector.load %arg2[%get3A_53, %get3A_54, %get3A_55, %get3A_56] : memref<1x64x128x128xf32, #tpu.memory_space<vmem>>, vector<1x1x128x128xf32>
    %get3A_58 = vector.shape_cast %get3A_57 : vector<1x1x128x128xf32> to vector<128x128xf32>
    %dot_general3A_59 = arith.constant dense<0.000000e+00> : vector<128x128xf32>
    %dot_general3A_60 = tpu.matmul %get3A_58, %convert_element_type3A_1, %dot_general3A_59 {dimension_numbers = #tpu.dot_dimension_numbers<[0], [0], [1], [1], [0, 1, 1, 1], [], []>, transpose_lhs_hint = false} : vector<128x128xf32>, vector<128x128xf32>, vector<128x128xf32> -> vector<128x128xf32>
    %slice3A_61 = vector.extract_strided_slice %dot_general3A_60 {offsets = [0, 0], sizes = [64, 128], strides = [1, 1]} : vector<128x128xf32> to vector<64x128xf32>
    %reshape3A_62 = vector.shape_cast %slice3A_61 : vector<64x128xf32> to vector<8x8x128xf32>
    %swap3A_63 = arith.constant 0 : index
    %swap3A_64 = arith.constant 0 : index
    %swap3A_65 = arith.constant 4 : index
    %swap3A_66 = arith.constant 0 : index
    %swap3A_67 = arith.constant 0 : index
    %swap3A_68 = vector.load %arg3[%swap3A_63, %swap3A_64, %swap3A_65, %swap3A_66, %swap3A_67] : memref<1x8x128x8x128xf32, #tpu.memory_space<vmem>>, vector<1x8x1x8x128xf32>
    %swap3A_69 = vector.shape_cast %swap3A_68 : vector<1x8x1x8x128xf32> to vector<8x8x128xf32>
    %swap3A_70 = vector.shape_cast %reshape3A_62 : vector<8x8x128xf32> to vector<1x8x1x8x128xf32>
    tpu.vector_store %arg3[%swap3A_63, %swap3A_64, %swap3A_65, %swap3A_66, %swap3A_67], %swap3A_70 {strides = array<i32>} : memref<1x8x128x8x128xf32, #tpu.memory_space<vmem>>, vector<1x8x1x8x128xf32>,
    %slice3A_71 = vector.extract_strided_slice %dot_general3A_60 {offsets = [64, 0], sizes = [64, 128], strides = [1, 1]} : vector<128x128xf32> to vector<64x128xf32>
    %reshape3A_72 = vector.shape_cast %slice3A_71 : vector<64x128xf32> to vector<8x8x128xf32>
    %swap3A_73 = arith.constant 0 : index
    %swap3A_74 = arith.constant 0 : index
    %swap3A_75 = arith.constant 5 : index
    %swap3A_76 = arith.constant 0 : index
    %swap3A_77 = arith.constant 0 : index
    %swap3A_78 = vector.load %arg3[%swap3A_73, %swap3A_74, %swap3A_75, %swap3A_76, %swap3A_77] : memref<1x8x128x8x128xf32, #tpu.memory_space<vmem>>, vector<1x8x1x8x128xf32>
    %swap3A_79 = vector.shape_cast %swap3A_78 : vector<1x8x1x8x128xf32> to vector<8x8x128xf32>
    %swap3A_80 = vector.shape_cast %reshape3A_72 : vector<8x8x128xf32> to vector<1x8x1x8x128xf32>
    tpu.vector_store %arg3[%swap3A_73, %swap3A_74, %swap3A_75, %swap3A_76, %swap3A_77], %swap3A_80 {strides = array<i32>} : memref<1x8x128x8x128xf32, #tpu.memory_space<vmem>>, vector<1x8x1x8x128xf32>,
    %get3A_81 = arith.constant 0 : index
    %get3A_82 = arith.constant 3 : index
    %get3A_83 = arith.constant 0 : index
    %get3A_84 = arith.constant 0 : index
    %get3A_85 = vector.load %arg2[%get3A_81, %get3A_82, %get3A_83, %get3A_84] : memref<1x64x128x128xf32, #tpu.memory_space<vmem>>, vector<1x1x128x128xf32>
    %get3A_86 = vector.shape_cast %get3A_85 : vector<1x1x128x128xf32> to vector<128x128xf32>
    %dot_general3A_87 = arith.constant dense<0.000000e+00> : vector<128x128xf32>
    %dot_general3A_88 = tpu.matmul %get3A_86, %convert_element_type3A_1, %dot_general3A_87 {dimension_numbers = #tpu.dot_dimension_numbers<[0], [0], [1], [1], [0, 1, 1, 1], [], []>, transpose_lhs_hint = false} : vector<128x128xf32>, vector<128x128xf32>, vector<128x128xf32> -> vector<128x128xf32>
    %slice3A_89 = vector.extract_strided_slice %dot_general3A_88 {offsets = [0, 0], sizes = [64, 128], strides = [1, 1]} : vector<128x128xf32> to vector<64x128xf32>
    %reshape3A_90 = vector.shape_cast %slice3A_89 : vector<64x128xf32> to vector<8x8x128xf32>
    %swap3A_91 = arith.constant 0 : index
    %swap3A_92 = arith.constant 0 : index
    %swap3A_93 = arith.constant 6 : index
    %swap3A_94 = arith.constant 0 : index
    %swap3A_95 = arith.constant 0 : index
    %swap3A_96 = vector.load %arg3[%swap3A_91, %swap3A_92, %swap3A_93, %swap3A_94, %swap3A_95] : memref<1x8x128x8x128xf32, #tpu.memory_space<vmem>>, vector<1x8x1x8x128xf32>
    %swap3A_97 = vector.shape_cast %swap3A_96 : vector<1x8x1x8x128xf32> to vector<8x8x128xf32>
    %swap3A_98 = vector.shape_cast %reshape3A_90 : vector<8x8x128xf32> to vector<1x8x1x8x128xf32>
    tpu.vector_store %arg3[%swap3A_91, %swap3A_92, %swap3A_93, %swap3A_94, %swap3A_95], %swap3A_98 {strides = array<i32>} : memref<1x8x128x8x128xf32, #tpu.memory_space<vmem>>, vector<1x8x1x8x128xf32>,
    %slice3A_99 = vector.extract_strided_slice %dot_general3A_88 {offsets = [64, 0], sizes = [64, 128], strides = [1, 1]} : vector<128x128xf32> to vector<64x128xf32>
    %reshape3A_100 = vector.shape_cast %slice3A_99 : vector<64x128xf32> to vector<8x8x128xf32>
    %swap3A_101 = arith.constant 0 : index
    %swap3A_102 = arith.constant 0 : index
    %swap3A_103 = arith.constant 7 : index
    %swap3A_104 = arith.constant 0 : index
    %swap3A_105 = arith.constant 0 : index
    %swap3A_106 = vector.load %arg3[%swap3A_101, %swap3A_102, %swap3A_103, %swap3A_104, %swap3A_105] : memref<1x8x128x8x128xf32, #tpu.memory_space<vmem>>, vector<1x8x1x8x128xf32>
    %swap3A_107 = vector.shape_cast %swap3A_106 : vector<1x8x1x8x128xf32> to vector<8x8x128xf32>
    %swap3A_108 = vector.shape_cast %reshape3A_100 : vector<8x8x128xf32> to vector<1x8x1x8x128xf32>
    tpu.vector_store %arg3[%swap3A_101, %swap3A_102, %swap3A_103, %swap3A_104, %swap3A_105], %swap3A_108 {strides = array<i32>} : memref<1x8x128x8x128xf32, #tpu.memory_space<vmem>>, vector<1x8x1x8x128xf32>,
    %get3A_109 = arith.constant 0 : index
    %get3A_110 = arith.constant 4 : index
    %get3A_111 = arith.constant 0 : index
    %get3A_112 = arith.constant 0 : index
    %get3A_113 = vector.load %arg2[%get3A_109, %get3A_110, %get3A_111, %get3A_112] : memref<1x64x128x128xf32, #tpu.memory_space<vmem>>, vector<1x1x128x128xf32>
    %get3A_114 = vector.shape_cast %get3A_113 : vector<1x1x128x128xf32> to vector<128x128xf32>
    %dot_general3A_115 = arith.constant dense<0.000000e+00> : vector<128x128xf32>
    %dot_general3A_116 = tpu.matmul %get3A_114, %convert_element_type3A_1, %dot_general3A_115 {dimension_numbers = #tpu.dot_dimension_numbers<[0], [0], [1], [1], [0, 1, 1, 1], [], []>, transpose_lhs_hint = false} : vector<128x128xf32>, vector<128x128xf32>, vector<128x128xf32> -> vector<128x128xf32>
    %slice3A_117 = vector.extract_strided_slice %dot_general3A_116 {offsets = [0, 0], sizes = [64, 128], strides = [1, 1]} : vector<128x128xf32> to vector<64x128xf32>
    %reshape3A_118 = vector.shape_cast %slice3A_117 : vector<64x128xf32> to vector<8x8x128xf32>
    %swap3A_119 = arith.constant 0 : index
    %swap3A_120 = arith.constant 0 : index
    %swap3A_121 = arith.constant 8 : index
    %swap3A_122 = arith.constant 0 : index
    %swap3A_123 = arith.constant 0 : index
    %swap3A_124 = vector.load %arg3[%swap3A_119, %swap3A_120, %swap3A_121, %swap3A_122, %swap3A_123] : memref<1x8x128x8x128xf32, #tpu.memory_space<vmem>>, vector<1x8x1x8x128xf32>
    %swap3A_125 = vector.shape_cast %swap3A_124 : vector<1x8x1x8x128xf32> to vector<8x8x128xf32>
    %swap3A_126 = vector.shape_cast %reshape3A_118 : vector<8x8x128xf32> to vector<1x8x1x8x128xf32>
    tpu.vector_store %arg3[%swap3A_119, %swap3A_120, %swap3A_121, %swap3A_122, %swap3A_123], %swap3A_126 {strides = array<i32>} : memref<1x8x128x8x128xf32, #tpu.memory_space<vmem>>, vector<1x8x1x8x128xf32>,
    %slice3A_127 = vector.extract_strided_slice %dot_general3A_116 {offsets = [64, 0], sizes = [64, 128], strides = [1, 1]} : vector<128x128xf32> to vector<64x128xf32>
    %reshape3A_128 = vector.shape_cast %slice3A_127 : vector<64x128xf32> to vector<8x8x128xf32>
    %swap3A_129 = arith.constant 0 : index
    %swap3A_130 = arith.constant 0 : index
    %swap3A_131 = arith.constant 9 : index
    %swap3A_132 = arith.constant 0 : index
    %swap3A_133 = arith.constant 0 : index
    %swap3A_134 = vector.load %arg3[%swap3A_129, %swap3A_130, %swap3A_131, %swap3A_132, %swap3A_133] : memref<1x8x128x8x128xf32, #tpu.memory_space<vmem>>, vector<1x8x1x8x128xf32>
    %swap3A_135 = vector.shape_cast %swap3A_134 : vector<1x8x1x8x128xf32> to vector<8x8x128xf32>
    %swap3A_136 = vector.shape_cast %reshape3A_128 : vector<8x8x128xf32> to vector<1x8x1x8x128xf32>
    tpu.vector_store %arg3[%swap3A_129, %swap3A_130, %swap3A_131, %swap3A_132, %swap3A_133], %swap3A_136 {strides = array<i32>} : memref<1x8x128x8x128xf32, #tpu.memory_space<vmem>>, vector<1x8x1x8x128xf32>,
    %get3A_137 = arith.constant 0 : index
    %get3A_138 = arith.constant 5 : index
    %get3A_139 = arith.constant 0 : index
    %get3A_140 = arith.constant 0 : index
    %get3A_141 = vector.load %arg2[%get3A_137, %get3A_138, %get3A_139, %get3A_140] : memref<1x64x128x128xf32, #tpu.memory_space<vmem>>, vector<1x1x128x128xf32>
    %get3A_142 = vector.shape_cast %get3A_141 : vector<1x1x128x128xf32> to vector<128x128xf32>
    %dot_general3A_143 = arith.constant dense<0.000000e+00> : vector<128x128xf32>
    %dot_general3A_144 = tpu.matmul %get3A_142, %convert_element_type3A_1, %dot_general3A_143 {dimension_numbers = #tpu.dot_dimension_numbers<[0], [0], [1], [1], [0, 1, 1, 1], [], []>, transpose_lhs_hint = false} : vector<128x128xf32>, vector<128x128xf32>, vector<128x128xf32> -> vector<128x128xf32>
    %slice3A_145 = vector.extract_strided_slice %dot_general3A_144 {offsets = [0, 0], sizes = [64, 128], strides = [1, 1]} : vector<128x128xf32> to vector<64x128xf32>
    %reshape3A_146 = vector.shape_cast %slice3A_145 : vector<64x128xf32> to vector<8x8x128xf32>
    %swap3A_147 = arith.constant 0 : index
    %swap3A_148 = arith.constant 0 : index
    %swap3A_149 = arith.constant 10 : index
    %swap3A_150 = arith.constant 0 : index
    %swap3A_151 = arith.constant 0 : index
    %swap3A_152 = vector.load %arg3[%swap3A_147, %swap3A_148, %swap3A_149, %swap3A_150, %swap3A_151] : memref<1x8x128x8x128xf32, #tpu.memory_space<vmem>>, vector<1x8x1x8x128xf32>
    %swap3A_153 = vector.shape_cast %swap3A_152 : vector<1x8x1x8x128xf32> to vector<8x8x128xf32>
    %swap3A_154 = vector.shape_cast %reshape3A_146 : vector<8x8x128xf32> to vector<1x8x1x8x128xf32>
    tpu.vector_store %arg3[%swap3A_147, %swap3A_148, %swap3A_149, %swap3A_150, %swap3A_151], %swap3A_154 {strides = array<i32>} : memref<1x8x128x8x128xf32, #tpu.memory_space<vmem>>, vector<1x8x1x8x128xf32>,
    %slice3A_155 = vector.extract_strided_slice %dot_general3A_144 {offsets = [64, 0], sizes = [64, 128], strides = [1, 1]} : vector<128x128xf32> to vector<64x128xf32>
    %reshape3A_156 = vector.shape_cast %slice3A_155 : vector<64x128xf32> to vector<8x8x128xf32>
    %swap3A_157 = arith.constant 0 : index
    %swap3A_158 = arith.constant 0 : index
    %swap3A_159 = arith.constant 11 : index
    %swap3A_160 = arith.constant 0 : index
    %swap3A_161 = arith.constant 0 : index
    %swap3A_162 = vector.load %arg3[%swap3A_157, %swap3A_158, %swap3A_159, %swap3A_160, %swap3A_161] : memref<1x8x128x8x128xf32, #tpu.memory_space<vmem>>, vector<1x8x1x8x128xf32>
    %swap3A_163 = vector.shape_cast %swap3A_162 : vector<1x8x1x8x128xf32> to vector<8x8x128xf32>
    %swap3A_164 = vector.shape_cast %reshape3A_156 : vector<8x8x128xf32> to vector<1x8x1x8x128xf32>
    tpu.vector_store %arg3[%swap3A_157, %swap3A_158, %swap3A_159, %swap3A_160, %swap3A_161], %swap3A_164 {strides = array<i32>} : memref<1x8x128x8x128xf32, #tpu.memory_space<vmem>>, vector<1x8x1x8x128xf32>,
    %get3A_165 = arith.constant 0 : index
    %get3A_166 = arith.constant 6 : index
    %get3A_167 = arith.constant 0 : index
    %get3A_168 = arith.constant 0 : index
    %get3A_169 = vector.load %arg2[%get3A_165, %get3A_166, %get3A_167, %get3A_168] : memref<1x64x128x128xf32, #tpu.memory_space<vmem>>, vector<1x1x128x128xf32>
    %get3A_170 = vector.shape_cast %get3A_169 : vector<1x1x128x128xf32> to vector<128x128xf32>
    %dot_general3A_171 = arith.constant dense<0.000000e+00> : vector<128x128xf32>
    %dot_general3A_172 = tpu.matmul %get3A_170, %convert_element_type3A_1, %dot_general3A_171 {dimension_numbers = #tpu.dot_dimension_numbers<[0], [0], [1], [1], [0, 1, 1, 1], [], []>, transpose_lhs_hint = false} : vector<128x128xf32>, vector<128x128xf32>, vector<128x128xf32> -> vector<128x128xf32>
    %slice3A_173 = vector.extract_strided_slice %dot_general3A_172 {offsets = [0, 0], sizes = [64, 128], strides = [1, 1]} : vector<128x128xf32> to vector<64x128xf32>
    %reshape3A_174 = vector.shape_cast %slice3A_173 : vector<64x128xf32> to vector<8x8x128xf32>
    %swap3A_175 = arith.constant 0 : index
    %swap3A_176 = arith.constant 0 : index
    %swap3A_177 = arith.constant 12 : index
    %swap3A_178 = arith.constant 0 : index
    %swap3A_179 = arith.constant 0 : index
    %swap3A_180 = vector.load %arg3[%swap3A_175, %swap3A_176, %swap3A_177, %swap3A_178, %swap3A_179] : memref<1x8x128x8x128xf32, #tpu.memory_space<vmem>>, vector<1x8x1x8x128xf32>
    %swap3A_181 = vector.shape_cast %swap3A_180 : vector<1x8x1x8x128xf32> to vector<8x8x128xf32>
    %swap3A_182 = vector.shape_cast %reshape3A_174 : vector<8x8x128xf32> to vector<1x8x1x8x128xf32>
    tpu.vector_store %arg3[%swap3A_175, %swap3A_176, %swap3A_177, %swap3A_178, %swap3A_179], %swap3A_182 {strides = array<i32>} : memref<1x8x128x8x128xf32, #tpu.memory_space<vmem>>, vector<1x8x1x8x128xf32>,
    %slice3A_183 = vector.extract_strided_slice %dot_general3A_172 {offsets = [64, 0], sizes = [64, 128], strides = [1, 1]} : vector<128x128xf32> to vector<64x128xf32>
    %reshape3A_184 = vector.shape_cast %slice3A_183 : vector<64x128xf32> to vector<8x8x128xf32>
    %swap3A_185 = arith.constant 0 : index
    %swap3A_186 = arith.constant 0 : index
    %swap3A_187 = arith.constant 13 : index
    %swap3A_188 = arith.constant 0 : index
    %swap3A_189 = arith.constant 0 : index
    %swap3A_190 = vector.load %arg3[%swap3A_185, %swap3A_186, %swap3A_187, %swap3A_188, %swap3A_189] : memref<1x8x128x8x128xf32, #tpu.memory_space<vmem>>, vector<1x8x1x8x128xf32>
    %swap3A_191 = vector.shape_cast %swap3A_190 : vector<1x8x1x8x128xf32> to vector<8x8x128xf32>
    %swap3A_192 = vector.shape_cast %reshape3A_184 : vector<8x8x128xf32> to vector<1x8x1x8x128xf32>
    tpu.vector_store %arg3[%swap3A_185, %swap3A_186, %swap3A_187, %swap3A_188, %swap3A_189], %swap3A_192 {strides = array<i32>} : memref<1x8x128x8x128xf32, #tpu.memory_space<vmem>>, vector<1x8x1x8x128xf32>,
    %get3A_193 = arith.constant 0 : index
    %get3A_194 = arith.constant 7 : index
    %get3A_195 = arith.constant 0 : index
    %get3A_196 = arith.constant 0 : index
    %get3A_197 = vector.load %arg2[%get3A_193, %get3A_194, %get3A_195, %get3A_196] : memref<1x64x128x128xf32, #tpu.memory_space<vmem>>, vector<1x1x128x128xf32>
    %get3A_198 = vector.shape_cast %get3A_197 : vector<1x1x128x128xf32> to vector<128x128xf32>
    %dot_general3A_199 = arith.constant dense<0.000000e+00> : vector<128x128xf32>
    %dot_general3A_200 = tpu.matmul %get3A_198, %convert_element_type3A_1, %dot_general3A_199 {dimension_numbers = #tpu.dot_dimension_numbers<[0], [0], [1], [1], [0, 1, 1, 1], [], []>, transpose_lhs_hint = false} : vector<128x128xf32>, vector<128x128xf32>, vector<128x128xf32> -> vector<128x128xf32>
    %slice3A_201 = vector.extract_strided_slice %dot_general3A_200 {offsets = [0, 0], sizes = [64, 128], strides = [1, 1]} : vector<128x128xf32> to vector<64x128xf32>
    %reshape3A_202 = vector.shape_cast %slice3A_201 : vector<64x128xf32> to vector<8x8x128xf32>
    %swap3A_203 = arith.constant 0 : index
    %swap3A_204 = arith.constant 0 : index
    %swap3A_205 = arith.constant 14 : index
    %swap3A_206 = arith.constant 0 : index
    %swap3A_207 = arith.constant 0 : index
    %swap3A_208 = vector.load %arg3[%swap3A_203, %swap3A_204, %swap3A_205, %swap3A_206, %swap3A_207] : memref<1x8x128x8x128xf32, #tpu.memory_space<vmem>>, vector<1x8x1x8x128xf32>
    %swap3A_209 = vector.shape_cast %swap3A_208 : vector<1x8x1x8x128xf32> to vector<8x8x128xf32>
    %swap3A_210 = vector.shape_cast %reshape3A_202 : vector<8x8x128xf32> to vector<1x8x1x8x128xf32>
    tpu.vector_store %arg3[%swap3A_203, %swap3A_204, %swap3A_205, %swap3A_206, %swap3A_207], %swap3A_210 {strides = array<i32>} : memref<1x8x128x8x128xf32, #tpu.memory_space<vmem>>, vector<1x8x1x8x128xf32>,
    %slice3A_211 = vector.extract_strided_slice %dot_general3A_200 {offsets = [64, 0], sizes = [64, 128], strides = [1, 1]} : vector<128x128xf32> to vector<64x128xf32>
    %reshape3A_212 = vector.shape_cast %slice3A_211 : vector<64x128xf32> to vector<8x8x128xf32>
    %swap3A_213 = arith.constant 0 : index
    %swap3A_214 = arith.constant 0 : index
    %swap3A_215 = arith.constant 15 : index
    %swap3A_216 = arith.constant 0 : index
    %swap3A_217 = arith.constant 0 : index
    %swap3A_218 = vector.load %arg3[%swap3A_213, %swap3A_214, %swap3A_215, %swap3A_216, %swap3A_217] : memref<1x8x128x8x128xf32, #tpu.memory_space<vmem>>, vector<1x8x1x8x128xf32>
    %swap3A_219 = vector.shape_cast %swap3A_218 : vector<1x8x1x8x128xf32> to vector<8x8x128xf32>
    %swap3A_220 = vector.shape_cast %reshape3A_212 : vector<8x8x128xf32> to vector<1x8x1x8x128xf32>
    tpu.vector_store %arg3[%swap3A_213, %swap3A_214, %swap3A_215, %swap3A_216, %swap3A_217], %swap3A_220 {strides = array<i32>} : memref<1x8x128x8x128xf32, #tpu.memory_space<vmem>>, vector<1x8x1x8x128xf32>,
    %get3A_221 = arith.constant 0 : index
    %get3A_222 = arith.constant 8 : index
    %get3A_223 = arith.constant 0 : index
    %get3A_224 = arith.constant 0 : index
    %get3A_225 = vector.load %arg2[%get3A_221, %get3A_222, %get3A_223, %get3A_224] : memref<1x64x128x128xf32, #tpu.memory_space<vmem>>, vector<1x1x128x128xf32>
    %get3A_226 = vector.shape_cast %get3A_225 : vector<1x1x128x128xf32> to vector<128x128xf32>
    %dot_general3A_227 = arith.constant dense<0.000000e+00> : vector<128x128xf32>
    %dot_general3A_228 = tpu.matmul %get3A_226, %convert_element_type3A_1, %dot_general3A_227 {dimension_numbers = #tpu.dot_dimension_numbers<[0], [0], [1], [1], [0, 1, 1, 1], [], []>, transpose_lhs_hint = false} : vector<128x128xf32>, vector<128x128xf32>, vector<128x128xf32> -> vector<128x128xf32>
    %slice3A_229 = vector.extract_strided_slice %dot_general3A_228 {offsets = [0, 0], sizes = [64, 128], strides = [1, 1]} : vector<128x128xf32> to vector<64x128xf32>
    %reshape3A_230 = vector.shape_cast %slice3A_229 : vector<64x128xf32> to vector<8x8x128xf32>
    %swap3A_231 = arith.constant 0 : index
    %swap3A_232 = arith.constant 0 : index
    %swap3A_233 = arith.constant 16 : index
    %swap3A_234 = arith.constant 0 : index
    %swap3A_235 = arith.constant 0 : index
    %swap3A_236 = vector.load %arg3[%swap3A_231, %swap3A_232, %swap3A_233, %swap3A_234, %swap3A_235] : memref<1x8x128x8x128xf32, #tpu.memory_space<vmem>>, vector<1x8x1x8x128xf32>
    %swap3A_237 = vector.shape_cast %swap3A_236 : vector<1x8x1x8x128xf32> to vector<8x8x128xf32>
    %swap3A_238 = vector.shape_cast %reshape3A_230 : vector<8x8x128xf32> to vector<1x8x1x8x128xf32>
    tpu.vector_store %arg3[%swap3A_231, %swap3A_232, %swap3A_233, %swap3A_234, %swap3A_235], %swap3A_238 {strides = array<i32>} : memref<1x8x128x8x128xf32, #tpu.memory_space<vmem>>, vector<1x8x1x8x128xf32>,
    %slice3A_239 = vector.extract_strided_slice %dot_general3A_228 {offsets = [64, 0], sizes = [64, 128], strides = [1, 1]} : vector<128x128xf32> to vector<64x128xf32>
    %reshape3A_240 = vector.shape_cast %slice3A_239 : vector<64x128xf32> to vector<8x8x128xf32>
    %swap3A_241 = arith.constant 0 : index
    %swap3A_242 = arith.constant 0 : index
    %swap3A_243 = arith.constant 17 : index
    %swap3A_244 = arith.constant 0 : index
    %swap3A_245 = arith.constant 0 : index
    %swap3A_246 = vector.load %arg3[%swap3A_241, %swap3A_242, %swap3A_243, %swap3A_244, %swap3A_245] : memref<1x8x128x8x128xf32, #tpu.memory_space<vmem>>, vector<1x8x1x8x128xf32>
    %swap3A_247 = vector.shape_cast %swap3A_246 : vector<1x8x1x8x128xf32> to vector<8x8x128xf32>
    %swap3A_248 = vector.shape_cast %reshape3A_240 : vector<8x8x128xf32> to vector<1x8x1x8x128xf32>
    tpu.vector_store %arg3[%swap3A_241, %swap3A_242, %swap3A_243, %swap3A_244, %swap3A_245], %swap3A_248 {strides = array<i32>} : memref<1x8x128x8x128xf32, #tpu.memory_space<vmem>>, vector<1x8x1x8x128xf32>,
    %get3A_249 = arith.constant 0 : index
    %get3A_250 = arith.constant 9 : index
    %get3A_251 = arith.constant 0 : index
    %get3A_252 = arith.constant 0 : index
    %get3A_253 = vector.load %arg2[%get3A_249, %get3A_250, %get3A_251, %get3A_252] : memref<1x64x128x128xf32, #tpu.memory_space<vmem>>, vector<1x1x128x128xf32>
    %get3A_254 = vector.shape_cast %get3A_253 : vector<1x1x128x128xf32> to vector<128x128xf32>
    %dot_general3A_255 = arith.constant dense<0.000000e+00> : vector<128x128xf32>
    %dot_general3A_256 = tpu.matmul %get3A_254, %convert_element_type3A_1, %dot_general3A_255 {dimension_numbers = #tpu.dot_dimension_numbers<[0], [0], [1], [1], [0, 1, 1, 1], [], []>, transpose_lhs_hint = false} : vector<128x128xf32>, vector<128x128xf32>, vector<128x128xf32> -> vector<128x128xf32>
    %slice3A_257 = vector.extract_strided_slice %dot_general3A_256 {offsets = [0, 0], sizes = [64, 128], strides = [1, 1]} : vector<128x128xf32> to vector<64x128xf32>
    %reshape3A_258 = vector.shape_cast %slice3A_257 : vector<64x128xf32> to vector<8x8x128xf32>
    %swap3A_259 = arith.constant 0 : index
    %swap3A_260 = arith.constant 0 : index
    %swap3A_261 = arith.constant 18 : index
    %swap3A_262 = arith.constant 0 : index
    %swap3A_263 = arith.constant 0 : index
    %swap3A_264 = vector.load %arg3[%swap3A_259, %swap3A_260, %swap3A_261, %swap3A_262, %swap3A_263] : memref<1x8x128x8x128xf32, #tpu.memory_space<vmem>>, vector<1x8x1x8x128xf32>
    %swap3A_265 = vector.shape_cast %swap3A_264 : vector<1x8x1x8x128xf32> to vector<8x8x128xf32>
    %swap3A_266 = vector.shape_cast %reshape3A_258 : vector<8x8x128xf32> to vector<1x8x1x8x128xf32>
    tpu.vector_store %arg3[%swap3A_259, %swap3A_260, %swap3A_261, %swap3A_262, %swap3A_263], %swap3A_266 {strides = array<i32>} : memref<1x8x128x8x128xf32, #tpu.memory_space<vmem>>, vector<1x8x1x8x128xf32>,
    %slice3A_267 = vector.extract_strided_slice %dot_general3A_256 {offsets = [64, 0], sizes = [64, 128], strides = [1, 1]} : vector<128x128xf32> to vector<64x128xf32>
    %reshape3A_268 = vector.shape_cast %slice3A_267 : vector<64x128xf32> to vector<8x8x128xf32>
    %swap3A_269 = arith.constant 0 : index
    %swap3A_270 = arith.constant 0 : index
    %swap3A_271 = arith.constant 19 : index
    %swap3A_272 = arith.constant 0 : index
    %swap3A_273 = arith.constant 0 : index
    %swap3A_274 = vector.load %arg3[%swap3A_269, %swap3A_270, %swap3A_271, %swap3A_272, %swap3A_273] : memref<1x8x128x8x128xf32, #tpu.memory_space<vmem>>, vector<1x8x1x8x128xf32>
    %swap3A_275 = vector.shape_cast %swap3A_274 : vector<1x8x1x8x128xf32> to vector<8x8x128xf32>
    %swap3A_276 = vector.shape_cast %reshape3A_268 : vector<8x8x128xf32> to vector<1x8x1x8x128xf32>
    tpu.vector_store %arg3[%swap3A_269, %swap3A_270, %swap3A_271, %swap3A_272, %swap3A_273], %swap3A_276 {strides = array<i32>} : memref<1x8x128x8x128xf32, #tpu.memory_space<vmem>>, vector<1x8x1x8x128xf32>,
    %get3A_277 = arith.constant 0 : index
    %get3A_278 = arith.constant 10 : index
    %get3A_279 = arith.constant 0 : index
    %get3A_280 = arith.constant 0 : index
    %get3A_281 = vector.load %arg2[%get3A_277, %get3A_278, %get3A_279, %get3A_280] : memref<1x64x128x128xf32, #tpu.memory_space<vmem>>, vector<1x1x128x128xf32>
    %get3A_282 = vector.shape_cast %get3A_281 : vector<1x1x128x128xf32> to vector<128x128xf32>
    %dot_general3A_283 = arith.constant dense<0.000000e+00> : vector<128x128xf32>
    %dot_general3A_284 = tpu.matmul %get3A_282, %convert_element_type3A_1, %dot_general3A_283 {dimension_numbers = #tpu.dot_dimension_numbers<[0], [0], [1], [1], [0, 1, 1, 1], [], []>, transpose_lhs_hint = false} : vector<128x128xf32>, vector<128x128xf32>, vector<128x128xf32> -> vector<128x128xf32>
    %slice3A_285 = vector.extract_strided_slice %dot_general3A_284 {offsets = [0, 0], sizes = [64, 128], strides = [1, 1]} : vector<128x128xf32> to vector<64x128xf32>
    %reshape3A_286 = vector.shape_cast %slice3A_285 : vector<64x128xf32> to vector<8x8x128xf32>
    %swap3A_287 = arith.constant 0 : index
    %swap3A_288 = arith.constant 0 : index
    %swap3A_289 = arith.constant 20 : index
    %swap3A_290 = arith.constant 0 : index
    %swap3A_291 = arith.constant 0 : index
    %swap3A_292 = vector.load %arg3[%swap3A_287, %swap3A_288, %swap3A_289, %swap3A_290, %swap3A_291] : memref<1x8x128x8x128xf32, #tpu.memory_space<vmem>>, vector<1x8x1x8x128xf32>
    %swap3A_293 = vector.shape_cast %swap3A_292 : vector<1x8x1x8x128xf32> to vector<8x8x128xf32>
    %swap3A_294 = vector.shape_cast %reshape3A_286 : vector<8x8x128xf32> to vector<1x8x1x8x128xf32>
    tpu.vector_store %arg3[%swap3A_287, %swap3A_288, %swap3A_289, %swap3A_290, %swap3A_291], %swap3A_294 {strides = array<i32>} : memref<1x8x128x8x128xf32, #tpu.memory_space<vmem>>, vector<1x8x1x8x128xf32>,
    %slice3A_295 = vector.extract_strided_slice %dot_general3A_284 {offsets = [64, 0], sizes = [64, 128], strides = [1, 1]} : vector<128x128xf32> to vector<64x128xf32>
    %reshape3A_296 = vector.shape_cast %slice3A_295 : vector<64x128xf32> to vector<8x8x128xf32>
    %swap3A_297 = arith.constant 0 : index
    %swap3A_298 = arith.constant 0 : index
    %swap3A_299 = arith.constant 21 : index
    %swap3A_300 = arith.constant 0 : index
    %swap3A_301 = arith.constant 0 : index
    %swap3A_302 = vector.load %arg3[%swap3A_297, %swap3A_298, %swap3A_299, %swap3A_300, %swap3A_301] : memref<1x8x128x8x128xf32, #tpu.memory_space<vmem>>, vector<1x8x1x8x128xf32>
    %swap3A_303 = vector.shape_cast %swap3A_302 : vector<1x8x1x8x128xf32> to vector<8x8x128xf32>
    %swap3A_304 = vector.shape_cast %reshape3A_296 : vector<8x8x128xf32> to vector<1x8x1x8x128xf32>
    tpu.vector_store %arg3[%swap3A_297, %swap3A_298, %swap3A_299, %swap3A_300, %swap3A_301], %swap3A_304 {strides = array<i32>} : memref<1x8x128x8x128xf32, #tpu.memory_space<vmem>>, vector<1x8x1x8x128xf32>,
    %get3A_305 = arith.constant 0 : index
    %get3A_306 = arith.constant 11 : index
    %get3A_307 = arith.constant 0 : index
    %get3A_308 = arith.constant 0 : index
    %get3A_309 = vector.load %arg2[%get3A_305, %get3A_306, %get3A_307, %get3A_308] : memref<1x64x128x128xf32, #tpu.memory_space<vmem>>, vector<1x1x128x128xf32>
    %get3A_310 = vector.shape_cast %get3A_309 : vector<1x1x128x128xf32> to vector<128x128xf32>
    %dot_general3A_311 = arith.constant dense<0.000000e+00> : vector<128x128xf32>
    %dot_general3A_312 = tpu.matmul %get3A_310, %convert_element_type3A_1, %dot_general3A_311 {dimension_numbers = #tpu.dot_dimension_numbers<[0], [0], [1], [1], [0, 1, 1, 1], [], []>, transpose_lhs_hint = false} : vector<128x128xf32>, vector<128x128xf32>, vector<128x128xf32> -> vector<128x128xf32>
    %slice3A_313 = vector.extract_strided_slice %dot_general3A_312 {offsets = [0, 0], sizes = [64, 128], strides = [1, 1]} : vector<128x128xf32> to vector<64x128xf32>
    %reshape3A_314 = vector.shape_cast %slice3A_313 : vector<64x128xf32> to vector<8x8x128xf32>
    %swap3A_315 = arith.constant 0 : index
    %swap3A_316 = arith.constant 0 : index
    %swap3A_317 = arith.constant 22 : index
    %swap3A_318 = arith.constant 0 : index
    %swap3A_319 = arith.constant 0 : index
    %swap3A_320 = vector.load %arg3[%swap3A_315, %swap3A_316, %swap3A_317, %swap3A_318, %swap3A_319] : memref<1x8x128x8x128xf32, #tpu.memory_space<vmem>>, vector<1x8x1x8x128xf32>
    %swap3A_321 = vector.shape_cast %swap3A_320 : vector<1x8x1x8x128xf32> to vector<8x8x128xf32>
    %swap3A_322 = vector.shape_cast %reshape3A_314 : vector<8x8x128xf32> to vector<1x8x1x8x128xf32>
    tpu.vector_store %arg3[%swap3A_315, %swap3A_316, %swap3A_317, %swap3A_318, %swap3A_319], %swap3A_322 {strides = array<i32>} : memref<1x8x128x8x128xf32, #tpu.memory_space<vmem>>, vector<1x8x1x8x128xf32>,
    %slice3A_323 = vector.extract_strided_slice %dot_general3A_312 {offsets = [64, 0], sizes = [64, 128], strides = [1, 1]} : vector<128x128xf32> to vector<64x128xf32>
    %reshape3A_324 = vector.shape_cast %slice3A_323 : vector<64x128xf32> to vector<8x8x128xf32>
    %swap3A_325 = arith.constant 0 : index
    %swap3A_326 = arith.constant 0 : index
    %swap3A_327 = arith.constant 23 : index
    %swap3A_328 = arith.constant 0 : index
    %swap3A_329 = arith.constant 0 : index
    %swap3A_330 = vector.load %arg3[%swap3A_325, %swap3A_326, %swap3A_327, %swap3A_328, %swap3A_329] : memref<1x8x128x8x128xf32, #tpu.memory_space<vmem>>, vector<1x8x1x8x128xf32>
    %swap3A_331 = vector.shape_cast %swap3A_330 : vector<1x8x1x8x128xf32> to vector<8x8x128xf32>
    %swap3A_332 = vector.shape_cast %reshape3A_324 : vector<8x8x128xf32> to vector<1x8x1x8x128xf32>
    tpu.vector_store %arg3[%swap3A_325, %swap3A_326, %swap3A_327, %swap3A_328, %swap3A_329], %swap3A_332 {strides = array<i32>} : memref<1x8x128x8x128xf32, #tpu.memory_space<vmem>>, vector<1x8x1x8x128xf32>,
    %get3A_333 = arith.constant 0 : index
    %get3A_334 = arith.constant 12 : index
    %get3A_335 = arith.constant 0 : index
    %get3A_336 = arith.constant 0 : index
    %get3A_337 = vector.load %arg2[%get3A_333, %get3A_334, %get3A_335, %get3A_336] : memref<1x64x128x128xf32, #tpu.memory_space<vmem>>, vector<1x1x128x128xf32>
    %get3A_338 = vector.shape_cast %get3A_337 : vector<1x1x128x128xf32> to vector<128x128xf32>
    %dot_general3A_339 = arith.constant dense<0.000000e+00> : vector<128x128xf32>
    %dot_general3A_340 = tpu.matmul %get3A_338, %convert_element_type3A_1, %dot_general3A_339 {dimension_numbers = #tpu.dot_dimension_numbers<[0], [0], [1], [1], [0, 1, 1, 1], [], []>, transpose_lhs_hint = false} : vector<128x128xf32>, vector<128x128xf32>, vector<128x128xf32> -> vector<128x128xf32>
    %slice3A_341 = vector.extract_strided_slice %dot_general3A_340 {offsets = [0, 0], sizes = [64, 128], strides = [1, 1]} : vector<128x128xf32> to vector<64x128xf32>
    %reshape3A_342 = vector.shape_cast %slice3A_341 : vector<64x128xf32> to vector<8x8x128xf32>
    %swap3A_343 = arith.constant 0 : index
    %swap3A_344 = arith.constant 0 : index
    %swap3A_345 = arith.constant 24 : index
    %swap3A_346 = arith.constant 0 : index
    %swap3A_347 = arith.constant 0 : index
    %swap3A_348 = vector.load %arg3[%swap3A_343, %swap3A_344, %swap3A_345, %swap3A_346, %swap3A_347] : memref<1x8x128x8x128xf32, #tpu.memory_space<vmem>>, vector<1x8x1x8x128xf32>
    %swap3A_349 = vector.shape_cast %swap3A_348 : vector<1x8x1x8x128xf32> to vector<8x8x128xf32>
    %swap3A_350 = vector.shape_cast %reshape3A_342 : vector<8x8x128xf32> to vector<1x8x1x8x128xf32>
    tpu.vector_store %arg3[%swap3A_343, %swap3A_344, %swap3A_345, %swap3A_346, %swap3A_347], %swap3A_350 {strides = array<i32>} : memref<1x8x128x8x128xf32, #tpu.memory_space<vmem>>, vector<1x8x1x8x128xf32>,
    %slice3A_351 = vector.extract_strided_slice %dot_general3A_340 {offsets = [64, 0], sizes = [64, 128], strides = [1, 1]} : vector<128x128xf32> to vector<64x128xf32>
    %reshape3A_352 = vector.shape_cast %slice3A_351 : vector<64x128xf32> to vector<8x8x128xf32>
    %swap3A_353 = arith.constant 0 : index
    %swap3A_354 = arith.constant 0 : index
    %swap3A_355 = arith.constant 25 : index
    %swap3A_356 = arith.constant 0 : index
    %swap3A_357 = arith.constant 0 : index
    %swap3A_358 = vector.load %arg3[%swap3A_353, %swap3A_354, %swap3A_355, %swap3A_356, %swap3A_357] : memref<1x8x128x8x128xf32, #tpu.memory_space<vmem>>, vector<1x8x1x8x128xf32>
    %swap3A_359 = vector.shape_cast %swap3A_358 : vector<1x8x1x8x128xf32> to vector<8x8x128xf32>
    %swap3A_360 = vector.shape_cast %reshape3A_352 : vector<8x8x128xf32> to vector<1x8x1x8x128xf32>
    tpu.vector_store %arg3[%swap3A_353, %swap3A_354, %swap3A_355, %swap3A_356, %swap3A_357], %swap3A_360 {strides = array<i32>} : memref<1x8x128x8x128xf32, #tpu.memory_space<vmem>>, vector<1x8x1x8x128xf32>,
    %get3A_361 = arith.constant 0 : index
    %get3A_362 = arith.constant 13 : index
    %get3A_363 = arith.constant 0 : index
    %get3A_364 = arith.constant 0 : index
    %get3A_365 = vector.load %arg2[%get3A_361, %get3A_362, %get3A_363, %get3A_364] : memref<1x64x128x128xf32, #tpu.memory_space<vmem>>, vector<1x1x128x128xf32>
    %get3A_366 = vector.shape_cast %get3A_365 : vector<1x1x128x128xf32> to vector<128x128xf32>
    %dot_general3A_367 = arith.constant dense<0.000000e+00> : vector<128x128xf32>
    %dot_general3A_368 = tpu.matmul %get3A_366, %convert_element_type3A_1, %dot_general3A_367 {dimension_numbers = #tpu.dot_dimension_numbers<[0], [0], [1], [1], [0, 1, 1, 1], [], []>, transpose_lhs_hint = false} : vector<128x128xf32>, vector<128x128xf32>, vector<128x128xf32> -> vector<128x128xf32>
    %slice3A_369 = vector.extract_strided_slice %dot_general3A_368 {offsets = [0, 0], sizes = [64, 128], strides = [1, 1]} : vector<128x128xf32> to vector<64x128xf32>
    %reshape3A_370 = vector.shape_cast %slice3A_369 : vector<64x128xf32> to vector<8x8x128xf32>
    %swap3A_371 = arith.constant 0 : index
    %swap3A_372 = arith.constant 0 : index
    %swap3A_373 = arith.constant 26 : index
    %swap3A_374 = arith.constant 0 : index
    %swap3A_375 = arith.constant 0 : index
    %swap3A_376 = vector.load %arg3[%swap3A_371, %swap3A_372, %swap3A_373, %swap3A_374, %swap3A_375] : memref<1x8x128x8x128xf32, #tpu.memory_space<vmem>>, vector<1x8x1x8x128xf32>
    %swap3A_377 = vector.shape_cast %swap3A_376 : vector<1x8x1x8x128xf32> to vector<8x8x128xf32>
    %swap3A_378 = vector.shape_cast %reshape3A_370 : vector<8x8x128xf32> to vector<1x8x1x8x128xf32>
    tpu.vector_store %arg3[%swap3A_371, %swap3A_372, %swap3A_373, %swap3A_374, %swap3A_375], %swap3A_378 {strides = array<i32>} : memref<1x8x128x8x128xf32, #tpu.memory_space<vmem>>, vector<1x8x1x8x128xf32>,
    %slice3A_379 = vector.extract_strided_slice %dot_general3A_368 {offsets = [64, 0], sizes = [64, 128], strides = [1, 1]} : vector<128x128xf32> to vector<64x128xf32>
    %reshape3A_380 = vector.shape_cast %slice3A_379 : vector<64x128xf32> to vector<8x8x128xf32>
    %swap3A_381 = arith.constant 0 : index
    %swap3A_382 = arith.constant 0 : index
    %swap3A_383 = arith.constant 27 : index
    %swap3A_384 = arith.constant 0 : index
    %swap3A_385 = arith.constant 0 : index
    %swap3A_386 = vector.load %arg3[%swap3A_381, %swap3A_382, %swap3A_383, %swap3A_384, %swap3A_385] : memref<1x8x128x8x128xf32, #tpu.memory_space<vmem>>, vector<1x8x1x8x128xf32>
    %swap3A_387 = vector.shape_cast %swap3A_386 : vector<1x8x1x8x128xf32> to vector<8x8x128xf32>
    %swap3A_388 = vector.shape_cast %reshape3A_380 : vector<8x8x128xf32> to vector<1x8x1x8x128xf32>
    tpu.vector_store %arg3[%swap3A_381, %swap3A_382, %swap3A_383, %swap3A_384, %swap3A_385], %swap3A_388 {strides = array<i32>} : memref<1x8x128x8x128xf32, #tpu.memory_space<vmem>>, vector<1x8x1x8x128xf32>,
    %get3A_389 = arith.constant 0 : index
    %get3A_390 = arith.constant 14 : index
    %get3A_391 = arith.constant 0 : index
    %get3A_392 = arith.constant 0 : index
    %get3A_393 = vector.load %arg2[%get3A_389, %get3A_390, %get3A_391, %get3A_392] : memref<1x64x128x128xf32, #tpu.memory_space<vmem>>, vector<1x1x128x128xf32>
    %get3A_394 = vector.shape_cast %get3A_393 : vector<1x1x128x128xf32> to vector<128x128xf32>
    %dot_general3A_395 = arith.constant dense<0.000000e+00> : vector<128x128xf32>
    %dot_general3A_396 = tpu.matmul %get3A_394, %convert_element_type3A_1, %dot_general3A_395 {dimension_numbers = #tpu.dot_dimension_numbers<[0], [0], [1], [1], [0, 1, 1, 1], [], []>, transpose_lhs_hint = false} : vector<128x128xf32>, vector<128x128xf32>, vector<128x128xf32> -> vector<128x128xf32>
    %slice3A_397 = vector.extract_strided_slice %dot_general3A_396 {offsets = [0, 0], sizes = [64, 128], strides = [1, 1]} : vector<128x128xf32> to vector<64x128xf32>
    %reshape3A_398 = vector.shape_cast %slice3A_397 : vector<64x128xf32> to vector<8x8x128xf32>
    %swap3A_399 = arith.constant 0 : index
    %swap3A_400 = arith.constant 0 : index
    %swap3A_401 = arith.constant 28 : index
    %swap3A_402 = arith.constant 0 : index
    %swap3A_403 = arith.constant 0 : index
    %swap3A_404 = vector.load %arg3[%swap3A_399, %swap3A_400, %swap3A_401, %swap3A_402, %swap3A_403] : memref<1x8x128x8x128xf32, #tpu.memory_space<vmem>>, vector<1x8x1x8x128xf32>
    %swap3A_405 = vector.shape_cast %swap3A_404 : vector<1x8x1x8x128xf32> to vector<8x8x128xf32>
    %swap3A_406 = vector.shape_cast %reshape3A_398 : vector<8x8x128xf32> to vector<1x8x1x8x128xf32>
    tpu.vector_store %arg3[%swap3A_399, %swap3A_400, %swap3A_401, %swap3A_402, %swap3A_403], %swap3A_406 {strides = array<i32>} : memref<1x8x128x8x128xf32, #tpu.memory_space<vmem>>, vector<1x8x1x8x128xf32>,
    %slice3A_407 = vector.extract_strided_slice %dot_general3A_396 {offsets = [64, 0], sizes = [64, 128], strides = [1, 1]} : vector<128x128xf32> to vector<64x128xf32>
    %reshape3A_408 = vector.shape_cast %slice3A_407 : vector<64x128xf32> to vector<8x8x128xf32>
    %swap3A_409 = arith.constant 0 : index
    %swap3A_410 = arith.constant 0 : index
    %swap3A_411 = arith.constant 29 : index
    %swap3A_412 = arith.constant 0 : index
    %swap3A_413 = arith.constant 0 : index
    %swap3A_414 = vector.load %arg3[%swap3A_409, %swap3A_410, %swap3A_411, %swap3A_412, %swap3A_413] : memref<1x8x128x8x128xf32, #tpu.memory_space<vmem>>, vector<1x8x1x8x128xf32>
    %swap3A_415 = vector.shape_cast %swap3A_414 : vector<1x8x1x8x128xf32> to vector<8x8x128xf32>
    %swap3A_416 = vector.shape_cast %reshape3A_408 : vector<8x8x128xf32> to vector<1x8x1x8x128xf32>
    tpu.vector_store %arg3[%swap3A_409, %swap3A_410, %swap3A_411, %swap3A_412, %swap3A_413], %swap3A_416 {strides = array<i32>} : memref<1x8x128x8x128xf32, #tpu.memory_space<vmem>>, vector<1x8x1x8x128xf32>,
    %get3A_417 = arith.constant 0 : index
    %get3A_418 = arith.constant 15 : index
    %get3A_419 = arith.constant 0 : index
    %get3A_420 = arith.constant 0 : index
    %get3A_421 = vector.load %arg2[%get3A_417, %get3A_418, %get3A_419, %get3A_420] : memref<1x64x128x128xf32, #tpu.memory_space<vmem>>, vector<1x1x128x128xf32>
    %get3A_422 = vector.shape_cast %get3A_421 : vector<1x1x128x128xf32> to vector<128x128xf32>
    %dot_general3A_423 = arith.constant dense<0.000000e+00> : vector<128x128xf32>
    %dot_general3A_424 = tpu.matmul %get3A_422, %convert_element_type3A_1, %dot_general3A_423 {dimension_numbers = #tpu.dot_dimension_numbers<[0], [0], [1], [1], [0, 1, 1, 1], [], []>, transpose_lhs_hint = false} : vector<128x128xf32>, vector<128x128xf32>, vector<128x128xf32> -> vector<128x128xf32>
    %slice3A_425 = vector.extract_strided_slice %dot_general3A_424 {offsets = [0, 0], sizes = [64, 128], strides = [1, 1]} : vector<128x128xf32> to vector<64x128xf32>
    %reshape3A_426 = vector.shape_cast %slice3A_425 : vector<64x128xf32> to vector<8x8x128xf32>
    %swap3A_427 = arith.constant 0 : index
    %swap3A_428 = arith.constant 0 : index
    %swap3A_429 = arith.constant 30 : index
    %swap3A_430 = arith.constant 0 : index
    %swap3A_431 = arith.constant 0 : index
    %swap3A_432 = vector.load %arg3[%swap3A_427, %swap3A_428, %swap3A_429, %swap3A_430, %swap3A_431] : memref<1x8x128x8x128xf32, #tpu.memory_space<vmem>>, vector<1x8x1x8x128xf32>
    %swap3A_433 = vector.shape_cast %swap3A_432 : vector<1x8x1x8x128xf32> to vector<8x8x128xf32>
    %swap3A_434 = vector.shape_cast %reshape3A_426 : vector<8x8x128xf32> to vector<1x8x1x8x128xf32>
    tpu.vector_store %arg3[%swap3A_427, %swap3A_428, %swap3A_429, %swap3A_430, %swap3A_431], %swap3A_434 {strides = array<i32>} : memref<1x8x128x8x128xf32, #tpu.memory_space<vmem>>, vector<1x8x1x8x128xf32>,
    %slice3A_435 = vector.extract_strided_slice %dot_general3A_424 {offsets = [64, 0], sizes = [64, 128], strides = [1, 1]} : vector<128x128xf32> to vector<64x128xf32>
    %reshape3A_436 = vector.shape_cast %slice3A_435 : vector<64x128xf32> to vector<8x8x128xf32>
    %swap3A_437 = arith.constant 0 : index
    %swap3A_438 = arith.constant 0 : index
    %swap3A_439 = arith.constant 31 : index
    %swap3A_440 = arith.constant 0 : index
    %swap3A_441 = arith.constant 0 : index
    %swap3A_442 = vector.load %arg3[%swap3A_437, %swap3A_438, %swap3A_439, %swap3A_440, %swap3A_441] : memref<1x8x128x8x128xf32, #tpu.memory_space<vmem>>, vector<1x8x1x8x128xf32>
    %swap3A_443 = vector.shape_cast %swap3A_442 : vector<1x8x1x8x128xf32> to vector<8x8x128xf32>
    %swap3A_444 = vector.shape_cast %reshape3A_436 : vector<8x8x128xf32> to vector<1x8x1x8x128xf32>
    tpu.vector_store %arg3[%swap3A_437, %swap3A_438, %swap3A_439, %swap3A_440, %swap3A_441], %swap3A_444 {strides = array<i32>} : memref<1x8x128x8x128xf32, #tpu.memory_space<vmem>>, vector<1x8x1x8x128xf32>,
    %get3A_445 = arith.constant 0 : index
    %get3A_446 = arith.constant 16 : index
    %get3A_447 = arith.constant 0 : index
    %get3A_448 = arith.constant 0 : index
    %get3A_449 = vector.load %arg2[%get3A_445, %get3A_446, %get3A_447, %get3A_448] : memref<1x64x128x128xf32, #tpu.memory_space<vmem>>, vector<1x1x128x128xf32>
    %get3A_450 = vector.shape_cast %get3A_449 : vector<1x1x128x128xf32> to vector<128x128xf32>
    %dot_general3A_451 = arith.constant dense<0.000000e+00> : vector<128x128xf32>
    %dot_general3A_452 = tpu.matmul %get3A_450, %convert_element_type3A_1, %dot_general3A_451 {dimension_numbers = #tpu.dot_dimension_numbers<[0], [0], [1], [1], [0, 1, 1, 1], [], []>, transpose_lhs_hint = false} : vector<128x128xf32>, vector<128x128xf32>, vector<128x128xf32> -> vector<128x128xf32>
    %slice3A_453 = vector.extract_strided_slice %dot_general3A_452 {offsets = [0, 0], sizes = [64, 128], strides = [1, 1]} : vector<128x128xf32> to vector<64x128xf32>
    %reshape3A_454 = vector.shape_cast %slice3A_453 : vector<64x128xf32> to vector<8x8x128xf32>
    %swap3A_455 = arith.constant 0 : index
    %swap3A_456 = arith.constant 0 : index
    %swap3A_457 = arith.constant 32 : index
    %swap3A_458 = arith.constant 0 : index
    %swap3A_459 = arith.constant 0 : index
    %swap3A_460 = vector.load %arg3[%swap3A_455, %swap3A_456, %swap3A_457, %swap3A_458, %swap3A_459] : memref<1x8x128x8x128xf32, #tpu.memory_space<vmem>>, vector<1x8x1x8x128xf32>
    %swap3A_461 = vector.shape_cast %swap3A_460 : vector<1x8x1x8x128xf32> to vector<8x8x128xf32>
    %swap3A_462 = vector.shape_cast %reshape3A_454 : vector<8x8x128xf32> to vector<1x8x1x8x128xf32>
    tpu.vector_store %arg3[%swap3A_455, %swap3A_456, %swap3A_457, %swap3A_458, %swap3A_459], %swap3A_462 {strides = array<i32>} : memref<1x8x128x8x128xf32, #tpu.memory_space<vmem>>, vector<1x8x1x8x128xf32>,
    %slice3A_463 = vector.extract_strided_slice %dot_general3A_452 {offsets = [64, 0], sizes = [64, 128], strides = [1, 1]} : vector<128x128xf32> to vector<64x128xf32>
    %reshape3A_464 = vector.shape_cast %slice3A_463 : vector<64x128xf32> to vector<8x8x128xf32>
    %swap3A_465 = arith.constant 0 : index
    %swap3A_466 = arith.constant 0 : index
    %swap3A_467 = arith.constant 33 : index
    %swap3A_468 = arith.constant 0 : index
    %swap3A_469 = arith.constant 0 : index
    %swap3A_470 = vector.load %arg3[%swap3A_465, %swap3A_466, %swap3A_467, %swap3A_468, %swap3A_469] : memref<1x8x128x8x128xf32, #tpu.memory_space<vmem>>, vector<1x8x1x8x128xf32>
    %swap3A_471 = vector.shape_cast %swap3A_470 : vector<1x8x1x8x128xf32> to vector<8x8x128xf32>
    %swap3A_472 = vector.shape_cast %reshape3A_464 : vector<8x8x128xf32> to vector<1x8x1x8x128xf32>
    tpu.vector_store %arg3[%swap3A_465, %swap3A_466, %swap3A_467, %swap3A_468, %swap3A_469], %swap3A_472 {strides = array<i32>} : memref<1x8x128x8x128xf32, #tpu.memory_space<vmem>>, vector<1x8x1x8x128xf32>,
    %get3A_473 = arith.constant 0 : index
    %get3A_474 = arith.constant 17 : index
    %get3A_475 = arith.constant 0 : index
    %get3A_476 = arith.constant 0 : index
    %get3A_477 = vector.load %arg2[%get3A_473, %get3A_474, %get3A_475, %get3A_476] : memref<1x64x128x128xf32, #tpu.memory_space<vmem>>, vector<1x1x128x128xf32>
    %get3A_478 = vector.shape_cast %get3A_477 : vector<1x1x128x128xf32> to vector<128x128xf32>
    %dot_general3A_479 = arith.constant dense<0.000000e+00> : vector<128x128xf32>
    %dot_general3A_480 = tpu.matmul %get3A_478, %convert_element_type3A_1, %dot_general3A_479 {dimension_numbers = #tpu.dot_dimension_numbers<[0], [0], [1], [1], [0, 1, 1, 1], [], []>, transpose_lhs_hint = false} : vector<128x128xf32>, vector<128x128xf32>, vector<128x128xf32> -> vector<128x128xf32>
    %slice3A_481 = vector.extract_strided_slice %dot_general3A_480 {offsets = [0, 0], sizes = [64, 128], strides = [1, 1]} : vector<128x128xf32> to vector<64x128xf32>
    %reshape3A_482 = vector.shape_cast %slice3A_481 : vector<64x128xf32> to vector<8x8x128xf32>
    %swap3A_483 = arith.constant 0 : index
    %swap3A_484 = arith.constant 0 : index
    %swap3A_485 = arith.constant 34 : index
    %swap3A_486 = arith.constant 0 : index
    %swap3A_487 = arith.constant 0 : index
    %swap3A_488 = vector.load %arg3[%swap3A_483, %swap3A_484, %swap3A_485, %swap3A_486, %swap3A_487] : memref<1x8x128x8x128xf32, #tpu.memory_space<vmem>>, vector<1x8x1x8x128xf32>
    %swap3A_489 = vector.shape_cast %swap3A_488 : vector<1x8x1x8x128xf32> to vector<8x8x128xf32>
    %swap3A_490 = vector.shape_cast %reshape3A_482 : vector<8x8x128xf32> to vector<1x8x1x8x128xf32>
    tpu.vector_store %arg3[%swap3A_483, %swap3A_484, %swap3A_485, %swap3A_486, %swap3A_487], %swap3A_490 {strides = array<i32>} : memref<1x8x128x8x128xf32, #tpu.memory_space<vmem>>, vector<1x8x1x8x128xf32>,
    %slice3A_491 = vector.extract_strided_slice %dot_general3A_480 {offsets = [64, 0], sizes = [64, 128], strides = [1, 1]} : vector<128x128xf32> to vector<64x128xf32>
    %reshape3A_492 = vector.shape_cast %slice3A_491 : vector<64x128xf32> to vector<8x8x128xf32>
    %swap3A_493 = arith.constant 0 : index
    %swap3A_494 = arith.constant 0 : index
    %swap3A_495 = arith.constant 35 : index
    %swap3A_496 = arith.constant 0 : index
    %swap3A_497 = arith.constant 0 : index
    %swap3A_498 = vector.load %arg3[%swap3A_493, %swap3A_494, %swap3A_495, %swap3A_496, %swap3A_497] : memref<1x8x128x8x128xf32, #tpu.memory_space<vmem>>, vector<1x8x1x8x128xf32>
    %swap3A_499 = vector.shape_cast %swap3A_498 : vector<1x8x1x8x128xf32> to vector<8x8x128xf32>
    %swap3A_500 = vector.shape_cast %reshape3A_492 : vector<8x8x128xf32> to vector<1x8x1x8x128xf32>
    tpu.vector_store %arg3[%swap3A_493, %swap3A_494, %swap3A_495, %swap3A_496, %swap3A_497], %swap3A_500 {strides = array<i32>} : memref<1x8x128x8x128xf32, #tpu.memory_space<vmem>>, vector<1x8x1x8x128xf32>,
    %get3A_501 = arith.constant 0 : index
    %get3A_502 = arith.constant 18 : index
    %get3A_503 = arith.constant 0 : index
    %get3A_504 = arith.constant 0 : index
    %get3A_505 = vector.load %arg2[%get3A_501, %get3A_502, %get3A_503, %get3A_504] : memref<1x64x128x128xf32, #tpu.memory_space<vmem>>, vector<1x1x128x128xf32>
    %get3A_506 = vector.shape_cast %get3A_505 : vector<1x1x128x128xf32> to vector<128x128xf32>
    %dot_general3A_507 = arith.constant dense<0.000000e+00> : vector<128x128xf32>
    %dot_general3A_508 = tpu.matmul %get3A_506, %convert_element_type3A_1, %dot_general3A_507 {dimension_numbers = #tpu.dot_dimension_numbers<[0], [0], [1], [1], [0, 1, 1, 1], [], []>, transpose_lhs_hint = false} : vector<128x128xf32>, vector<128x128xf32>, vector<128x128xf32> -> vector<128x128xf32>
    %slice3A_509 = vector.extract_strided_slice %dot_general3A_508 {offsets = [0, 0], sizes = [64, 128], strides = [1, 1]} : vector<128x128xf32> to vector<64x128xf32>
    %reshape3A_510 = vector.shape_cast %slice3A_509 : vector<64x128xf32> to vector<8x8x128xf32>
    %swap3A_511 = arith.constant 0 : index
    %swap3A_512 = arith.constant 0 : index
    %swap3A_513 = arith.constant 36 : index
    %swap3A_514 = arith.constant 0 : index
    %swap3A_515 = arith.constant 0 : index
    %swap3A_516 = vector.load %arg3[%swap3A_511, %swap3A_512, %swap3A_513, %swap3A_514, %swap3A_515] : memref<1x8x128x8x128xf32, #tpu.memory_space<vmem>>, vector<1x8x1x8x128xf32>
    %swap3A_517 = vector.shape_cast %swap3A_516 : vector<1x8x1x8x128xf32> to vector<8x8x128xf32>
    %swap3A_518 = vector.shape_cast %reshape3A_510 : vector<8x8x128xf32> to vector<1x8x1x8x128xf32>
    tpu.vector_store %arg3[%swap3A_511, %swap3A_512, %swap3A_513, %swap3A_514, %swap3A_515], %swap3A_518 {strides = array<i32>} : memref<1x8x128x8x128xf32, #tpu.memory_space<vmem>>, vector<1x8x1x8x128xf32>,
    %slice3A_519 = vector.extract_strided_slice %dot_general3A_508 {offsets = [64, 0], sizes = [64, 128], strides = [1, 1]} : vector<128x128xf32> to vector<64x128xf32>
    %reshape3A_520 = vector.shape_cast %slice3A_519 : vector<64x128xf32> to vector<8x8x128xf32>
    %swap3A_521 = arith.constant 0 : index
    %swap3A_522 = arith.constant 0 : index
    %swap3A_523 = arith.constant 37 : index
    %swap3A_524 = arith.constant 0 : index
    %swap3A_525 = arith.constant 0 : index
    %swap3A_526 = vector.load %arg3[%swap3A_521, %swap3A_522, %swap3A_523, %swap3A_524, %swap3A_525] : memref<1x8x128x8x128xf32, #tpu.memory_space<vmem>>, vector<1x8x1x8x128xf32>
    %swap3A_527 = vector.shape_cast %swap3A_526 : vector<1x8x1x8x128xf32> to vector<8x8x128xf32>
    %swap3A_528 = vector.shape_cast %reshape3A_520 : vector<8x8x128xf32> to vector<1x8x1x8x128xf32>
    tpu.vector_store %arg3[%swap3A_521, %swap3A_522, %swap3A_523, %swap3A_524, %swap3A_525], %swap3A_528 {strides = array<i32>} : memref<1x8x128x8x128xf32, #tpu.memory_space<vmem>>, vector<1x8x1x8x128xf32>,
    %get3A_529 = arith.constant 0 : index
    %get3A_530 = arith.constant 19 : index
    %get3A_531 = arith.constant 0 : index
    %get3A_532 = arith.constant 0 : index
    %get3A_533 = vector.load %arg2[%get3A_529, %get3A_530, %get3A_531, %get3A_532] : memref<1x64x128x128xf32, #tpu.memory_space<vmem>>, vector<1x1x128x128xf32>
    %get3A_534 = vector.shape_cast %get3A_533 : vector<1x1x128x128xf32> to vector<128x128xf32>
    %dot_general3A_535 = arith.constant dense<0.000000e+00> : vector<128x128xf32>
    %dot_general3A_536 = tpu.matmul %get3A_534, %convert_element_type3A_1, %dot_general3A_535 {dimension_numbers = #tpu.dot_dimension_numbers<[0], [0], [1], [1], [0, 1, 1, 1], [], []>, transpose_lhs_hint = false} : vector<128x128xf32>, vector<128x128xf32>, vector<128x128xf32> -> vector<128x128xf32>
    %slice3A_537 = vector.extract_strided_slice %dot_general3A_536 {offsets = [0, 0], sizes = [64, 128], strides = [1, 1]} : vector<128x128xf32> to vector<64x128xf32>
    %reshape3A_538 = vector.shape_cast %slice3A_537 : vector<64x128xf32> to vector<8x8x128xf32>
    %swap3A_539 = arith.constant 0 : index
    %swap3A_540 = arith.constant 0 : index
    %swap3A_541 = arith.constant 38 : index
    %swap3A_542 = arith.constant 0 : index
    %swap3A_543 = arith.constant 0 : index
    %swap3A_544 = vector.load %arg3[%swap3A_539, %swap3A_540, %swap3A_541, %swap3A_542, %swap3A_543] : memref<1x8x128x8x128xf32, #tpu.memory_space<vmem>>, vector<1x8x1x8x128xf32>
    %swap3A_545 = vector.shape_cast %swap3A_544 : vector<1x8x1x8x128xf32> to vector<8x8x128xf32>
    %swap3A_546 = vector.shape_cast %reshape3A_538 : vector<8x8x128xf32> to vector<1x8x1x8x128xf32>
    tpu.vector_store %arg3[%swap3A_539, %swap3A_540, %swap3A_541, %swap3A_542, %swap3A_543], %swap3A_546 {strides = array<i32>} : memref<1x8x128x8x128xf32, #tpu.memory_space<vmem>>, vector<1x8x1x8x128xf32>,
    %slice3A_547 = vector.extract_strided_slice %dot_general3A_536 {offsets = [64, 0], sizes = [64, 128], strides = [1, 1]} : vector<128x128xf32> to vector<64x128xf32>
    %reshape3A_548 = vector.shape_cast %slice3A_547 : vector<64x128xf32> to vector<8x8x128xf32>
    %swap3A_549 = arith.constant 0 : index
    %swap3A_550 = arith.constant 0 : index
    %swap3A_551 = arith.constant 39 : index
    %swap3A_552 = arith.constant 0 : index
    %swap3A_553 = arith.constant 0 : index
    %swap3A_554 = vector.load %arg3[%swap3A_549, %swap3A_550, %swap3A_551, %swap3A_552, %swap3A_553] : memref<1x8x128x8x128xf32, #tpu.memory_space<vmem>>, vector<1x8x1x8x128xf32>
    %swap3A_555 = vector.shape_cast %swap3A_554 : vector<1x8x1x8x128xf32> to vector<8x8x128xf32>
    %swap3A_556 = vector.shape_cast %reshape3A_548 : vector<8x8x128xf32> to vector<1x8x1x8x128xf32>
    tpu.vector_store %arg3[%swap3A_549, %swap3A_550, %swap3A_551, %swap3A_552, %swap3A_553], %swap3A_556 {strides = array<i32>} : memref<1x8x128x8x128xf32, #tpu.memory_space<vmem>>, vector<1x8x1x8x128xf32>,
    %get3A_557 = arith.constant 0 : index
    %get3A_558 = arith.constant 20 : index
    %get3A_559 = arith.constant 0 : index
    %get3A_560 = arith.constant 0 : index
    %get3A_561 = vector.load %arg2[%get3A_557, %get3A_558, %get3A_559, %get3A_560] : memref<1x64x128x128xf32, #tpu.memory_space<vmem>>, vector<1x1x128x128xf32>
    %get3A_562 = vector.shape_cast %get3A_561 : vector<1x1x128x128xf32> to vector<128x128xf32>
    %dot_general3A_563 = arith.constant dense<0.000000e+00> : vector<128x128xf32>
    %dot_general3A_564 = tpu.matmul %get3A_562, %convert_element_type3A_1, %dot_general3A_563 {dimension_numbers = #tpu.dot_dimension_numbers<[0], [0], [1], [1], [0, 1, 1, 1], [], []>, transpose_lhs_hint = false} : vector<128x128xf32>, vector<128x128xf32>, vector<128x128xf32> -> vector<128x128xf32>
    %slice3A_565 = vector.extract_strided_slice %dot_general3A_564 {offsets = [0, 0], sizes = [64, 128], strides = [1, 1]} : vector<128x128xf32> to vector<64x128xf32>
    %reshape3A_566 = vector.shape_cast %slice3A_565 : vector<64x128xf32> to vector<8x8x128xf32>
    %swap3A_567 = arith.constant 0 : index
    %swap3A_568 = arith.constant 0 : index
    %swap3A_569 = arith.constant 40 : index
    %swap3A_570 = arith.constant 0 : index
    %swap3A_571 = arith.constant 0 : index
    %swap3A_572 = vector.load %arg3[%swap3A_567, %swap3A_568, %swap3A_569, %swap3A_570, %swap3A_571] : memref<1x8x128x8x128xf32, #tpu.memory_space<vmem>>, vector<1x8x1x8x128xf32>
    %swap3A_573 = vector.shape_cast %swap3A_572 : vector<1x8x1x8x128xf32> to vector<8x8x128xf32>
    %swap3A_574 = vector.shape_cast %reshape3A_566 : vector<8x8x128xf32> to vector<1x8x1x8x128xf32>
    tpu.vector_store %arg3[%swap3A_567, %swap3A_568, %swap3A_569, %swap3A_570, %swap3A_571], %swap3A_574 {strides = array<i32>} : memref<1x8x128x8x128xf32, #tpu.memory_space<vmem>>, vector<1x8x1x8x128xf32>,
    %slice3A_575 = vector.extract_strided_slice %dot_general3A_564 {offsets = [64, 0], sizes = [64, 128], strides = [1, 1]} : vector<128x128xf32> to vector<64x128xf32>
    %reshape3A_576 = vector.shape_cast %slice3A_575 : vector<64x128xf32> to vector<8x8x128xf32>
    %swap3A_577 = arith.constant 0 : index
    %swap3A_578 = arith.constant 0 : index
    %swap3A_579 = arith.constant 41 : index
    %swap3A_580 = arith.constant 0 : index
    %swap3A_581 = arith.constant 0 : index
    %swap3A_582 = vector.load %arg3[%swap3A_577, %swap3A_578, %swap3A_579, %swap3A_580, %swap3A_581] : memref<1x8x128x8x128xf32, #tpu.memory_space<vmem>>, vector<1x8x1x8x128xf32>
    %swap3A_583 = vector.shape_cast %swap3A_582 : vector<1x8x1x8x128xf32> to vector<8x8x128xf32>
    %swap3A_584 = vector.shape_cast %reshape3A_576 : vector<8x8x128xf32> to vector<1x8x1x8x128xf32>
    tpu.vector_store %arg3[%swap3A_577, %swap3A_578, %swap3A_579, %swap3A_580, %swap3A_581], %swap3A_584 {strides = array<i32>} : memref<1x8x128x8x128xf32, #tpu.memory_space<vmem>>, vector<1x8x1x8x128xf32>,
    %get3A_585 = arith.constant 0 : index
    %get3A_586 = arith.constant 21 : index
    %get3A_587 = arith.constant 0 : index
    %get3A_588 = arith.constant 0 : index
    %get3A_589 = vector.load %arg2[%get3A_585, %get3A_586, %get3A_587, %get3A_588] : memref<1x64x128x128xf32, #tpu.memory_space<vmem>>, vector<1x1x128x128xf32>
    %get3A_590 = vector.shape_cast %get3A_589 : vector<1x1x128x128xf32> to vector<128x128xf32>
    %dot_general3A_591 = arith.constant dense<0.000000e+00> : vector<128x128xf32>
    %dot_general3A_592 = tpu.matmul %get3A_590, %convert_element_type3A_1, %dot_general3A_591 {dimension_numbers = #tpu.dot_dimension_numbers<[0], [0], [1], [1], [0, 1, 1, 1], [], []>, transpose_lhs_hint = false} : vector<128x128xf32>, vector<128x128xf32>, vector<128x128xf32> -> vector<128x128xf32>
    %slice3A_593 = vector.extract_strided_slice %dot_general3A_592 {offsets = [0, 0], sizes = [64, 128], strides = [1, 1]} : vector<128x128xf32> to vector<64x128xf32>
    %reshape3A_594 = vector.shape_cast %slice3A_593 : vector<64x128xf32> to vector<8x8x128xf32>
    %swap3A_595 = arith.constant 0 : index
    %swap3A_596 = arith.constant 0 : index
    %swap3A_597 = arith.constant 42 : index
    %swap3A_598 = arith.constant 0 : index
    %swap3A_599 = arith.constant 0 : index
    %swap3A_600 = vector.load %arg3[%swap3A_595, %swap3A_596, %swap3A_597, %swap3A_598, %swap3A_599] : memref<1x8x128x8x128xf32, #tpu.memory_space<vmem>>, vector<1x8x1x8x128xf32>
    %swap3A_601 = vector.shape_cast %swap3A_600 : vector<1x8x1x8x128xf32> to vector<8x8x128xf32>
    %swap3A_602 = vector.shape_cast %reshape3A_594 : vector<8x8x128xf32> to vector<1x8x1x8x128xf32>
    tpu.vector_store %arg3[%swap3A_595, %swap3A_596, %swap3A_597, %swap3A_598, %swap3A_599], %swap3A_602 {strides = array<i32>} : memref<1x8x128x8x128xf32, #tpu.memory_space<vmem>>, vector<1x8x1x8x128xf32>,
    %slice3A_603 = vector.extract_strided_slice %dot_general3A_592 {offsets = [64, 0], sizes = [64, 128], strides = [1, 1]} : vector<128x128xf32> to vector<64x128xf32>
    %reshape3A_604 = vector.shape_cast %slice3A_603 : vector<64x128xf32> to vector<8x8x128xf32>
    %swap3A_605 = arith.constant 0 : index
    %swap3A_606 = arith.constant 0 : index
    %swap3A_607 = arith.constant 43 : index
    %swap3A_608 = arith.constant 0 : index
    %swap3A_609 = arith.constant 0 : index
    %swap3A_610 = vector.load %arg3[%swap3A_605, %swap3A_606, %swap3A_607, %swap3A_608, %swap3A_609] : memref<1x8x128x8x128xf32, #tpu.memory_space<vmem>>, vector<1x8x1x8x128xf32>
    %swap3A_611 = vector.shape_cast %swap3A_610 : vector<1x8x1x8x128xf32> to vector<8x8x128xf32>
    %swap3A_612 = vector.shape_cast %reshape3A_604 : vector<8x8x128xf32> to vector<1x8x1x8x128xf32>
    tpu.vector_store %arg3[%swap3A_605, %swap3A_606, %swap3A_607, %swap3A_608, %swap3A_609], %swap3A_612 {strides = array<i32>} : memref<1x8x128x8x128xf32, #tpu.memory_space<vmem>>, vector<1x8x1x8x128xf32>,
    %get3A_613 = arith.constant 0 : index
    %get3A_614 = arith.constant 22 : index
    %get3A_615 = arith.constant 0 : index
    %get3A_616 = arith.constant 0 : index
    %get3A_617 = vector.load %arg2[%get3A_613, %get3A_614, %get3A_615, %get3A_616] : memref<1x64x128x128xf32, #tpu.memory_space<vmem>>, vector<1x1x128x128xf32>
    %get3A_618 = vector.shape_cast %get3A_617 : vector<1x1x128x128xf32> to vector<128x128xf32>
    %dot_general3A_619 = arith.constant dense<0.000000e+00> : vector<128x128xf32>
    %dot_general3A_620 = tpu.matmul %get3A_618, %convert_element_type3A_1, %dot_general3A_619 {dimension_numbers = #tpu.dot_dimension_numbers<[0], [0], [1], [1], [0, 1, 1, 1], [], []>, transpose_lhs_hint = false} : vector<128x128xf32>, vector<128x128xf32>, vector<128x128xf32> -> vector<128x128xf32>
    %slice3A_621 = vector.extract_strided_slice %dot_general3A_620 {offsets = [0, 0], sizes = [64, 128], strides = [1, 1]} : vector<128x128xf32> to vector<64x128xf32>
    %reshape3A_622 = vector.shape_cast %slice3A_621 : vector<64x128xf32> to vector<8x8x128xf32>
    %swap3A_623 = arith.constant 0 : index
    %swap3A_624 = arith.constant 0 : index
    %swap3A_625 = arith.constant 44 : index
    %swap3A_626 = arith.constant 0 : index
    %swap3A_627 = arith.constant 0 : index
    %swap3A_628 = vector.load %arg3[%swap3A_623, %swap3A_624, %swap3A_625, %swap3A_626, %swap3A_627] : memref<1x8x128x8x128xf32, #tpu.memory_space<vmem>>, vector<1x8x1x8x128xf32>
    %swap3A_629 = vector.shape_cast %swap3A_628 : vector<1x8x1x8x128xf32> to vector<8x8x128xf32>
    %swap3A_630 = vector.shape_cast %reshape3A_622 : vector<8x8x128xf32> to vector<1x8x1x8x128xf32>
    tpu.vector_store %arg3[%swap3A_623, %swap3A_624, %swap3A_625, %swap3A_626, %swap3A_627], %swap3A_630 {strides = array<i32>} : memref<1x8x128x8x128xf32, #tpu.memory_space<vmem>>, vector<1x8x1x8x128xf32>,
    %slice3A_631 = vector.extract_strided_slice %dot_general3A_620 {offsets = [64, 0], sizes = [64, 128], strides = [1, 1]} : vector<128x128xf32> to vector<64x128xf32>
    %reshape3A_632 = vector.shape_cast %slice3A_631 : vector<64x128xf32> to vector<8x8x128xf32>
    %swap3A_633 = arith.constant 0 : index
    %swap3A_634 = arith.constant 0 : index
    %swap3A_635 = arith.constant 45 : index
    %swap3A_636 = arith.constant 0 : index
    %swap3A_637 = arith.constant 0 : index
    %swap3A_638 = vector.load %arg3[%swap3A_633, %swap3A_634, %swap3A_635, %swap3A_636, %swap3A_637] : memref<1x8x128x8x128xf32, #tpu.memory_space<vmem>>, vector<1x8x1x8x128xf32>
    %swap3A_639 = vector.shape_cast %swap3A_638 : vector<1x8x1x8x128xf32> to vector<8x8x128xf32>
    %swap3A_640 = vector.shape_cast %reshape3A_632 : vector<8x8x128xf32> to vector<1x8x1x8x128xf32>
    tpu.vector_store %arg3[%swap3A_633, %swap3A_634, %swap3A_635, %swap3A_636, %swap3A_637], %swap3A_640 {strides = array<i32>} : memref<1x8x128x8x128xf32, #tpu.memory_space<vmem>>, vector<1x8x1x8x128xf32>,
    %get3A_641 = arith.constant 0 : index
    %get3A_642 = arith.constant 23 : index
    %get3A_643 = arith.constant 0 : index
    %get3A_644 = arith.constant 0 : index
    %get3A_645 = vector.load %arg2[%get3A_641, %get3A_642, %get3A_643, %get3A_644] : memref<1x64x128x128xf32, #tpu.memory_space<vmem>>, vector<1x1x128x128xf32>
    %get3A_646 = vector.shape_cast %get3A_645 : vector<1x1x128x128xf32> to vector<128x128xf32>
    %dot_general3A_647 = arith.constant dense<0.000000e+00> : vector<128x128xf32>
    %dot_general3A_648 = tpu.matmul %get3A_646, %convert_element_type3A_1, %dot_general3A_647 {dimension_numbers = #tpu.dot_dimension_numbers<[0], [0], [1], [1], [0, 1, 1, 1], [], []>, transpose_lhs_hint = false} : vector<128x128xf32>, vector<128x128xf32>, vector<128x128xf32> -> vector<128x128xf32>
    %slice3A_649 = vector.extract_strided_slice %dot_general3A_648 {offsets = [0, 0], sizes = [64, 128], strides = [1, 1]} : vector<128x128xf32> to vector<64x128xf32>
    %reshape3A_650 = vector.shape_cast %slice3A_649 : vector<64x128xf32> to vector<8x8x128xf32>
    %swap3A_651 = arith.constant 0 : index
    %swap3A_652 = arith.constant 0 : index
    %swap3A_653 = arith.constant 46 : index
    %swap3A_654 = arith.constant 0 : index
    %swap3A_655 = arith.constant 0 : index
    %swap3A_656 = vector.load %arg3[%swap3A_651, %swap3A_652, %swap3A_653, %swap3A_654, %swap3A_655] : memref<1x8x128x8x128xf32, #tpu.memory_space<vmem>>, vector<1x8x1x8x128xf32>
    %swap3A_657 = vector.shape_cast %swap3A_656 : vector<1x8x1x8x128xf32> to vector<8x8x128xf32>
    %swap3A_658 = vector.shape_cast %reshape3A_650 : vector<8x8x128xf32> to vector<1x8x1x8x128xf32>
    tpu.vector_store %arg3[%swap3A_651, %swap3A_652, %swap3A_653, %swap3A_654, %swap3A_655], %swap3A_658 {strides = array<i32>} : memref<1x8x128x8x128xf32, #tpu.memory_space<vmem>>, vector<1x8x1x8x128xf32>,
    %slice3A_659 = vector.extract_strided_slice %dot_general3A_648 {offsets = [64, 0], sizes = [64, 128], strides = [1, 1]} : vector<128x128xf32> to vector<64x128xf32>
    %reshape3A_660 = vector.shape_cast %slice3A_659 : vector<64x128xf32> to vector<8x8x128xf32>
    %swap3A_661 = arith.constant 0 : index
    %swap3A_662 = arith.constant 0 : index
    %swap3A_663 = arith.constant 47 : index
    %swap3A_664 = arith.constant 0 : index
    %swap3A_665 = arith.constant 0 : index
    %swap3A_666 = vector.load %arg3[%swap3A_661, %swap3A_662, %swap3A_663, %swap3A_664, %swap3A_665] : memref<1x8x128x8x128xf32, #tpu.memory_space<vmem>>, vector<1x8x1x8x128xf32>
    %swap3A_667 = vector.shape_cast %swap3A_666 : vector<1x8x1x8x128xf32> to vector<8x8x128xf32>
    %swap3A_668 = vector.shape_cast %reshape3A_660 : vector<8x8x128xf32> to vector<1x8x1x8x128xf32>
    tpu.vector_store %arg3[%swap3A_661, %swap3A_662, %swap3A_663, %swap3A_664, %swap3A_665], %swap3A_668 {strides = array<i32>} : memref<1x8x128x8x128xf32, #tpu.memory_space<vmem>>, vector<1x8x1x8x128xf32>,
    %get3A_669 = arith.constant 0 : index
    %get3A_670 = arith.constant 24 : index
    %get3A_671 = arith.constant 0 : index
    %get3A_672 = arith.constant 0 : index
    %get3A_673 = vector.load %arg2[%get3A_669, %get3A_670, %get3A_671, %get3A_672] : memref<1x64x128x128xf32, #tpu.memory_space<vmem>>, vector<1x1x128x128xf32>
    %get3A_674 = vector.shape_cast %get3A_673 : vector<1x1x128x128xf32> to vector<128x128xf32>
    %dot_general3A_675 = arith.constant dense<0.000000e+00> : vector<128x128xf32>
    %dot_general3A_676 = tpu.matmul %get3A_674, %convert_element_type3A_1, %dot_general3A_675 {dimension_numbers = #tpu.dot_dimension_numbers<[0], [0], [1], [1], [0, 1, 1, 1], [], []>, transpose_lhs_hint = false} : vector<128x128xf32>, vector<128x128xf32>, vector<128x128xf32> -> vector<128x128xf32>
    %slice3A_677 = vector.extract_strided_slice %dot_general3A_676 {offsets = [0, 0], sizes = [64, 128], strides = [1, 1]} : vector<128x128xf32> to vector<64x128xf32>
    %reshape3A_678 = vector.shape_cast %slice3A_677 : vector<64x128xf32> to vector<8x8x128xf32>
    %swap3A_679 = arith.constant 0 : index
    %swap3A_680 = arith.constant 0 : index
    %swap3A_681 = arith.constant 48 : index
    %swap3A_682 = arith.constant 0 : index
    %swap3A_683 = arith.constant 0 : index
    %swap3A_684 = vector.load %arg3[%swap3A_679, %swap3A_680, %swap3A_681, %swap3A_682, %swap3A_683] : memref<1x8x128x8x128xf32, #tpu.memory_space<vmem>>, vector<1x8x1x8x128xf32>
    %swap3A_685 = vector.shape_cast %swap3A_684 : vector<1x8x1x8x128xf32> to vector<8x8x128xf32>
    %swap3A_686 = vector.shape_cast %reshape3A_678 : vector<8x8x128xf32> to vector<1x8x1x8x128xf32>
    tpu.vector_store %arg3[%swap3A_679, %swap3A_680, %swap3A_681, %swap3A_682, %swap3A_683], %swap3A_686 {strides = array<i32>} : memref<1x8x128x8x128xf32, #tpu.memory_space<vmem>>, vector<1x8x1x8x128xf32>,
    %slice3A_687 = vector.extract_strided_slice %dot_general3A_676 {offsets = [64, 0], sizes = [64, 128], strides = [1, 1]} : vector<128x128xf32> to vector<64x128xf32>
    %reshape3A_688 = vector.shape_cast %slice3A_687 : vector<64x128xf32> to vector<8x8x128xf32>
    %swap3A_689 = arith.constant 0 : index
    %swap3A_690 = arith.constant 0 : index
    %swap3A_691 = arith.constant 49 : index
    %swap3A_692 = arith.constant 0 : index
    %swap3A_693 = arith.constant 0 : index
    %swap3A_694 = vector.load %arg3[%swap3A_689, %swap3A_690, %swap3A_691, %swap3A_692, %swap3A_693] : memref<1x8x128x8x128xf32, #tpu.memory_space<vmem>>, vector<1x8x1x8x128xf32>
    %swap3A_695 = vector.shape_cast %swap3A_694 : vector<1x8x1x8x128xf32> to vector<8x8x128xf32>
    %swap3A_696 = vector.shape_cast %reshape3A_688 : vector<8x8x128xf32> to vector<1x8x1x8x128xf32>
    tpu.vector_store %arg3[%swap3A_689, %swap3A_690, %swap3A_691, %swap3A_692, %swap3A_693], %swap3A_696 {strides = array<i32>} : memref<1x8x128x8x128xf32, #tpu.memory_space<vmem>>, vector<1x8x1x8x128xf32>,
    %get3A_697 = arith.constant 0 : index
    %get3A_698 = arith.constant 25 : index
    %get3A_699 = arith.constant 0 : index
    %get3A_700 = arith.constant 0 : index
    %get3A_701 = vector.load %arg2[%get3A_697, %get3A_698, %get3A_699, %get3A_700] : memref<1x64x128x128xf32, #tpu.memory_space<vmem>>, vector<1x1x128x128xf32>
    %get3A_702 = vector.shape_cast %get3A_701 : vector<1x1x128x128xf32> to vector<128x128xf32>
    %dot_general3A_703 = arith.constant dense<0.000000e+00> : vector<128x128xf32>
    %dot_general3A_704 = tpu.matmul %get3A_702, %convert_element_type3A_1, %dot_general3A_703 {dimension_numbers = #tpu.dot_dimension_numbers<[0], [0], [1], [1], [0, 1, 1, 1], [], []>, transpose_lhs_hint = false} : vector<128x128xf32>, vector<128x128xf32>, vector<128x128xf32> -> vector<128x128xf32>
    %slice3A_705 = vector.extract_strided_slice %dot_general3A_704 {offsets = [0, 0], sizes = [64, 128], strides = [1, 1]} : vector<128x128xf32> to vector<64x128xf32>
    %reshape3A_706 = vector.shape_cast %slice3A_705 : vector<64x128xf32> to vector<8x8x128xf32>
    %swap3A_707 = arith.constant 0 : index
    %swap3A_708 = arith.constant 0 : index
    %swap3A_709 = arith.constant 50 : index
    %swap3A_710 = arith.constant 0 : index
    %swap3A_711 = arith.constant 0 : index
    %swap3A_712 = vector.load %arg3[%swap3A_707, %swap3A_708, %swap3A_709, %swap3A_710, %swap3A_711] : memref<1x8x128x8x128xf32, #tpu.memory_space<vmem>>, vector<1x8x1x8x128xf32>
    %swap3A_713 = vector.shape_cast %swap3A_712 : vector<1x8x1x8x128xf32> to vector<8x8x128xf32>
    %swap3A_714 = vector.shape_cast %reshape3A_706 : vector<8x8x128xf32> to vector<1x8x1x8x128xf32>
    tpu.vector_store %arg3[%swap3A_707, %swap3A_708, %swap3A_709, %swap3A_710, %swap3A_711], %swap3A_714 {strides = array<i32>} : memref<1x8x128x8x128xf32, #tpu.memory_space<vmem>>, vector<1x8x1x8x128xf32>,
    %slice3A_715 = vector.extract_strided_slice %dot_general3A_704 {offsets = [64, 0], sizes = [64, 128], strides = [1, 1]} : vector<128x128xf32> to vector<64x128xf32>
    %reshape3A_716 = vector.shape_cast %slice3A_715 : vector<64x128xf32> to vector<8x8x128xf32>
    %swap3A_717 = arith.constant 0 : index
    %swap3A_718 = arith.constant 0 : index
    %swap3A_719 = arith.constant 51 : index
    %swap3A_720 = arith.constant 0 : index
    %swap3A_721 = arith.constant 0 : index
    %swap3A_722 = vector.load %arg3[%swap3A_717, %swap3A_718, %swap3A_719, %swap3A_720, %swap3A_721] : memref<1x8x128x8x128xf32, #tpu.memory_space<vmem>>, vector<1x8x1x8x128xf32>
    %swap3A_723 = vector.shape_cast %swap3A_722 : vector<1x8x1x8x128xf32> to vector<8x8x128xf32>
    %swap3A_724 = vector.shape_cast %reshape3A_716 : vector<8x8x128xf32> to vector<1x8x1x8x128xf32>
    tpu.vector_store %arg3[%swap3A_717, %swap3A_718, %swap3A_719, %swap3A_720, %swap3A_721], %swap3A_724 {strides = array<i32>} : memref<1x8x128x8x128xf32, #tpu.memory_space<vmem>>, vector<1x8x1x8x128xf32>,
    %get3A_725 = arith.constant 0 : index
    %get3A_726 = arith.constant 26 : index
    %get3A_727 = arith.constant 0 : index
    %get3A_728 = arith.constant 0 : index
    %get3A_729 = vector.load %arg2[%get3A_725, %get3A_726, %get3A_727, %get3A_728] : memref<1x64x128x128xf32, #tpu.memory_space<vmem>>, vector<1x1x128x128xf32>
    %get3A_730 = vector.shape_cast %get3A_729 : vector<1x1x128x128xf32> to vector<128x128xf32>
    %dot_general3A_731 = arith.constant dense<0.000000e+00> : vector<128x128xf32>
    %dot_general3A_732 = tpu.matmul %get3A_730, %convert_element_type3A_1, %dot_general3A_731 {dimension_numbers = #tpu.dot_dimension_numbers<[0], [0], [1], [1], [0, 1, 1, 1], [], []>, transpose_lhs_hint = false} : vector<128x128xf32>, vector<128x128xf32>, vector<128x128xf32> -> vector<128x128xf32>
    %slice3A_733 = vector.extract_strided_slice %dot_general3A_732 {offsets = [0, 0], sizes = [64, 128], strides = [1, 1]} : vector<128x128xf32> to vector<64x128xf32>
    %reshape3A_734 = vector.shape_cast %slice3A_733 : vector<64x128xf32> to vector<8x8x128xf32>
    %swap3A_735 = arith.constant 0 : index
    %swap3A_736 = arith.constant 0 : index
    %swap3A_737 = arith.constant 52 : index
    %swap3A_738 = arith.constant 0 : index
    %swap3A_739 = arith.constant 0 : index
    %swap3A_740 = vector.load %arg3[%swap3A_735, %swap3A_736, %swap3A_737, %swap3A_738, %swap3A_739] : memref<1x8x128x8x128xf32, #tpu.memory_space<vmem>>, vector<1x8x1x8x128xf32>
    %swap3A_741 = vector.shape_cast %swap3A_740 : vector<1x8x1x8x128xf32> to vector<8x8x128xf32>
    %swap3A_742 = vector.shape_cast %reshape3A_734 : vector<8x8x128xf32> to vector<1x8x1x8x128xf32>
    tpu.vector_store %arg3[%swap3A_735, %swap3A_736, %swap3A_737, %swap3A_738, %swap3A_739], %swap3A_742 {strides = array<i32>} : memref<1x8x128x8x128xf32, #tpu.memory_space<vmem>>, vector<1x8x1x8x128xf32>,
    %slice3A_743 = vector.extract_strided_slice %dot_general3A_732 {offsets = [64, 0], sizes = [64, 128], strides = [1, 1]} : vector<128x128xf32> to vector<64x128xf32>
    %reshape3A_744 = vector.shape_cast %slice3A_743 : vector<64x128xf32> to vector<8x8x128xf32>
    %swap3A_745 = arith.constant 0 : index
    %swap3A_746 = arith.constant 0 : index
    %swap3A_747 = arith.constant 53 : index
    %swap3A_748 = arith.constant 0 : index
    %swap3A_749 = arith.constant 0 : index
    %swap3A_750 = vector.load %arg3[%swap3A_745, %swap3A_746, %swap3A_747, %swap3A_748, %swap3A_749] : memref<1x8x128x8x128xf32, #tpu.memory_space<vmem>>, vector<1x8x1x8x128xf32>
    %swap3A_751 = vector.shape_cast %swap3A_750 : vector<1x8x1x8x128xf32> to vector<8x8x128xf32>
    %swap3A_752 = vector.shape_cast %reshape3A_744 : vector<8x8x128xf32> to vector<1x8x1x8x128xf32>
    tpu.vector_store %arg3[%swap3A_745, %swap3A_746, %swap3A_747, %swap3A_748, %swap3A_749], %swap3A_752 {strides = array<i32>} : memref<1x8x128x8x128xf32, #tpu.memory_space<vmem>>, vector<1x8x1x8x128xf32>,
    %get3A_753 = arith.constant 0 : index
    %get3A_754 = arith.constant 27 : index
    %get3A_755 = arith.constant 0 : index
    %get3A_756 = arith.constant 0 : index
    %get3A_757 = vector.load %arg2[%get3A_753, %get3A_754, %get3A_755, %get3A_756] : memref<1x64x128x128xf32, #tpu.memory_space<vmem>>, vector<1x1x128x128xf32>
    %get3A_758 = vector.shape_cast %get3A_757 : vector<1x1x128x128xf32> to vector<128x128xf32>
    %dot_general3A_759 = arith.constant dense<0.000000e+00> : vector<128x128xf32>
    %dot_general3A_760 = tpu.matmul %get3A_758, %convert_element_type3A_1, %dot_general3A_759 {dimension_numbers = #tpu.dot_dimension_numbers<[0], [0], [1], [1], [0, 1, 1, 1], [], []>, transpose_lhs_hint = false} : vector<128x128xf32>, vector<128x128xf32>, vector<128x128xf32> -> vector<128x128xf32>
    %slice3A_761 = vector.extract_strided_slice %dot_general3A_760 {offsets = [0, 0], sizes = [64, 128], strides = [1, 1]} : vector<128x128xf32> to vector<64x128xf32>
    %reshape3A_762 = vector.shape_cast %slice3A_761 : vector<64x128xf32> to vector<8x8x128xf32>
    %swap3A_763 = arith.constant 0 : index
    %swap3A_764 = arith.constant 0 : index
    %swap3A_765 = arith.constant 54 : index
    %swap3A_766 = arith.constant 0 : index
    %swap3A_767 = arith.constant 0 : index
    %swap3A_768 = vector.load %arg3[%swap3A_763, %swap3A_764, %swap3A_765, %swap3A_766, %swap3A_767] : memref<1x8x128x8x128xf32, #tpu.memory_space<vmem>>, vector<1x8x1x8x128xf32>
    %swap3A_769 = vector.shape_cast %swap3A_768 : vector<1x8x1x8x128xf32> to vector<8x8x128xf32>
    %swap3A_770 = vector.shape_cast %reshape3A_762 : vector<8x8x128xf32> to vector<1x8x1x8x128xf32>
    tpu.vector_store %arg3[%swap3A_763, %swap3A_764, %swap3A_765, %swap3A_766, %swap3A_767], %swap3A_770 {strides = array<i32>} : memref<1x8x128x8x128xf32, #tpu.memory_space<vmem>>, vector<1x8x1x8x128xf32>,
    %slice3A_771 = vector.extract_strided_slice %dot_general3A_760 {offsets = [64, 0], sizes = [64, 128], strides = [1, 1]} : vector<128x128xf32> to vector<64x128xf32>
    %reshape3A_772 = vector.shape_cast %slice3A_771 : vector<64x128xf32> to vector<8x8x128xf32>
    %swap3A_773 = arith.constant 0 : index
    %swap3A_774 = arith.constant 0 : index
    %swap3A_775 = arith.constant 55 : index
    %swap3A_776 = arith.constant 0 : index
    %swap3A_777 = arith.constant 0 : index
    %swap3A_778 = vector.load %arg3[%swap3A_773, %swap3A_774, %swap3A_775, %swap3A_776, %swap3A_777] : memref<1x8x128x8x128xf32, #tpu.memory_space<vmem>>, vector<1x8x1x8x128xf32>
    %swap3A_779 = vector.shape_cast %swap3A_778 : vector<1x8x1x8x128xf32> to vector<8x8x128xf32>
    %swap3A_780 = vector.shape_cast %reshape3A_772 : vector<8x8x128xf32> to vector<1x8x1x8x128xf32>
    tpu.vector_store %arg3[%swap3A_773, %swap3A_774, %swap3A_775, %swap3A_776, %swap3A_777], %swap3A_780 {strides = array<i32>} : memref<1x8x128x8x128xf32, #tpu.memory_space<vmem>>, vector<1x8x1x8x128xf32>,
    %get3A_781 = arith.constant 0 : index
    %get3A_782 = arith.constant 28 : index
    %get3A_783 = arith.constant 0 : index
    %get3A_784 = arith.constant 0 : index
    %get3A_785 = vector.load %arg2[%get3A_781, %get3A_782, %get3A_783, %get3A_784] : memref<1x64x128x128xf32, #tpu.memory_space<vmem>>, vector<1x1x128x128xf32>
    %get3A_786 = vector.shape_cast %get3A_785 : vector<1x1x128x128xf32> to vector<128x128xf32>
    %dot_general3A_787 = arith.constant dense<0.000000e+00> : vector<128x128xf32>
    %dot_general3A_788 = tpu.matmul %get3A_786, %convert_element_type3A_1, %dot_general3A_787 {dimension_numbers = #tpu.dot_dimension_numbers<[0], [0], [1], [1], [0, 1, 1, 1], [], []>, transpose_lhs_hint = false} : vector<128x128xf32>, vector<128x128xf32>, vector<128x128xf32> -> vector<128x128xf32>
    %slice3A_789 = vector.extract_strided_slice %dot_general3A_788 {offsets = [0, 0], sizes = [64, 128], strides = [1, 1]} : vector<128x128xf32> to vector<64x128xf32>
    %reshape3A_790 = vector.shape_cast %slice3A_789 : vector<64x128xf32> to vector<8x8x128xf32>
    %swap3A_791 = arith.constant 0 : index
    %swap3A_792 = arith.constant 0 : index
    %swap3A_793 = arith.constant 56 : index
    %swap3A_794 = arith.constant 0 : index
    %swap3A_795 = arith.constant 0 : index
    %swap3A_796 = vector.load %arg3[%swap3A_791, %swap3A_792, %swap3A_793, %swap3A_794, %swap3A_795] : memref<1x8x128x8x128xf32, #tpu.memory_space<vmem>>, vector<1x8x1x8x128xf32>
    %swap3A_797 = vector.shape_cast %swap3A_796 : vector<1x8x1x8x128xf32> to vector<8x8x128xf32>
    %swap3A_798 = vector.shape_cast %reshape3A_790 : vector<8x8x128xf32> to vector<1x8x1x8x128xf32>
    tpu.vector_store %arg3[%swap3A_791, %swap3A_792, %swap3A_793, %swap3A_794, %swap3A_795], %swap3A_798 {strides = array<i32>} : memref<1x8x128x8x128xf32, #tpu.memory_space<vmem>>, vector<1x8x1x8x128xf32>,
    %slice3A_799 = vector.extract_strided_slice %dot_general3A_788 {offsets = [64, 0], sizes = [64, 128], strides = [1, 1]} : vector<128x128xf32> to vector<64x128xf32>
    %reshape3A_800 = vector.shape_cast %slice3A_799 : vector<64x128xf32> to vector<8x8x128xf32>
    %swap3A_801 = arith.constant 0 : index
    %swap3A_802 = arith.constant 0 : index
    %swap3A_803 = arith.constant 57 : index
    %swap3A_804 = arith.constant 0 : index
    %swap3A_805 = arith.constant 0 : index
    %swap3A_806 = vector.load %arg3[%swap3A_801, %swap3A_802, %swap3A_803, %swap3A_804, %swap3A_805] : memref<1x8x128x8x128xf32, #tpu.memory_space<vmem>>, vector<1x8x1x8x128xf32>
    %swap3A_807 = vector.shape_cast %swap3A_806 : vector<1x8x1x8x128xf32> to vector<8x8x128xf32>
    %swap3A_808 = vector.shape_cast %reshape3A_800 : vector<8x8x128xf32> to vector<1x8x1x8x128xf32>
    tpu.vector_store %arg3[%swap3A_801, %swap3A_802, %swap3A_803, %swap3A_804, %swap3A_805], %swap3A_808 {strides = array<i32>} : memref<1x8x128x8x128xf32, #tpu.memory_space<vmem>>, vector<1x8x1x8x128xf32>,
    %get3A_809 = arith.constant 0 : index
    %get3A_810 = arith.constant 29 : index
    %get3A_811 = arith.constant 0 : index
    %get3A_812 = arith.constant 0 : index
    %get3A_813 = vector.load %arg2[%get3A_809, %get3A_810, %get3A_811, %get3A_812] : memref<1x64x128x128xf32, #tpu.memory_space<vmem>>, vector<1x1x128x128xf32>
    %get3A_814 = vector.shape_cast %get3A_813 : vector<1x1x128x128xf32> to vector<128x128xf32>
    %dot_general3A_815 = arith.constant dense<0.000000e+00> : vector<128x128xf32>
    %dot_general3A_816 = tpu.matmul %get3A_814, %convert_element_type3A_1, %dot_general3A_815 {dimension_numbers = #tpu.dot_dimension_numbers<[0], [0], [1], [1], [0, 1, 1, 1], [], []>, transpose_lhs_hint = false} : vector<128x128xf32>, vector<128x128xf32>, vector<128x128xf32> -> vector<128x128xf32>
    %slice3A_817 = vector.extract_strided_slice %dot_general3A_816 {offsets = [0, 0], sizes = [64, 128], strides = [1, 1]} : vector<128x128xf32> to vector<64x128xf32>
    %reshape3A_818 = vector.shape_cast %slice3A_817 : vector<64x128xf32> to vector<8x8x128xf32>
    %swap3A_819 = arith.constant 0 : index
    %swap3A_820 = arith.constant 0 : index
    %swap3A_821 = arith.constant 58 : index
    %swap3A_822 = arith.constant 0 : index
    %swap3A_823 = arith.constant 0 : index
    %swap3A_824 = vector.load %arg3[%swap3A_819, %swap3A_820, %swap3A_821, %swap3A_822, %swap3A_823] : memref<1x8x128x8x128xf32, #tpu.memory_space<vmem>>, vector<1x8x1x8x128xf32>
    %swap3A_825 = vector.shape_cast %swap3A_824 : vector<1x8x1x8x128xf32> to vector<8x8x128xf32>
    %swap3A_826 = vector.shape_cast %reshape3A_818 : vector<8x8x128xf32> to vector<1x8x1x8x128xf32>
    tpu.vector_store %arg3[%swap3A_819, %swap3A_820, %swap3A_821, %swap3A_822, %swap3A_823], %swap3A_826 {strides = array<i32>} : memref<1x8x128x8x128xf32, #tpu.memory_space<vmem>>, vector<1x8x1x8x128xf32>,
    %slice3A_827 = vector.extract_strided_slice %dot_general3A_816 {offsets = [64, 0], sizes = [64, 128], strides = [1, 1]} : vector<128x128xf32> to vector<64x128xf32>
    %reshape3A_828 = vector.shape_cast %slice3A_827 : vector<64x128xf32> to vector<8x8x128xf32>
    %swap3A_829 = arith.constant 0 : index
    %swap3A_830 = arith.constant 0 : index
    %swap3A_831 = arith.constant 59 : index
    %swap3A_832 = arith.constant 0 : index
    %swap3A_833 = arith.constant 0 : index
    %swap3A_834 = vector.load %arg3[%swap3A_829, %swap3A_830, %swap3A_831, %swap3A_832, %swap3A_833] : memref<1x8x128x8x128xf32, #tpu.memory_space<vmem>>, vector<1x8x1x8x128xf32>
    %swap3A_835 = vector.shape_cast %swap3A_834 : vector<1x8x1x8x128xf32> to vector<8x8x128xf32>
    %swap3A_836 = vector.shape_cast %reshape3A_828 : vector<8x8x128xf32> to vector<1x8x1x8x128xf32>
    tpu.vector_store %arg3[%swap3A_829, %swap3A_830, %swap3A_831, %swap3A_832, %swap3A_833], %swap3A_836 {strides = array<i32>} : memref<1x8x128x8x128xf32, #tpu.memory_space<vmem>>, vector<1x8x1x8x128xf32>,
    %get3A_837 = arith.constant 0 : index
    %get3A_838 = arith.constant 30 : index
    %get3A_839 = arith.constant 0 : index
    %get3A_840 = arith.constant 0 : index
    %get3A_841 = vector.load %arg2[%get3A_837, %get3A_838, %get3A_839, %get3A_840] : memref<1x64x128x128xf32, #tpu.memory_space<vmem>>, vector<1x1x128x128xf32>
    %get3A_842 = vector.shape_cast %get3A_841 : vector<1x1x128x128xf32> to vector<128x128xf32>
    %dot_general3A_843 = arith.constant dense<0.000000e+00> : vector<128x128xf32>
    %dot_general3A_844 = tpu.matmul %get3A_842, %convert_element_type3A_1, %dot_general3A_843 {dimension_numbers = #tpu.dot_dimension_numbers<[0], [0], [1], [1], [0, 1, 1, 1], [], []>, transpose_lhs_hint = false} : vector<128x128xf32>, vector<128x128xf32>, vector<128x128xf32> -> vector<128x128xf32>
    %slice3A_845 = vector.extract_strided_slice %dot_general3A_844 {offsets = [0, 0], sizes = [64, 128], strides = [1, 1]} : vector<128x128xf32> to vector<64x128xf32>
    %reshape3A_846 = vector.shape_cast %slice3A_845 : vector<64x128xf32> to vector<8x8x128xf32>
    %swap3A_847 = arith.constant 0 : index
    %swap3A_848 = arith.constant 0 : index
    %swap3A_849 = arith.constant 60 : index
    %swap3A_850 = arith.constant 0 : index
    %swap3A_851 = arith.constant 0 : index
    %swap3A_852 = vector.load %arg3[%swap3A_847, %swap3A_848, %swap3A_849, %swap3A_850, %swap3A_851] : memref<1x8x128x8x128xf32, #tpu.memory_space<vmem>>, vector<1x8x1x8x128xf32>
    %swap3A_853 = vector.shape_cast %swap3A_852 : vector<1x8x1x8x128xf32> to vector<8x8x128xf32>
    %swap3A_854 = vector.shape_cast %reshape3A_846 : vector<8x8x128xf32> to vector<1x8x1x8x128xf32>
    tpu.vector_store %arg3[%swap3A_847, %swap3A_848, %swap3A_849, %swap3A_850, %swap3A_851], %swap3A_854 {strides = array<i32>} : memref<1x8x128x8x128xf32, #tpu.memory_space<vmem>>, vector<1x8x1x8x128xf32>,
    %slice3A_855 = vector.extract_strided_slice %dot_general3A_844 {offsets = [64, 0], sizes = [64, 128], strides = [1, 1]} : vector<128x128xf32> to vector<64x128xf32>
    %reshape3A_856 = vector.shape_cast %slice3A_855 : vector<64x128xf32> to vector<8x8x128xf32>
    %swap3A_857 = arith.constant 0 : index
    %swap3A_858 = arith.constant 0 : index
    %swap3A_859 = arith.constant 61 : index
    %swap3A_860 = arith.constant 0 : index
    %swap3A_861 = arith.constant 0 : index
    %swap3A_862 = vector.load %arg3[%swap3A_857, %swap3A_858, %swap3A_859, %swap3A_860, %swap3A_861] : memref<1x8x128x8x128xf32, #tpu.memory_space<vmem>>, vector<1x8x1x8x128xf32>
    %swap3A_863 = vector.shape_cast %swap3A_862 : vector<1x8x1x8x128xf32> to vector<8x8x128xf32>
    %swap3A_864 = vector.shape_cast %reshape3A_856 : vector<8x8x128xf32> to vector<1x8x1x8x128xf32>
    tpu.vector_store %arg3[%swap3A_857, %swap3A_858, %swap3A_859, %swap3A_860, %swap3A_861], %swap3A_864 {strides = array<i32>} : memref<1x8x128x8x128xf32, #tpu.memory_space<vmem>>, vector<1x8x1x8x128xf32>,
    %get3A_865 = arith.constant 0 : index
    %get3A_866 = arith.constant 31 : index
    %get3A_867 = arith.constant 0 : index
    %get3A_868 = arith.constant 0 : index
    %get3A_869 = vector.load %arg2[%get3A_865, %get3A_866, %get3A_867, %get3A_868] : memref<1x64x128x128xf32, #tpu.memory_space<vmem>>, vector<1x1x128x128xf32>
    %get3A_870 = vector.shape_cast %get3A_869 : vector<1x1x128x128xf32> to vector<128x128xf32>
    %dot_general3A_871 = arith.constant dense<0.000000e+00> : vector<128x128xf32>
    %dot_general3A_872 = tpu.matmul %get3A_870, %convert_element_type3A_1, %dot_general3A_871 {dimension_numbers = #tpu.dot_dimension_numbers<[0], [0], [1], [1], [0, 1, 1, 1], [], []>, transpose_lhs_hint = false} : vector<128x128xf32>, vector<128x128xf32>, vector<128x128xf32> -> vector<128x128xf32>
    %slice3A_873 = vector.extract_strided_slice %dot_general3A_872 {offsets = [0, 0], sizes = [64, 128], strides = [1, 1]} : vector<128x128xf32> to vector<64x128xf32>
    %reshape3A_874 = vector.shape_cast %slice3A_873 : vector<64x128xf32> to vector<8x8x128xf32>
    %swap3A_875 = arith.constant 0 : index
    %swap3A_876 = arith.constant 0 : index
    %swap3A_877 = arith.constant 62 : index
    %swap3A_878 = arith.constant 0 : index
    %swap3A_879 = arith.constant 0 : index
    %swap3A_880 = vector.load %arg3[%swap3A_875, %swap3A_876, %swap3A_877, %swap3A_878, %swap3A_879] : memref<1x8x128x8x128xf32, #tpu.memory_space<vmem>>, vector<1x8x1x8x128xf32>
    %swap3A_881 = vector.shape_cast %swap3A_880 : vector<1x8x1x8x128xf32> to vector<8x8x128xf32>
    %swap3A_882 = vector.shape_cast %reshape3A_874 : vector<8x8x128xf32> to vector<1x8x1x8x128xf32>
    tpu.vector_store %arg3[%swap3A_875, %swap3A_876, %swap3A_877, %swap3A_878, %swap3A_879], %swap3A_882 {strides = array<i32>} : memref<1x8x128x8x128xf32, #tpu.memory_space<vmem>>, vector<1x8x1x8x128xf32>,
    %slice3A_883 = vector.extract_strided_slice %dot_general3A_872 {offsets = [64, 0], sizes = [64, 128], strides = [1, 1]} : vector<128x128xf32> to vector<64x128xf32>
    %reshape3A_884 = vector.shape_cast %slice3A_883 : vector<64x128xf32> to vector<8x8x128xf32>
    %swap3A_885 = arith.constant 0 : index
    %swap3A_886 = arith.constant 0 : index
    %swap3A_887 = arith.constant 63 : index
    %swap3A_888 = arith.constant 0 : index
    %swap3A_889 = arith.constant 0 : index
    %swap3A_890 = vector.load %arg3[%swap3A_885, %swap3A_886, %swap3A_887, %swap3A_888, %swap3A_889] : memref<1x8x128x8x128xf32, #tpu.memory_space<vmem>>, vector<1x8x1x8x128xf32>
    %swap3A_891 = vector.shape_cast %swap3A_890 : vector<1x8x1x8x128xf32> to vector<8x8x128xf32>
    %swap3A_892 = vector.shape_cast %reshape3A_884 : vector<8x8x128xf32> to vector<1x8x1x8x128xf32>
    tpu.vector_store %arg3[%swap3A_885, %swap3A_886, %swap3A_887, %swap3A_888, %swap3A_889], %swap3A_892 {strides = array<i32>} : memref<1x8x128x8x128xf32, #tpu.memory_space<vmem>>, vector<1x8x1x8x128xf32>,
    %get3A_893 = arith.constant 0 : index
    %get3A_894 = arith.constant 32 : index
    %get3A_895 = arith.constant 0 : index
    %get3A_896 = arith.constant 0 : index
    %get3A_897 = vector.load %arg2[%get3A_893, %get3A_894, %get3A_895, %get3A_896] : memref<1x64x128x128xf32, #tpu.memory_space<vmem>>, vector<1x1x128x128xf32>
    %get3A_898 = vector.shape_cast %get3A_897 : vector<1x1x128x128xf32> to vector<128x128xf32>
    %dot_general3A_899 = arith.constant dense<0.000000e+00> : vector<128x128xf32>
    %dot_general3A_900 = tpu.matmul %get3A_898, %convert_element_type3A_1, %dot_general3A_899 {dimension_numbers = #tpu.dot_dimension_numbers<[0], [0], [1], [1], [0, 1, 1, 1], [], []>, transpose_lhs_hint = false} : vector<128x128xf32>, vector<128x128xf32>, vector<128x128xf32> -> vector<128x128xf32>
    %slice3A_901 = vector.extract_strided_slice %dot_general3A_900 {offsets = [0, 0], sizes = [64, 128], strides = [1, 1]} : vector<128x128xf32> to vector<64x128xf32>
    %reshape3A_902 = vector.shape_cast %slice3A_901 : vector<64x128xf32> to vector<8x8x128xf32>
    %swap3A_903 = arith.constant 0 : index
    %swap3A_904 = arith.constant 0 : index
    %swap3A_905 = arith.constant 64 : index
    %swap3A_906 = arith.constant 0 : index
    %swap3A_907 = arith.constant 0 : index
    %swap3A_908 = vector.load %arg3[%swap3A_903, %swap3A_904, %swap3A_905, %swap3A_906, %swap3A_907] : memref<1x8x128x8x128xf32, #tpu.memory_space<vmem>>, vector<1x8x1x8x128xf32>
    %swap3A_909 = vector.shape_cast %swap3A_908 : vector<1x8x1x8x128xf32> to vector<8x8x128xf32>
    %swap3A_910 = vector.shape_cast %reshape3A_902 : vector<8x8x128xf32> to vector<1x8x1x8x128xf32>
    tpu.vector_store %arg3[%swap3A_903, %swap3A_904, %swap3A_905, %swap3A_906, %swap3A_907], %swap3A_910 {strides = array<i32>} : memref<1x8x128x8x128xf32, #tpu.memory_space<vmem>>, vector<1x8x1x8x128xf32>,
    %slice3A_911 = vector.extract_strided_slice %dot_general3A_900 {offsets = [64, 0], sizes = [64, 128], strides = [1, 1]} : vector<128x128xf32> to vector<64x128xf32>
    %reshape3A_912 = vector.shape_cast %slice3A_911 : vector<64x128xf32> to vector<8x8x128xf32>
    %swap3A_913 = arith.constant 0 : index
    %swap3A_914 = arith.constant 0 : index
    %swap3A_915 = arith.constant 65 : index
    %swap3A_916 = arith.constant 0 : index
    %swap3A_917 = arith.constant 0 : index
    %swap3A_918 = vector.load %arg3[%swap3A_913, %swap3A_914, %swap3A_915, %swap3A_916, %swap3A_917] : memref<1x8x128x8x128xf32, #tpu.memory_space<vmem>>, vector<1x8x1x8x128xf32>
    %swap3A_919 = vector.shape_cast %swap3A_918 : vector<1x8x1x8x128xf32> to vector<8x8x128xf32>
    %swap3A_920 = vector.shape_cast %reshape3A_912 : vector<8x8x128xf32> to vector<1x8x1x8x128xf32>
    tpu.vector_store %arg3[%swap3A_913, %swap3A_914, %swap3A_915, %swap3A_916, %swap3A_917], %swap3A_920 {strides = array<i32>} : memref<1x8x128x8x128xf32, #tpu.memory_space<vmem>>, vector<1x8x1x8x128xf32>,
    %get3A_921 = arith.constant 0 : index
    %get3A_922 = arith.constant 33 : index
    %get3A_923 = arith.constant 0 : index
    %get3A_924 = arith.constant 0 : index
    %get3A_925 = vector.load %arg2[%get3A_921, %get3A_922, %get3A_923, %get3A_924] : memref<1x64x128x128xf32, #tpu.memory_space<vmem>>, vector<1x1x128x128xf32>
    %get3A_926 = vector.shape_cast %get3A_925 : vector<1x1x128x128xf32> to vector<128x128xf32>
    %dot_general3A_927 = arith.constant dense<0.000000e+00> : vector<128x128xf32>
    %dot_general3A_928 = tpu.matmul %get3A_926, %convert_element_type3A_1, %dot_general3A_927 {dimension_numbers = #tpu.dot_dimension_numbers<[0], [0], [1], [1], [0, 1, 1, 1], [], []>, transpose_lhs_hint = false} : vector<128x128xf32>, vector<128x128xf32>, vector<128x128xf32> -> vector<128x128xf32>
    %slice3A_929 = vector.extract_strided_slice %dot_general3A_928 {offsets = [0, 0], sizes = [64, 128], strides = [1, 1]} : vector<128x128xf32> to vector<64x128xf32>
    %reshape3A_930 = vector.shape_cast %slice3A_929 : vector<64x128xf32> to vector<8x8x128xf32>
    %swap3A_931 = arith.constant 0 : index
    %swap3A_932 = arith.constant 0 : index
    %swap3A_933 = arith.constant 66 : index
    %swap3A_934 = arith.constant 0 : index
    %swap3A_935 = arith.constant 0 : index
    %swap3A_936 = vector.load %arg3[%swap3A_931, %swap3A_932, %swap3A_933, %swap3A_934, %swap3A_935] : memref<1x8x128x8x128xf32, #tpu.memory_space<vmem>>, vector<1x8x1x8x128xf32>
    %swap3A_937 = vector.shape_cast %swap3A_936 : vector<1x8x1x8x128xf32> to vector<8x8x128xf32>
    %swap3A_938 = vector.shape_cast %reshape3A_930 : vector<8x8x128xf32> to vector<1x8x1x8x128xf32>
    tpu.vector_store %arg3[%swap3A_931, %swap3A_932, %swap3A_933, %swap3A_934, %swap3A_935], %swap3A_938 {strides = array<i32>} : memref<1x8x128x8x128xf32, #tpu.memory_space<vmem>>, vector<1x8x1x8x128xf32>,
    %slice3A_939 = vector.extract_strided_slice %dot_general3A_928 {offsets = [64, 0], sizes = [64, 128], strides = [1, 1]} : vector<128x128xf32> to vector<64x128xf32>
    %reshape3A_940 = vector.shape_cast %slice3A_939 : vector<64x128xf32> to vector<8x8x128xf32>
    %swap3A_941 = arith.constant 0 : index
    %swap3A_942 = arith.constant 0 : index
    %swap3A_943 = arith.constant 67 : index
    %swap3A_944 = arith.constant 0 : index
    %swap3A_945 = arith.constant 0 : index
    %swap3A_946 = vector.load %arg3[%swap3A_941, %swap3A_942, %swap3A_943, %swap3A_944, %swap3A_945] : memref<1x8x128x8x128xf32, #tpu.memory_space<vmem>>, vector<1x8x1x8x128xf32>
    %swap3A_947 = vector.shape_cast %swap3A_946 : vector<1x8x1x8x128xf32> to vector<8x8x128xf32>
    %swap3A_948 = vector.shape_cast %reshape3A_940 : vector<8x8x128xf32> to vector<1x8x1x8x128xf32>
    tpu.vector_store %arg3[%swap3A_941, %swap3A_942, %swap3A_943, %swap3A_944, %swap3A_945], %swap3A_948 {strides = array<i32>} : memref<1x8x128x8x128xf32, #tpu.memory_space<vmem>>, vector<1x8x1x8x128xf32>,
    %get3A_949 = arith.constant 0 : index
    %get3A_950 = arith.constant 34 : index
    %get3A_951 = arith.constant 0 : index
    %get3A_952 = arith.constant 0 : index
    %get3A_953 = vector.load %arg2[%get3A_949, %get3A_950, %get3A_951, %get3A_952] : memref<1x64x128x128xf32, #tpu.memory_space<vmem>>, vector<1x1x128x128xf32>
    %get3A_954 = vector.shape_cast %get3A_953 : vector<1x1x128x128xf32> to vector<128x128xf32>
    %dot_general3A_955 = arith.constant dense<0.000000e+00> : vector<128x128xf32>
    %dot_general3A_956 = tpu.matmul %get3A_954, %convert_element_type3A_1, %dot_general3A_955 {dimension_numbers = #tpu.dot_dimension_numbers<[0], [0], [1], [1], [0, 1, 1, 1], [], []>, transpose_lhs_hint = false} : vector<128x128xf32>, vector<128x128xf32>, vector<128x128xf32> -> vector<128x128xf32>
    %slice3A_957 = vector.extract_strided_slice %dot_general3A_956 {offsets = [0, 0], sizes = [64, 128], strides = [1, 1]} : vector<128x128xf32> to vector<64x128xf32>
    %reshape3A_958 = vector.shape_cast %slice3A_957 : vector<64x128xf32> to vector<8x8x128xf32>
    %swap3A_959 = arith.constant 0 : index
    %swap3A_960 = arith.constant 0 : index
    %swap3A_961 = arith.constant 68 : index
    %swap3A_962 = arith.constant 0 : index
    %swap3A_963 = arith.constant 0 : index
    %swap3A_964 = vector.load %arg3[%swap3A_959, %swap3A_960, %swap3A_961, %swap3A_962, %swap3A_963] : memref<1x8x128x8x128xf32, #tpu.memory_space<vmem>>, vector<1x8x1x8x128xf32>
    %swap3A_965 = vector.shape_cast %swap3A_964 : vector<1x8x1x8x128xf32> to vector<8x8x128xf32>
    %swap3A_966 = vector.shape_cast %reshape3A_958 : vector<8x8x128xf32> to vector<1x8x1x8x128xf32>
    tpu.vector_store %arg3[%swap3A_959, %swap3A_960, %swap3A_961, %swap3A_962, %swap3A_963], %swap3A_966 {strides = array<i32>} : memref<1x8x128x8x128xf32, #tpu.memory_space<vmem>>, vector<1x8x1x8x128xf32>,
    %slice3A_967 = vector.extract_strided_slice %dot_general3A_956 {offsets = [64, 0], sizes = [64, 128], strides = [1, 1]} : vector<128x128xf32> to vector<64x128xf32>
    %reshape3A_968 = vector.shape_cast %slice3A_967 : vector<64x128xf32> to vector<8x8x128xf32>
    %swap3A_969 = arith.constant 0 : index
    %swap3A_970 = arith.constant 0 : index
    %swap3A_971 = arith.constant 69 : index
    %swap3A_972 = arith.constant 0 : index
    %swap3A_973 = arith.constant 0 : index
    %swap3A_974 = vector.load %arg3[%swap3A_969, %swap3A_970, %swap3A_971, %swap3A_972, %swap3A_973] : memref<1x8x128x8x128xf32, #tpu.memory_space<vmem>>, vector<1x8x1x8x128xf32>
    %swap3A_975 = vector.shape_cast %swap3A_974 : vector<1x8x1x8x128xf32> to vector<8x8x128xf32>
    %swap3A_976 = vector.shape_cast %reshape3A_968 : vector<8x8x128xf32> to vector<1x8x1x8x128xf32>
    tpu.vector_store %arg3[%swap3A_969, %swap3A_970, %swap3A_971, %swap3A_972, %swap3A_973], %swap3A_976 {strides = array<i32>} : memref<1x8x128x8x128xf32, #tpu.memory_space<vmem>>, vector<1x8x1x8x128xf32>,
    %get3A_977 = arith.constant 0 : index
    %get3A_978 = arith.constant 35 : index
    %get3A_979 = arith.constant 0 : index
    %get3A_980 = arith.constant 0 : index
    %get3A_981 = vector.load %arg2[%get3A_977, %get3A_978, %get3A_979, %get3A_980] : memref<1x64x128x128xf32, #tpu.memory_space<vmem>>, vector<1x1x128x128xf32>
    %get3A_982 = vector.shape_cast %get3A_981 : vector<1x1x128x128xf32> to vector<128x128xf32>
    %dot_general3A_983 = arith.constant dense<0.000000e+00> : vector<128x128xf32>
    %dot_general3A_984 = tpu.matmul %get3A_982, %convert_element_type3A_1, %dot_general3A_983 {dimension_numbers = #tpu.dot_dimension_numbers<[0], [0], [1], [1], [0, 1, 1, 1], [], []>, transpose_lhs_hint = false} : vector<128x128xf32>, vector<128x128xf32>, vector<128x128xf32> -> vector<128x128xf32>
    %slice3A_985 = vector.extract_strided_slice %dot_general3A_984 {offsets = [0, 0], sizes = [64, 128], strides = [1, 1]} : vector<128x128xf32> to vector<64x128xf32>
    %reshape3A_986 = vector.shape_cast %slice3A_985 : vector<64x128xf32> to vector<8x8x128xf32>
    %swap3A_987 = arith.constant 0 : index
    %swap3A_988 = arith.constant 0 : index
    %swap3A_989 = arith.constant 70 : index
    %swap3A_990 = arith.constant 0 : index
    %swap3A_991 = arith.constant 0 : index
    %swap3A_992 = vector.load %arg3[%swap3A_987, %swap3A_988, %swap3A_989, %swap3A_990, %swap3A_991] : memref<1x8x128x8x128xf32, #tpu.memory_space<vmem>>, vector<1x8x1x8x128xf32>
    %swap3A_993 = vector.shape_cast %swap3A_992 : vector<1x8x1x8x128xf32> to vector<8x8x128xf32>
    %swap3A_994 = vector.shape_cast %reshape3A_986 : vector<8x8x128xf32> to vector<1x8x1x8x128xf32>
    tpu.vector_store %arg3[%swap3A_987, %swap3A_988, %swap3A_989, %swap3A_990, %swap3A_991], %swap3A_994 {strides = array<i32>} : memref<1x8x128x8x128xf32, #tpu.memory_space<vmem>>, vector<1x8x1x8x128xf32>,
    %slice3A_995 = vector.extract_strided_slice %dot_general3A_984 {offsets = [64, 0], sizes = [64, 128], strides = [1, 1]} : vector<128x128xf32> to vector<64x128xf32>
    %reshape3A_996 = vector.shape_cast %slice3A_995 : vector<64x128xf32> to vector<8x8x128xf32>
    %swap3A_997 = arith.constant 0 : index
    %swap3A_998 = arith.constant 0 : index
    %swap3A_999 = arith.constant 71 : index
    %swap3A_1000 = arith.constant 0 : index
    %swap3A_1001 = arith.constant 0 : index
    %swap3A_1002 = vector.load %arg3[%swap3A_997, %swap3A_998, %swap3A_999, %swap3A_1000, %swap3A_1001] : memref<1x8x128x8x128xf32, #tpu.memory_space<vmem>>, vector<1x8x1x8x128xf32>
    %swap3A_1003 = vector.shape_cast %swap3A_1002 : vector<1x8x1x8x128xf32> to vector<8x8x128xf32>
    %swap3A_1004 = vector.shape_cast %reshape3A_996 : vector<8x8x128xf32> to vector<1x8x1x8x128xf32>
    tpu.vector_store %arg3[%swap3A_997, %swap3A_998, %swap3A_999, %swap3A_1000, %swap3A_1001], %swap3A_1004 {strides = array<i32>} : memref<1x8x128x8x128xf32, #tpu.memory_space<vmem>>, vector<1x8x1x8x128xf32>,
    %get3A_1005 = arith.constant 0 : index
    %get3A_1006 = arith.constant 36 : index
    %get3A_1007 = arith.constant 0 : index
    %get3A_1008 = arith.constant 0 : index
    %get3A_1009 = vector.load %arg2[%get3A_1005, %get3A_1006, %get3A_1007, %get3A_1008] : memref<1x64x128x128xf32, #tpu.memory_space<vmem>>, vector<1x1x128x128xf32>
    %get3A_1010 = vector.shape_cast %get3A_1009 : vector<1x1x128x128xf32> to vector<128x128xf32>
    %dot_general3A_1011 = arith.constant dense<0.000000e+00> : vector<128x128xf32>
    %dot_general3A_1012 = tpu.matmul %get3A_1010, %convert_element_type3A_1, %dot_general3A_1011 {dimension_numbers = #tpu.dot_dimension_numbers<[0], [0], [1], [1], [0, 1, 1, 1], [], []>, transpose_lhs_hint = false} : vector<128x128xf32>, vector<128x128xf32>, vector<128x128xf32> -> vector<128x128xf32>
    %slice3A_1013 = vector.extract_strided_slice %dot_general3A_1012 {offsets = [0, 0], sizes = [64, 128], strides = [1, 1]} : vector<128x128xf32> to vector<64x128xf32>
    %reshape3A_1014 = vector.shape_cast %slice3A_1013 : vector<64x128xf32> to vector<8x8x128xf32>
    %swap3A_1015 = arith.constant 0 : index
    %swap3A_1016 = arith.constant 0 : index
    %swap3A_1017 = arith.constant 72 : index
    %swap3A_1018 = arith.constant 0 : index
    %swap3A_1019 = arith.constant 0 : index
    %swap3A_1020 = vector.load %arg3[%swap3A_1015, %swap3A_1016, %swap3A_1017, %swap3A_1018, %swap3A_1019] : memref<1x8x128x8x128xf32, #tpu.memory_space<vmem>>, vector<1x8x1x8x128xf32>
    %swap3A_1021 = vector.shape_cast %swap3A_1020 : vector<1x8x1x8x128xf32> to vector<8x8x128xf32>
    %swap3A_1022 = vector.shape_cast %reshape3A_1014 : vector<8x8x128xf32> to vector<1x8x1x8x128xf32>
    tpu.vector_store %arg3[%swap3A_1015, %swap3A_1016, %swap3A_1017, %swap3A_1018, %swap3A_1019], %swap3A_1022 {strides = array<i32>} : memref<1x8x128x8x128xf32, #tpu.memory_space<vmem>>, vector<1x8x1x8x128xf32>,
    %slice3A_1023 = vector.extract_strided_slice %dot_general3A_1012 {offsets = [64, 0], sizes = [64, 128], strides = [1, 1]} : vector<128x128xf32> to vector<64x128xf32>
    %reshape3A_1024 = vector.shape_cast %slice3A_1023 : vector<64x128xf32> to vector<8x8x128xf32>
    %swap3A_1025 = arith.constant 0 : index
    %swap3A_1026 = arith.constant 0 : index
    %swap3A_1027 = arith.constant 73 : index
    %swap3A_1028 = arith.constant 0 : index
    %swap3A_1029 = arith.constant 0 : index
    %swap3A_1030 = vector.load %arg3[%swap3A_1025, %swap3A_1026, %swap3A_1027, %swap3A_1028, %swap3A_1029] : memref<1x8x128x8x128xf32, #tpu.memory_space<vmem>>, vector<1x8x1x8x128xf32>
    %swap3A_1031 = vector.shape_cast %swap3A_1030 : vector<1x8x1x8x128xf32> to vector<8x8x128xf32>
    %swap3A_1032 = vector.shape_cast %reshape3A_1024 : vector<8x8x128xf32> to vector<1x8x1x8x128xf32>
    tpu.vector_store %arg3[%swap3A_1025, %swap3A_1026, %swap3A_1027, %swap3A_1028, %swap3A_1029], %swap3A_1032 {strides = array<i32>} : memref<1x8x128x8x128xf32, #tpu.memory_space<vmem>>, vector<1x8x1x8x128xf32>,
    %get3A_1033 = arith.constant 0 : index
    %get3A_1034 = arith.constant 37 : index
    %get3A_1035 = arith.constant 0 : index
    %get3A_1036 = arith.constant 0 : index
    %get3A_1037 = vector.load %arg2[%get3A_1033, %get3A_1034, %get3A_1035, %get3A_1036] : memref<1x64x128x128xf32, #tpu.memory_space<vmem>>, vector<1x1x128x128xf32>
    %get3A_1038 = vector.shape_cast %get3A_1037 : vector<1x1x128x128xf32> to vector<128x128xf32>
    %dot_general3A_1039 = arith.constant dense<0.000000e+00> : vector<128x128xf32>
    %dot_general3A_1040 = tpu.matmul %get3A_1038, %convert_element_type3A_1, %dot_general3A_1039 {dimension_numbers = #tpu.dot_dimension_numbers<[0], [0], [1], [1], [0, 1, 1, 1], [], []>, transpose_lhs_hint = false} : vector<128x128xf32>, vector<128x128xf32>, vector<128x128xf32> -> vector<128x128xf32>
    %slice3A_1041 = vector.extract_strided_slice %dot_general3A_1040 {offsets = [0, 0], sizes = [64, 128], strides = [1, 1]} : vector<128x128xf32> to vector<64x128xf32>
    %reshape3A_1042 = vector.shape_cast %slice3A_1041 : vector<64x128xf32> to vector<8x8x128xf32>
    %swap3A_1043 = arith.constant 0 : index
    %swap3A_1044 = arith.constant 0 : index
    %swap3A_1045 = arith.constant 74 : index
    %swap3A_1046 = arith.constant 0 : index
    %swap3A_1047 = arith.constant 0 : index
    %swap3A_1048 = vector.load %arg3[%swap3A_1043, %swap3A_1044, %swap3A_1045, %swap3A_1046, %swap3A_1047] : memref<1x8x128x8x128xf32, #tpu.memory_space<vmem>>, vector<1x8x1x8x128xf32>
    %swap3A_1049 = vector.shape_cast %swap3A_1048 : vector<1x8x1x8x128xf32> to vector<8x8x128xf32>
    %swap3A_1050 = vector.shape_cast %reshape3A_1042 : vector<8x8x128xf32> to vector<1x8x1x8x128xf32>
    tpu.vector_store %arg3[%swap3A_1043, %swap3A_1044, %swap3A_1045, %swap3A_1046, %swap3A_1047], %swap3A_1050 {strides = array<i32>} : memref<1x8x128x8x128xf32, #tpu.memory_space<vmem>>, vector<1x8x1x8x128xf32>,
    %slice3A_1051 = vector.extract_strided_slice %dot_general3A_1040 {offsets = [64, 0], sizes = [64, 128], strides = [1, 1]} : vector<128x128xf32> to vector<64x128xf32>
    %reshape3A_1052 = vector.shape_cast %slice3A_1051 : vector<64x128xf32> to vector<8x8x128xf32>
    %swap3A_1053 = arith.constant 0 : index
    %swap3A_1054 = arith.constant 0 : index
    %swap3A_1055 = arith.constant 75 : index
    %swap3A_1056 = arith.constant 0 : index
    %swap3A_1057 = arith.constant 0 : index
    %swap3A_1058 = vector.load %arg3[%swap3A_1053, %swap3A_1054, %swap3A_1055, %swap3A_1056, %swap3A_1057] : memref<1x8x128x8x128xf32, #tpu.memory_space<vmem>>, vector<1x8x1x8x128xf32>
    %swap3A_1059 = vector.shape_cast %swap3A_1058 : vector<1x8x1x8x128xf32> to vector<8x8x128xf32>
    %swap3A_1060 = vector.shape_cast %reshape3A_1052 : vector<8x8x128xf32> to vector<1x8x1x8x128xf32>
    tpu.vector_store %arg3[%swap3A_1053, %swap3A_1054, %swap3A_1055, %swap3A_1056, %swap3A_1057], %swap3A_1060 {strides = array<i32>} : memref<1x8x128x8x128xf32, #tpu.memory_space<vmem>>, vector<1x8x1x8x128xf32>,
    %get3A_1061 = arith.constant 0 : index
    %get3A_1062 = arith.constant 38 : index
    %get3A_1063 = arith.constant 0 : index
    %get3A_1064 = arith.constant 0 : index
    %get3A_1065 = vector.load %arg2[%get3A_1061, %get3A_1062, %get3A_1063, %get3A_1064] : memref<1x64x128x128xf32, #tpu.memory_space<vmem>>, vector<1x1x128x128xf32>
    %get3A_1066 = vector.shape_cast %get3A_1065 : vector<1x1x128x128xf32> to vector<128x128xf32>
    %dot_general3A_1067 = arith.constant dense<0.000000e+00> : vector<128x128xf32>
    %dot_general3A_1068 = tpu.matmul %get3A_1066, %convert_element_type3A_1, %dot_general3A_1067 {dimension_numbers = #tpu.dot_dimension_numbers<[0], [0], [1], [1], [0, 1, 1, 1], [], []>, transpose_lhs_hint = false} : vector<128x128xf32>, vector<128x128xf32>, vector<128x128xf32> -> vector<128x128xf32>
    %slice3A_1069 = vector.extract_strided_slice %dot_general3A_1068 {offsets = [0, 0], sizes = [64, 128], strides = [1, 1]} : vector<128x128xf32> to vector<64x128xf32>
    %reshape3A_1070 = vector.shape_cast %slice3A_1069 : vector<64x128xf32> to vector<8x8x128xf32>
    %swap3A_1071 = arith.constant 0 : index
    %swap3A_1072 = arith.constant 0 : index
    %swap3A_1073 = arith.constant 76 : index
    %swap3A_1074 = arith.constant 0 : index
    %swap3A_1075 = arith.constant 0 : index
    %swap3A_1076 = vector.load %arg3[%swap3A_1071, %swap3A_1072, %swap3A_1073, %swap3A_1074, %swap3A_1075] : memref<1x8x128x8x128xf32, #tpu.memory_space<vmem>>, vector<1x8x1x8x128xf32>
    %swap3A_1077 = vector.shape_cast %swap3A_1076 : vector<1x8x1x8x128xf32> to vector<8x8x128xf32>
    %swap3A_1078 = vector.shape_cast %reshape3A_1070 : vector<8x8x128xf32> to vector<1x8x1x8x128xf32>
    tpu.vector_store %arg3[%swap3A_1071, %swap3A_1072, %swap3A_1073, %swap3A_1074, %swap3A_1075], %swap3A_1078 {strides = array<i32>} : memref<1x8x128x8x128xf32, #tpu.memory_space<vmem>>, vector<1x8x1x8x128xf32>,
    %slice3A_1079 = vector.extract_strided_slice %dot_general3A_1068 {offsets = [64, 0], sizes = [64, 128], strides = [1, 1]} : vector<128x128xf32> to vector<64x128xf32>
    %reshape3A_1080 = vector.shape_cast %slice3A_1079 : vector<64x128xf32> to vector<8x8x128xf32>
    %swap3A_1081 = arith.constant 0 : index
    %swap3A_1082 = arith.constant 0 : index
    %swap3A_1083 = arith.constant 77 : index
    %swap3A_1084 = arith.constant 0 : index
    %swap3A_1085 = arith.constant 0 : index
    %swap3A_1086 = vector.load %arg3[%swap3A_1081, %swap3A_1082, %swap3A_1083, %swap3A_1084, %swap3A_1085] : memref<1x8x128x8x128xf32, #tpu.memory_space<vmem>>, vector<1x8x1x8x128xf32>
    %swap3A_1087 = vector.shape_cast %swap3A_1086 : vector<1x8x1x8x128xf32> to vector<8x8x128xf32>
    %swap3A_1088 = vector.shape_cast %reshape3A_1080 : vector<8x8x128xf32> to vector<1x8x1x8x128xf32>
    tpu.vector_store %arg3[%swap3A_1081, %swap3A_1082, %swap3A_1083, %swap3A_1084, %swap3A_1085], %swap3A_1088 {strides = array<i32>} : memref<1x8x128x8x128xf32, #tpu.memory_space<vmem>>, vector<1x8x1x8x128xf32>,
    %get3A_1089 = arith.constant 0 : index
    %get3A_1090 = arith.constant 39 : index
    %get3A_1091 = arith.constant 0 : index
    %get3A_1092 = arith.constant 0 : index
    %get3A_1093 = vector.load %arg2[%get3A_1089, %get3A_1090, %get3A_1091, %get3A_1092] : memref<1x64x128x128xf32, #tpu.memory_space<vmem>>, vector<1x1x128x128xf32>
    %get3A_1094 = vector.shape_cast %get3A_1093 : vector<1x1x128x128xf32> to vector<128x128xf32>
    %dot_general3A_1095 = arith.constant dense<0.000000e+00> : vector<128x128xf32>
    %dot_general3A_1096 = tpu.matmul %get3A_1094, %convert_element_type3A_1, %dot_general3A_1095 {dimension_numbers = #tpu.dot_dimension_numbers<[0], [0], [1], [1], [0, 1, 1, 1], [], []>, transpose_lhs_hint = false} : vector<128x128xf32>, vector<128x128xf32>, vector<128x128xf32> -> vector<128x128xf32>
    %slice3A_1097 = vector.extract_strided_slice %dot_general3A_1096 {offsets = [0, 0], sizes = [64, 128], strides = [1, 1]} : vector<128x128xf32> to vector<64x128xf32>
    %reshape3A_1098 = vector.shape_cast %slice3A_1097 : vector<64x128xf32> to vector<8x8x128xf32>
    %swap3A_1099 = arith.constant 0 : index
    %swap3A_1100 = arith.constant 0 : index
    %swap3A_1101 = arith.constant 78 : index
    %swap3A_1102 = arith.constant 0 : index
    %swap3A_1103 = arith.constant 0 : index
    %swap3A_1104 = vector.load %arg3[%swap3A_1099, %swap3A_1100, %swap3A_1101, %swap3A_1102, %swap3A_1103] : memref<1x8x128x8x128xf32, #tpu.memory_space<vmem>>, vector<1x8x1x8x128xf32>
    %swap3A_1105 = vector.shape_cast %swap3A_1104 : vector<1x8x1x8x128xf32> to vector<8x8x128xf32>
    %swap3A_1106 = vector.shape_cast %reshape3A_1098 : vector<8x8x128xf32> to vector<1x8x1x8x128xf32>
    tpu.vector_store %arg3[%swap3A_1099, %swap3A_1100, %swap3A_1101, %swap3A_1102, %swap3A_1103], %swap3A_1106 {strides = array<i32>} : memref<1x8x128x8x128xf32, #tpu.memory_space<vmem>>, vector<1x8x1x8x128xf32>,
    %slice3A_1107 = vector.extract_strided_slice %dot_general3A_1096 {offsets = [64, 0], sizes = [64, 128], strides = [1, 1]} : vector<128x128xf32> to vector<64x128xf32>
    %reshape3A_1108 = vector.shape_cast %slice3A_1107 : vector<64x128xf32> to vector<8x8x128xf32>
    %swap3A_1109 = arith.constant 0 : index
    %swap3A_1110 = arith.constant 0 : index
    %swap3A_1111 = arith.constant 79 : index
    %swap3A_1112 = arith.constant 0 : index
    %swap3A_1113 = arith.constant 0 : index
    %swap3A_1114 = vector.load %arg3[%swap3A_1109, %swap3A_1110, %swap3A_1111, %swap3A_1112, %swap3A_1113] : memref<1x8x128x8x128xf32, #tpu.memory_space<vmem>>, vector<1x8x1x8x128xf32>
    %swap3A_1115 = vector.shape_cast %swap3A_1114 : vector<1x8x1x8x128xf32> to vector<8x8x128xf32>
    %swap3A_1116 = vector.shape_cast %reshape3A_1108 : vector<8x8x128xf32> to vector<1x8x1x8x128xf32>
    tpu.vector_store %arg3[%swap3A_1109, %swap3A_1110, %swap3A_1111, %swap3A_1112, %swap3A_1113], %swap3A_1116 {strides = array<i32>} : memref<1x8x128x8x128xf32, #tpu.memory_space<vmem>>, vector<1x8x1x8x128xf32>,
    %get3A_1117 = arith.constant 0 : index
    %get3A_1118 = arith.constant 40 : index
    %get3A_1119 = arith.constant 0 : index
    %get3A_1120 = arith.constant 0 : index
    %get3A_1121 = vector.load %arg2[%get3A_1117, %get3A_1118, %get3A_1119, %get3A_1120] : memref<1x64x128x128xf32, #tpu.memory_space<vmem>>, vector<1x1x128x128xf32>
    %get3A_1122 = vector.shape_cast %get3A_1121 : vector<1x1x128x128xf32> to vector<128x128xf32>
    %dot_general3A_1123 = arith.constant dense<0.000000e+00> : vector<128x128xf32>
    %dot_general3A_1124 = tpu.matmul %get3A_1122, %convert_element_type3A_1, %dot_general3A_1123 {dimension_numbers = #tpu.dot_dimension_numbers<[0], [0], [1], [1], [0, 1, 1, 1], [], []>, transpose_lhs_hint = false} : vector<128x128xf32>, vector<128x128xf32>, vector<128x128xf32> -> vector<128x128xf32>
    %slice3A_1125 = vector.extract_strided_slice %dot_general3A_1124 {offsets = [0, 0], sizes = [64, 128], strides = [1, 1]} : vector<128x128xf32> to vector<64x128xf32>
    %reshape3A_1126 = vector.shape_cast %slice3A_1125 : vector<64x128xf32> to vector<8x8x128xf32>
    %swap3A_1127 = arith.constant 0 : index
    %swap3A_1128 = arith.constant 0 : index
    %swap3A_1129 = arith.constant 80 : index
    %swap3A_1130 = arith.constant 0 : index
    %swap3A_1131 = arith.constant 0 : index
    %swap3A_1132 = vector.load %arg3[%swap3A_1127, %swap3A_1128, %swap3A_1129, %swap3A_1130, %swap3A_1131] : memref<1x8x128x8x128xf32, #tpu.memory_space<vmem>>, vector<1x8x1x8x128xf32>
    %swap3A_1133 = vector.shape_cast %swap3A_1132 : vector<1x8x1x8x128xf32> to vector<8x8x128xf32>
    %swap3A_1134 = vector.shape_cast %reshape3A_1126 : vector<8x8x128xf32> to vector<1x8x1x8x128xf32>
    tpu.vector_store %arg3[%swap3A_1127, %swap3A_1128, %swap3A_1129, %swap3A_1130, %swap3A_1131], %swap3A_1134 {strides = array<i32>} : memref<1x8x128x8x128xf32, #tpu.memory_space<vmem>>, vector<1x8x1x8x128xf32>,
    %slice3A_1135 = vector.extract_strided_slice %dot_general3A_1124 {offsets = [64, 0], sizes = [64, 128], strides = [1, 1]} : vector<128x128xf32> to vector<64x128xf32>
    %reshape3A_1136 = vector.shape_cast %slice3A_1135 : vector<64x128xf32> to vector<8x8x128xf32>
    %swap3A_1137 = arith.constant 0 : index
    %swap3A_1138 = arith.constant 0 : index
    %swap3A_1139 = arith.constant 81 : index
    %swap3A_1140 = arith.constant 0 : index
    %swap3A_1141 = arith.constant 0 : index
    %swap3A_1142 = vector.load %arg3[%swap3A_1137, %swap3A_1138, %swap3A_1139, %swap3A_1140, %swap3A_1141] : memref<1x8x128x8x128xf32, #tpu.memory_space<vmem>>, vector<1x8x1x8x128xf32>
    %swap3A_1143 = vector.shape_cast %swap3A_1142 : vector<1x8x1x8x128xf32> to vector<8x8x128xf32>
    %swap3A_1144 = vector.shape_cast %reshape3A_1136 : vector<8x8x128xf32> to vector<1x8x1x8x128xf32>
    tpu.vector_store %arg3[%swap3A_1137, %swap3A_1138, %swap3A_1139, %swap3A_1140, %swap3A_1141], %swap3A_1144 {strides = array<i32>} : memref<1x8x128x8x128xf32, #tpu.memory_space<vmem>>, vector<1x8x1x8x128xf32>,
    %get3A_1145 = arith.constant 0 : index
    %get3A_1146 = arith.constant 41 : index
    %get3A_1147 = arith.constant 0 : index
    %get3A_1148 = arith.constant 0 : index
    %get3A_1149 = vector.load %arg2[%get3A_1145, %get3A_1146, %get3A_1147, %get3A_1148] : memref<1x64x128x128xf32, #tpu.memory_space<vmem>>, vector<1x1x128x128xf32>
    %get3A_1150 = vector.shape_cast %get3A_1149 : vector<1x1x128x128xf32> to vector<128x128xf32>
    %dot_general3A_1151 = arith.constant dense<0.000000e+00> : vector<128x128xf32>
    %dot_general3A_1152 = tpu.matmul %get3A_1150, %convert_element_type3A_1, %dot_general3A_1151 {dimension_numbers = #tpu.dot_dimension_numbers<[0], [0], [1], [1], [0, 1, 1, 1], [], []>, transpose_lhs_hint = false} : vector<128x128xf32>, vector<128x128xf32>, vector<128x128xf32> -> vector<128x128xf32>
    %slice3A_1153 = vector.extract_strided_slice %dot_general3A_1152 {offsets = [0, 0], sizes = [64, 128], strides = [1, 1]} : vector<128x128xf32> to vector<64x128xf32>
    %reshape3A_1154 = vector.shape_cast %slice3A_1153 : vector<64x128xf32> to vector<8x8x128xf32>
    %swap3A_1155 = arith.constant 0 : index
    %swap3A_1156 = arith.constant 0 : index
    %swap3A_1157 = arith.constant 82 : index
    %swap3A_1158 = arith.constant 0 : index
    %swap3A_1159 = arith.constant 0 : index
    %swap3A_1160 = vector.load %arg3[%swap3A_1155, %swap3A_1156, %swap3A_1157, %swap3A_1158, %swap3A_1159] : memref<1x8x128x8x128xf32, #tpu.memory_space<vmem>>, vector<1x8x1x8x128xf32>
    %swap3A_1161 = vector.shape_cast %swap3A_1160 : vector<1x8x1x8x128xf32> to vector<8x8x128xf32>
    %swap3A_1162 = vector.shape_cast %reshape3A_1154 : vector<8x8x128xf32> to vector<1x8x1x8x128xf32>
    tpu.vector_store %arg3[%swap3A_1155, %swap3A_1156, %swap3A_1157, %swap3A_1158, %swap3A_1159], %swap3A_1162 {strides = array<i32>} : memref<1x8x128x8x128xf32, #tpu.memory_space<vmem>>, vector<1x8x1x8x128xf32>,
    %slice3A_1163 = vector.extract_strided_slice %dot_general3A_1152 {offsets = [64, 0], sizes = [64, 128], strides = [1, 1]} : vector<128x128xf32> to vector<64x128xf32>
    %reshape3A_1164 = vector.shape_cast %slice3A_1163 : vector<64x128xf32> to vector<8x8x128xf32>
    %swap3A_1165 = arith.constant 0 : index
    %swap3A_1166 = arith.constant 0 : index
    %swap3A_1167 = arith.constant 83 : index
    %swap3A_1168 = arith.constant 0 : index
    %swap3A_1169 = arith.constant 0 : index
    %swap3A_1170 = vector.load %arg3[%swap3A_1165, %swap3A_1166, %swap3A_1167, %swap3A_1168, %swap3A_1169] : memref<1x8x128x8x128xf32, #tpu.memory_space<vmem>>, vector<1x8x1x8x128xf32>
    %swap3A_1171 = vector.shape_cast %swap3A_1170 : vector<1x8x1x8x128xf32> to vector<8x8x128xf32>
    %swap3A_1172 = vector.shape_cast %reshape3A_1164 : vector<8x8x128xf32> to vector<1x8x1x8x128xf32>
    tpu.vector_store %arg3[%swap3A_1165, %swap3A_1166, %swap3A_1167, %swap3A_1168, %swap3A_1169], %swap3A_1172 {strides = array<i32>} : memref<1x8x128x8x128xf32, #tpu.memory_space<vmem>>, vector<1x8x1x8x128xf32>,
    %get3A_1173 = arith.constant 0 : index
    %get3A_1174 = arith.constant 42 : index
    %get3A_1175 = arith.constant 0 : index
    %get3A_1176 = arith.constant 0 : index
    %get3A_1177 = vector.load %arg2[%get3A_1173, %get3A_1174, %get3A_1175, %get3A_1176] : memref<1x64x128x128xf32, #tpu.memory_space<vmem>>, vector<1x1x128x128xf32>
    %get3A_1178 = vector.shape_cast %get3A_1177 : vector<1x1x128x128xf32> to vector<128x128xf32>
    %dot_general3A_1179 = arith.constant dense<0.000000e+00> : vector<128x128xf32>
    %dot_general3A_1180 = tpu.matmul %get3A_1178, %convert_element_type3A_1, %dot_general3A_1179 {dimension_numbers = #tpu.dot_dimension_numbers<[0], [0], [1], [1], [0, 1, 1, 1], [], []>, transpose_lhs_hint = false} : vector<128x128xf32>, vector<128x128xf32>, vector<128x128xf32> -> vector<128x128xf32>
    %slice3A_1181 = vector.extract_strided_slice %dot_general3A_1180 {offsets = [0, 0], sizes = [64, 128], strides = [1, 1]} : vector<128x128xf32> to vector<64x128xf32>
    %reshape3A_1182 = vector.shape_cast %slice3A_1181 : vector<64x128xf32> to vector<8x8x128xf32>
    %swap3A_1183 = arith.constant 0 : index
    %swap3A_1184 = arith.constant 0 : index
    %swap3A_1185 = arith.constant 84 : index
    %swap3A_1186 = arith.constant 0 : index
    %swap3A_1187 = arith.constant 0 : index
    %swap3A_1188 = vector.load %arg3[%swap3A_1183, %swap3A_1184, %swap3A_1185, %swap3A_1186, %swap3A_1187] : memref<1x8x128x8x128xf32, #tpu.memory_space<vmem>>, vector<1x8x1x8x128xf32>
    %swap3A_1189 = vector.shape_cast %swap3A_1188 : vector<1x8x1x8x128xf32> to vector<8x8x128xf32>
    %swap3A_1190 = vector.shape_cast %reshape3A_1182 : vector<8x8x128xf32> to vector<1x8x1x8x128xf32>
    tpu.vector_store %arg3[%swap3A_1183, %swap3A_1184, %swap3A_1185, %swap3A_1186, %swap3A_1187], %swap3A_1190 {strides = array<i32>} : memref<1x8x128x8x128xf32, #tpu.memory_space<vmem>>, vector<1x8x1x8x128xf32>,
    %slice3A_1191 = vector.extract_strided_slice %dot_general3A_1180 {offsets = [64, 0], sizes = [64, 128], strides = [1, 1]} : vector<128x128xf32> to vector<64x128xf32>
    %reshape3A_1192 = vector.shape_cast %slice3A_1191 : vector<64x128xf32> to vector<8x8x128xf32>
    %swap3A_1193 = arith.constant 0 : index
    %swap3A_1194 = arith.constant 0 : index
    %swap3A_1195 = arith.constant 85 : index
    %swap3A_1196 = arith.constant 0 : index
    %swap3A_1197 = arith.constant 0 : index
    %swap3A_1198 = vector.load %arg3[%swap3A_1193, %swap3A_1194, %swap3A_1195, %swap3A_1196, %swap3A_1197] : memref<1x8x128x8x128xf32, #tpu.memory_space<vmem>>, vector<1x8x1x8x128xf32>
    %swap3A_1199 = vector.shape_cast %swap3A_1198 : vector<1x8x1x8x128xf32> to vector<8x8x128xf32>
    %swap3A_1200 = vector.shape_cast %reshape3A_1192 : vector<8x8x128xf32> to vector<1x8x1x8x128xf32>
    tpu.vector_store %arg3[%swap3A_1193, %swap3A_1194, %swap3A_1195, %swap3A_1196, %swap3A_1197], %swap3A_1200 {strides = array<i32>} : memref<1x8x128x8x128xf32, #tpu.memory_space<vmem>>, vector<1x8x1x8x128xf32>,
    %get3A_1201 = arith.constant 0 : index
    %get3A_1202 = arith.constant 43 : index
    %get3A_1203 = arith.constant 0 : index
    %get3A_1204 = arith.constant 0 : index
    %get3A_1205 = vector.load %arg2[%get3A_1201, %get3A_1202, %get3A_1203, %get3A_1204] : memref<1x64x128x128xf32, #tpu.memory_space<vmem>>, vector<1x1x128x128xf32>
    %get3A_1206 = vector.shape_cast %get3A_1205 : vector<1x1x128x128xf32> to vector<128x128xf32>
    %dot_general3A_1207 = arith.constant dense<0.000000e+00> : vector<128x128xf32>
    %dot_general3A_1208 = tpu.matmul %get3A_1206, %convert_element_type3A_1, %dot_general3A_1207 {dimension_numbers = #tpu.dot_dimension_numbers<[0], [0], [1], [1], [0, 1, 1, 1], [], []>, transpose_lhs_hint = false} : vector<128x128xf32>, vector<128x128xf32>, vector<128x128xf32> -> vector<128x128xf32>
    %slice3A_1209 = vector.extract_strided_slice %dot_general3A_1208 {offsets = [0, 0], sizes = [64, 128], strides = [1, 1]} : vector<128x128xf32> to vector<64x128xf32>
    %reshape3A_1210 = vector.shape_cast %slice3A_1209 : vector<64x128xf32> to vector<8x8x128xf32>
    %swap3A_1211 = arith.constant 0 : index
    %swap3A_1212 = arith.constant 0 : index
    %swap3A_1213 = arith.constant 86 : index
    %swap3A_1214 = arith.constant 0 : index
    %swap3A_1215 = arith.constant 0 : index
    %swap3A_1216 = vector.load %arg3[%swap3A_1211, %swap3A_1212, %swap3A_1213, %swap3A_1214, %swap3A_1215] : memref<1x8x128x8x128xf32, #tpu.memory_space<vmem>>, vector<1x8x1x8x128xf32>
    %swap3A_1217 = vector.shape_cast %swap3A_1216 : vector<1x8x1x8x128xf32> to vector<8x8x128xf32>
    %swap3A_1218 = vector.shape_cast %reshape3A_1210 : vector<8x8x128xf32> to vector<1x8x1x8x128xf32>
    tpu.vector_store %arg3[%swap3A_1211, %swap3A_1212, %swap3A_1213, %swap3A_1214, %swap3A_1215], %swap3A_1218 {strides = array<i32>} : memref<1x8x128x8x128xf32, #tpu.memory_space<vmem>>, vector<1x8x1x8x128xf32>,
    %slice3A_1219 = vector.extract_strided_slice %dot_general3A_1208 {offsets = [64, 0], sizes = [64, 128], strides = [1, 1]} : vector<128x128xf32> to vector<64x128xf32>
    %reshape3A_1220 = vector.shape_cast %slice3A_1219 : vector<64x128xf32> to vector<8x8x128xf32>
    %swap3A_1221 = arith.constant 0 : index
    %swap3A_1222 = arith.constant 0 : index
    %swap3A_1223 = arith.constant 87 : index
    %swap3A_1224 = arith.constant 0 : index
    %swap3A_1225 = arith.constant 0 : index
    %swap3A_1226 = vector.load %arg3[%swap3A_1221, %swap3A_1222, %swap3A_1223, %swap3A_1224, %swap3A_1225] : memref<1x8x128x8x128xf32, #tpu.memory_space<vmem>>, vector<1x8x1x8x128xf32>
    %swap3A_1227 = vector.shape_cast %swap3A_1226 : vector<1x8x1x8x128xf32> to vector<8x8x128xf32>
    %swap3A_1228 = vector.shape_cast %reshape3A_1220 : vector<8x8x128xf32> to vector<1x8x1x8x128xf32>
    tpu.vector_store %arg3[%swap3A_1221, %swap3A_1222, %swap3A_1223, %swap3A_1224, %swap3A_1225], %swap3A_1228 {strides = array<i32>} : memref<1x8x128x8x128xf32, #tpu.memory_space<vmem>>, vector<1x8x1x8x128xf32>,
    %get3A_1229 = arith.constant 0 : index
    %get3A_1230 = arith.constant 44 : index
    %get3A_1231 = arith.constant 0 : index
    %get3A_1232 = arith.constant 0 : index
    %get3A_1233 = vector.load %arg2[%get3A_1229, %get3A_1230, %get3A_1231, %get3A_1232] : memref<1x64x128x128xf32, #tpu.memory_space<vmem>>, vector<1x1x128x128xf32>
    %get3A_1234 = vector.shape_cast %get3A_1233 : vector<1x1x128x128xf32> to vector<128x128xf32>
    %dot_general3A_1235 = arith.constant dense<0.000000e+00> : vector<128x128xf32>
    %dot_general3A_1236 = tpu.matmul %get3A_1234, %convert_element_type3A_1, %dot_general3A_1235 {dimension_numbers = #tpu.dot_dimension_numbers<[0], [0], [1], [1], [0, 1, 1, 1], [], []>, transpose_lhs_hint = false} : vector<128x128xf32>, vector<128x128xf32>, vector<128x128xf32> -> vector<128x128xf32>
    %slice3A_1237 = vector.extract_strided_slice %dot_general3A_1236 {offsets = [0, 0], sizes = [64, 128], strides = [1, 1]} : vector<128x128xf32> to vector<64x128xf32>
    %reshape3A_1238 = vector.shape_cast %slice3A_1237 : vector<64x128xf32> to vector<8x8x128xf32>
    %swap3A_1239 = arith.constant 0 : index
    %swap3A_1240 = arith.constant 0 : index
    %swap3A_1241 = arith.constant 88 : index
    %swap3A_1242 = arith.constant 0 : index
    %swap3A_1243 = arith.constant 0 : index
    %swap3A_1244 = vector.load %arg3[%swap3A_1239, %swap3A_1240, %swap3A_1241, %swap3A_1242, %swap3A_1243] : memref<1x8x128x8x128xf32, #tpu.memory_space<vmem>>, vector<1x8x1x8x128xf32>
    %swap3A_1245 = vector.shape_cast %swap3A_1244 : vector<1x8x1x8x128xf32> to vector<8x8x128xf32>
    %swap3A_1246 = vector.shape_cast %reshape3A_1238 : vector<8x8x128xf32> to vector<1x8x1x8x128xf32>
    tpu.vector_store %arg3[%swap3A_1239, %swap3A_1240, %swap3A_1241, %swap3A_1242, %swap3A_1243], %swap3A_1246 {strides = array<i32>} : memref<1x8x128x8x128xf32, #tpu.memory_space<vmem>>, vector<1x8x1x8x128xf32>,
    %slice3A_1247 = vector.extract_strided_slice %dot_general3A_1236 {offsets = [64, 0], sizes = [64, 128], strides = [1, 1]} : vector<128x128xf32> to vector<64x128xf32>
    %reshape3A_1248 = vector.shape_cast %slice3A_1247 : vector<64x128xf32> to vector<8x8x128xf32>
    %swap3A_1249 = arith.constant 0 : index
    %swap3A_1250 = arith.constant 0 : index
    %swap3A_1251 = arith.constant 89 : index
    %swap3A_1252 = arith.constant 0 : index
    %swap3A_1253 = arith.constant 0 : index
    %swap3A_1254 = vector.load %arg3[%swap3A_1249, %swap3A_1250, %swap3A_1251, %swap3A_1252, %swap3A_1253] : memref<1x8x128x8x128xf32, #tpu.memory_space<vmem>>, vector<1x8x1x8x128xf32>
    %swap3A_1255 = vector.shape_cast %swap3A_1254 : vector<1x8x1x8x128xf32> to vector<8x8x128xf32>
    %swap3A_1256 = vector.shape_cast %reshape3A_1248 : vector<8x8x128xf32> to vector<1x8x1x8x128xf32>
    tpu.vector_store %arg3[%swap3A_1249, %swap3A_1250, %swap3A_1251, %swap3A_1252, %swap3A_1253], %swap3A_1256 {strides = array<i32>} : memref<1x8x128x8x128xf32, #tpu.memory_space<vmem>>, vector<1x8x1x8x128xf32>,
    %get3A_1257 = arith.constant 0 : index
    %get3A_1258 = arith.constant 45 : index
    %get3A_1259 = arith.constant 0 : index
    %get3A_1260 = arith.constant 0 : index
    %get3A_1261 = vector.load %arg2[%get3A_1257, %get3A_1258, %get3A_1259, %get3A_1260] : memref<1x64x128x128xf32, #tpu.memory_space<vmem>>, vector<1x1x128x128xf32>
    %get3A_1262 = vector.shape_cast %get3A_1261 : vector<1x1x128x128xf32> to vector<128x128xf32>
    %dot_general3A_1263 = arith.constant dense<0.000000e+00> : vector<128x128xf32>
    %dot_general3A_1264 = tpu.matmul %get3A_1262, %convert_element_type3A_1, %dot_general3A_1263 {dimension_numbers = #tpu.dot_dimension_numbers<[0], [0], [1], [1], [0, 1, 1, 1], [], []>, transpose_lhs_hint = false} : vector<128x128xf32>, vector<128x128xf32>, vector<128x128xf32> -> vector<128x128xf32>
    %slice3A_1265 = vector.extract_strided_slice %dot_general3A_1264 {offsets = [0, 0], sizes = [64, 128], strides = [1, 1]} : vector<128x128xf32> to vector<64x128xf32>
    %reshape3A_1266 = vector.shape_cast %slice3A_1265 : vector<64x128xf32> to vector<8x8x128xf32>
    %swap3A_1267 = arith.constant 0 : index
    %swap3A_1268 = arith.constant 0 : index
    %swap3A_1269 = arith.constant 90 : index
    %swap3A_1270 = arith.constant 0 : index
    %swap3A_1271 = arith.constant 0 : index
    %swap3A_1272 = vector.load %arg3[%swap3A_1267, %swap3A_1268, %swap3A_1269, %swap3A_1270, %swap3A_1271] : memref<1x8x128x8x128xf32, #tpu.memory_space<vmem>>, vector<1x8x1x8x128xf32>
    %swap3A_1273 = vector.shape_cast %swap3A_1272 : vector<1x8x1x8x128xf32> to vector<8x8x128xf32>
    %swap3A_1274 = vector.shape_cast %reshape3A_1266 : vector<8x8x128xf32> to vector<1x8x1x8x128xf32>
    tpu.vector_store %arg3[%swap3A_1267, %swap3A_1268, %swap3A_1269, %swap3A_1270, %swap3A_1271], %swap3A_1274 {strides = array<i32>} : memref<1x8x128x8x128xf32, #tpu.memory_space<vmem>>, vector<1x8x1x8x128xf32>,
    %slice3A_1275 = vector.extract_strided_slice %dot_general3A_1264 {offsets = [64, 0], sizes = [64, 128], strides = [1, 1]} : vector<128x128xf32> to vector<64x128xf32>
    %reshape3A_1276 = vector.shape_cast %slice3A_1275 : vector<64x128xf32> to vector<8x8x128xf32>
    %swap3A_1277 = arith.constant 0 : index
    %swap3A_1278 = arith.constant 0 : index
    %swap3A_1279 = arith.constant 91 : index
    %swap3A_1280 = arith.constant 0 : index
    %swap3A_1281 = arith.constant 0 : index
    %swap3A_1282 = vector.load %arg3[%swap3A_1277, %swap3A_1278, %swap3A_1279, %swap3A_1280, %swap3A_1281] : memref<1x8x128x8x128xf32, #tpu.memory_space<vmem>>, vector<1x8x1x8x128xf32>
    %swap3A_1283 = vector.shape_cast %swap3A_1282 : vector<1x8x1x8x128xf32> to vector<8x8x128xf32>
    %swap3A_1284 = vector.shape_cast %reshape3A_1276 : vector<8x8x128xf32> to vector<1x8x1x8x128xf32>
    tpu.vector_store %arg3[%swap3A_1277, %swap3A_1278, %swap3A_1279, %swap3A_1280, %swap3A_1281], %swap3A_1284 {strides = array<i32>} : memref<1x8x128x8x128xf32, #tpu.memory_space<vmem>>, vector<1x8x1x8x128xf32>,
    %get3A_1285 = arith.constant 0 : index
    %get3A_1286 = arith.constant 46 : index
    %get3A_1287 = arith.constant 0 : index
    %get3A_1288 = arith.constant 0 : index
    %get3A_1289 = vector.load %arg2[%get3A_1285, %get3A_1286, %get3A_1287, %get3A_1288] : memref<1x64x128x128xf32, #tpu.memory_space<vmem>>, vector<1x1x128x128xf32>
    %get3A_1290 = vector.shape_cast %get3A_1289 : vector<1x1x128x128xf32> to vector<128x128xf32>
    %dot_general3A_1291 = arith.constant dense<0.000000e+00> : vector<128x128xf32>
    %dot_general3A_1292 = tpu.matmul %get3A_1290, %convert_element_type3A_1, %dot_general3A_1291 {dimension_numbers = #tpu.dot_dimension_numbers<[0], [0], [1], [1], [0, 1, 1, 1], [], []>, transpose_lhs_hint = false} : vector<128x128xf32>, vector<128x128xf32>, vector<128x128xf32> -> vector<128x128xf32>
    %slice3A_1293 = vector.extract_strided_slice %dot_general3A_1292 {offsets = [0, 0], sizes = [64, 128], strides = [1, 1]} : vector<128x128xf32> to vector<64x128xf32>
    %reshape3A_1294 = vector.shape_cast %slice3A_1293 : vector<64x128xf32> to vector<8x8x128xf32>
    %swap3A_1295 = arith.constant 0 : index
    %swap3A_1296 = arith.constant 0 : index
    %swap3A_1297 = arith.constant 92 : index
    %swap3A_1298 = arith.constant 0 : index
    %swap3A_1299 = arith.constant 0 : index
    %swap3A_1300 = vector.load %arg3[%swap3A_1295, %swap3A_1296, %swap3A_1297, %swap3A_1298, %swap3A_1299] : memref<1x8x128x8x128xf32, #tpu.memory_space<vmem>>, vector<1x8x1x8x128xf32>
    %swap3A_1301 = vector.shape_cast %swap3A_1300 : vector<1x8x1x8x128xf32> to vector<8x8x128xf32>
    %swap3A_1302 = vector.shape_cast %reshape3A_1294 : vector<8x8x128xf32> to vector<1x8x1x8x128xf32>
    tpu.vector_store %arg3[%swap3A_1295, %swap3A_1296, %swap3A_1297, %swap3A_1298, %swap3A_1299], %swap3A_1302 {strides = array<i32>} : memref<1x8x128x8x128xf32, #tpu.memory_space<vmem>>, vector<1x8x1x8x128xf32>,
    %slice3A_1303 = vector.extract_strided_slice %dot_general3A_1292 {offsets = [64, 0], sizes = [64, 128], strides = [1, 1]} : vector<128x128xf32> to vector<64x128xf32>
    %reshape3A_1304 = vector.shape_cast %slice3A_1303 : vector<64x128xf32> to vector<8x8x128xf32>
    %swap3A_1305 = arith.constant 0 : index
    %swap3A_1306 = arith.constant 0 : index
    %swap3A_1307 = arith.constant 93 : index
    %swap3A_1308 = arith.constant 0 : index
    %swap3A_1309 = arith.constant 0 : index
    %swap3A_1310 = vector.load %arg3[%swap3A_1305, %swap3A_1306, %swap3A_1307, %swap3A_1308, %swap3A_1309] : memref<1x8x128x8x128xf32, #tpu.memory_space<vmem>>, vector<1x8x1x8x128xf32>
    %swap3A_1311 = vector.shape_cast %swap3A_1310 : vector<1x8x1x8x128xf32> to vector<8x8x128xf32>
    %swap3A_1312 = vector.shape_cast %reshape3A_1304 : vector<8x8x128xf32> to vector<1x8x1x8x128xf32>
    tpu.vector_store %arg3[%swap3A_1305, %swap3A_1306, %swap3A_1307, %swap3A_1308, %swap3A_1309], %swap3A_1312 {strides = array<i32>} : memref<1x8x128x8x128xf32, #tpu.memory_space<vmem>>, vector<1x8x1x8x128xf32>,
    %get3A_1313 = arith.constant 0 : index
    %get3A_1314 = arith.constant 47 : index
    %get3A_1315 = arith.constant 0 : index
    %get3A_1316 = arith.constant 0 : index
    %get3A_1317 = vector.load %arg2[%get3A_1313, %get3A_1314, %get3A_1315, %get3A_1316] : memref<1x64x128x128xf32, #tpu.memory_space<vmem>>, vector<1x1x128x128xf32>
    %get3A_1318 = vector.shape_cast %get3A_1317 : vector<1x1x128x128xf32> to vector<128x128xf32>
    %dot_general3A_1319 = arith.constant dense<0.000000e+00> : vector<128x128xf32>
    %dot_general3A_1320 = tpu.matmul %get3A_1318, %convert_element_type3A_1, %dot_general3A_1319 {dimension_numbers = #tpu.dot_dimension_numbers<[0], [0], [1], [1], [0, 1, 1, 1], [], []>, transpose_lhs_hint = false} : vector<128x128xf32>, vector<128x128xf32>, vector<128x128xf32> -> vector<128x128xf32>
    %slice3A_1321 = vector.extract_strided_slice %dot_general3A_1320 {offsets = [0, 0], sizes = [64, 128], strides = [1, 1]} : vector<128x128xf32> to vector<64x128xf32>
    %reshape3A_1322 = vector.shape_cast %slice3A_1321 : vector<64x128xf32> to vector<8x8x128xf32>
    %swap3A_1323 = arith.constant 0 : index
    %swap3A_1324 = arith.constant 0 : index
    %swap3A_1325 = arith.constant 94 : index
    %swap3A_1326 = arith.constant 0 : index
    %swap3A_1327 = arith.constant 0 : index
    %swap3A_1328 = vector.load %arg3[%swap3A_1323, %swap3A_1324, %swap3A_1325, %swap3A_1326, %swap3A_1327] : memref<1x8x128x8x128xf32, #tpu.memory_space<vmem>>, vector<1x8x1x8x128xf32>
    %swap3A_1329 = vector.shape_cast %swap3A_1328 : vector<1x8x1x8x128xf32> to vector<8x8x128xf32>
    %swap3A_1330 = vector.shape_cast %reshape3A_1322 : vector<8x8x128xf32> to vector<1x8x1x8x128xf32>
    tpu.vector_store %arg3[%swap3A_1323, %swap3A_1324, %swap3A_1325, %swap3A_1326, %swap3A_1327], %swap3A_1330 {strides = array<i32>} : memref<1x8x128x8x128xf32, #tpu.memory_space<vmem>>, vector<1x8x1x8x128xf32>,
    %slice3A_1331 = vector.extract_strided_slice %dot_general3A_1320 {offsets = [64, 0], sizes = [64, 128], strides = [1, 1]} : vector<128x128xf32> to vector<64x128xf32>
    %reshape3A_1332 = vector.shape_cast %slice3A_1331 : vector<64x128xf32> to vector<8x8x128xf32>
    %swap3A_1333 = arith.constant 0 : index
    %swap3A_1334 = arith.constant 0 : index
    %swap3A_1335 = arith.constant 95 : index
    %swap3A_1336 = arith.constant 0 : index
    %swap3A_1337 = arith.constant 0 : index
    %swap3A_1338 = vector.load %arg3[%swap3A_1333, %swap3A_1334, %swap3A_1335, %swap3A_1336, %swap3A_1337] : memref<1x8x128x8x128xf32, #tpu.memory_space<vmem>>, vector<1x8x1x8x128xf32>
    %swap3A_1339 = vector.shape_cast %swap3A_1338 : vector<1x8x1x8x128xf32> to vector<8x8x128xf32>
    %swap3A_1340 = vector.shape_cast %reshape3A_1332 : vector<8x8x128xf32> to vector<1x8x1x8x128xf32>
    tpu.vector_store %arg3[%swap3A_1333, %swap3A_1334, %swap3A_1335, %swap3A_1336, %swap3A_1337], %swap3A_1340 {strides = array<i32>} : memref<1x8x128x8x128xf32, #tpu.memory_space<vmem>>, vector<1x8x1x8x128xf32>,
    %get3A_1341 = arith.constant 0 : index
    %get3A_1342 = arith.constant 48 : index
    %get3A_1343 = arith.constant 0 : index
    %get3A_1344 = arith.constant 0 : index
    %get3A_1345 = vector.load %arg2[%get3A_1341, %get3A_1342, %get3A_1343, %get3A_1344] : memref<1x64x128x128xf32, #tpu.memory_space<vmem>>, vector<1x1x128x128xf32>
    %get3A_1346 = vector.shape_cast %get3A_1345 : vector<1x1x128x128xf32> to vector<128x128xf32>
    %dot_general3A_1347 = arith.constant dense<0.000000e+00> : vector<128x128xf32>
    %dot_general3A_1348 = tpu.matmul %get3A_1346, %convert_element_type3A_1, %dot_general3A_1347 {dimension_numbers = #tpu.dot_dimension_numbers<[0], [0], [1], [1], [0, 1, 1, 1], [], []>, transpose_lhs_hint = false} : vector<128x128xf32>, vector<128x128xf32>, vector<128x128xf32> -> vector<128x128xf32>
    %slice3A_1349 = vector.extract_strided_slice %dot_general3A_1348 {offsets = [0, 0], sizes = [64, 128], strides = [1, 1]} : vector<128x128xf32> to vector<64x128xf32>
    %reshape3A_1350 = vector.shape_cast %slice3A_1349 : vector<64x128xf32> to vector<8x8x128xf32>
    %swap3A_1351 = arith.constant 0 : index
    %swap3A_1352 = arith.constant 0 : index
    %swap3A_1353 = arith.constant 96 : index
    %swap3A_1354 = arith.constant 0 : index
    %swap3A_1355 = arith.constant 0 : index
    %swap3A_1356 = vector.load %arg3[%swap3A_1351, %swap3A_1352, %swap3A_1353, %swap3A_1354, %swap3A_1355] : memref<1x8x128x8x128xf32, #tpu.memory_space<vmem>>, vector<1x8x1x8x128xf32>
    %swap3A_1357 = vector.shape_cast %swap3A_1356 : vector<1x8x1x8x128xf32> to vector<8x8x128xf32>
    %swap3A_1358 = vector.shape_cast %reshape3A_1350 : vector<8x8x128xf32> to vector<1x8x1x8x128xf32>
    tpu.vector_store %arg3[%swap3A_1351, %swap3A_1352, %swap3A_1353, %swap3A_1354, %swap3A_1355], %swap3A_1358 {strides = array<i32>} : memref<1x8x128x8x128xf32, #tpu.memory_space<vmem>>, vector<1x8x1x8x128xf32>,
    %slice3A_1359 = vector.extract_strided_slice %dot_general3A_1348 {offsets = [64, 0], sizes = [64, 128], strides = [1, 1]} : vector<128x128xf32> to vector<64x128xf32>
    %reshape3A_1360 = vector.shape_cast %slice3A_1359 : vector<64x128xf32> to vector<8x8x128xf32>
    %swap3A_1361 = arith.constant 0 : index
    %swap3A_1362 = arith.constant 0 : index
    %swap3A_1363 = arith.constant 97 : index
    %swap3A_1364 = arith.constant 0 : index
    %swap3A_1365 = arith.constant 0 : index
    %swap3A_1366 = vector.load %arg3[%swap3A_1361, %swap3A_1362, %swap3A_1363, %swap3A_1364, %swap3A_1365] : memref<1x8x128x8x128xf32, #tpu.memory_space<vmem>>, vector<1x8x1x8x128xf32>
    %swap3A_1367 = vector.shape_cast %swap3A_1366 : vector<1x8x1x8x128xf32> to vector<8x8x128xf32>
    %swap3A_1368 = vector.shape_cast %reshape3A_1360 : vector<8x8x128xf32> to vector<1x8x1x8x128xf32>
    tpu.vector_store %arg3[%swap3A_1361, %swap3A_1362, %swap3A_1363, %swap3A_1364, %swap3A_1365], %swap3A_1368 {strides = array<i32>} : memref<1x8x128x8x128xf32, #tpu.memory_space<vmem>>, vector<1x8x1x8x128xf32>,
    %get3A_1369 = arith.constant 0 : index
    %get3A_1370 = arith.constant 49 : index
    %get3A_1371 = arith.constant 0 : index
    %get3A_1372 = arith.constant 0 : index
    %get3A_1373 = vector.load %arg2[%get3A_1369, %get3A_1370, %get3A_1371, %get3A_1372] : memref<1x64x128x128xf32, #tpu.memory_space<vmem>>, vector<1x1x128x128xf32>
    %get3A_1374 = vector.shape_cast %get3A_1373 : vector<1x1x128x128xf32> to vector<128x128xf32>
    %dot_general3A_1375 = arith.constant dense<0.000000e+00> : vector<128x128xf32>
    %dot_general3A_1376 = tpu.matmul %get3A_1374, %convert_element_type3A_1, %dot_general3A_1375 {dimension_numbers = #tpu.dot_dimension_numbers<[0], [0], [1], [1], [0, 1, 1, 1], [], []>, transpose_lhs_hint = false} : vector<128x128xf32>, vector<128x128xf32>, vector<128x128xf32> -> vector<128x128xf32>
    %slice3A_1377 = vector.extract_strided_slice %dot_general3A_1376 {offsets = [0, 0], sizes = [64, 128], strides = [1, 1]} : vector<128x128xf32> to vector<64x128xf32>
    %reshape3A_1378 = vector.shape_cast %slice3A_1377 : vector<64x128xf32> to vector<8x8x128xf32>
    %swap3A_1379 = arith.constant 0 : index
    %swap3A_1380 = arith.constant 0 : index
    %swap3A_1381 = arith.constant 98 : index
    %swap3A_1382 = arith.constant 0 : index
    %swap3A_1383 = arith.constant 0 : index
    %swap3A_1384 = vector.load %arg3[%swap3A_1379, %swap3A_1380, %swap3A_1381, %swap3A_1382, %swap3A_1383] : memref<1x8x128x8x128xf32, #tpu.memory_space<vmem>>, vector<1x8x1x8x128xf32>
    %swap3A_1385 = vector.shape_cast %swap3A_1384 : vector<1x8x1x8x128xf32> to vector<8x8x128xf32>
    %swap3A_1386 = vector.shape_cast %reshape3A_1378 : vector<8x8x128xf32> to vector<1x8x1x8x128xf32>
    tpu.vector_store %arg3[%swap3A_1379, %swap3A_1380, %swap3A_1381, %swap3A_1382, %swap3A_1383], %swap3A_1386 {strides = array<i32>} : memref<1x8x128x8x128xf32, #tpu.memory_space<vmem>>, vector<1x8x1x8x128xf32>,
    %slice3A_1387 = vector.extract_strided_slice %dot_general3A_1376 {offsets = [64, 0], sizes = [64, 128], strides = [1, 1]} : vector<128x128xf32> to vector<64x128xf32>
    %reshape3A_1388 = vector.shape_cast %slice3A_1387 : vector<64x128xf32> to vector<8x8x128xf32>
    %swap3A_1389 = arith.constant 0 : index
    %swap3A_1390 = arith.constant 0 : index
    %swap3A_1391 = arith.constant 99 : index
    %swap3A_1392 = arith.constant 0 : index
    %swap3A_1393 = arith.constant 0 : index
    %swap3A_1394 = vector.load %arg3[%swap3A_1389, %swap3A_1390, %swap3A_1391, %swap3A_1392, %swap3A_1393] : memref<1x8x128x8x128xf32, #tpu.memory_space<vmem>>, vector<1x8x1x8x128xf32>
    %swap3A_1395 = vector.shape_cast %swap3A_1394 : vector<1x8x1x8x128xf32> to vector<8x8x128xf32>
    %swap3A_1396 = vector.shape_cast %reshape3A_1388 : vector<8x8x128xf32> to vector<1x8x1x8x128xf32>
    tpu.vector_store %arg3[%swap3A_1389, %swap3A_1390, %swap3A_1391, %swap3A_1392, %swap3A_1393], %swap3A_1396 {strides = array<i32>} : memref<1x8x128x8x128xf32, #tpu.memory_space<vmem>>, vector<1x8x1x8x128xf32>,
    %get3A_1397 = arith.constant 0 : index
    %get3A_1398 = arith.constant 50 : index
    %get3A_1399 = arith.constant 0 : index
    %get3A_1400 = arith.constant 0 : index
    %get3A_1401 = vector.load %arg2[%get3A_1397, %get3A_1398, %get3A_1399, %get3A_1400] : memref<1x64x128x128xf32, #tpu.memory_space<vmem>>, vector<1x1x128x128xf32>
    %get3A_1402 = vector.shape_cast %get3A_1401 : vector<1x1x128x128xf32> to vector<128x128xf32>
    %dot_general3A_1403 = arith.constant dense<0.000000e+00> : vector<128x128xf32>
    %dot_general3A_1404 = tpu.matmul %get3A_1402, %convert_element_type3A_1, %dot_general3A_1403 {dimension_numbers = #tpu.dot_dimension_numbers<[0], [0], [1], [1], [0, 1, 1, 1], [], []>, transpose_lhs_hint = false} : vector<128x128xf32>, vector<128x128xf32>, vector<128x128xf32> -> vector<128x128xf32>
    %slice3A_1405 = vector.extract_strided_slice %dot_general3A_1404 {offsets = [0, 0], sizes = [64, 128], strides = [1, 1]} : vector<128x128xf32> to vector<64x128xf32>
    %reshape3A_1406 = vector.shape_cast %slice3A_1405 : vector<64x128xf32> to vector<8x8x128xf32>
    %swap3A_1407 = arith.constant 0 : index
    %swap3A_1408 = arith.constant 0 : index
    %swap3A_1409 = arith.constant 100 : index
    %swap3A_1410 = arith.constant 0 : index
    %swap3A_1411 = arith.constant 0 : index
    %swap3A_1412 = vector.load %arg3[%swap3A_1407, %swap3A_1408, %swap3A_1409, %swap3A_1410, %swap3A_1411] : memref<1x8x128x8x128xf32, #tpu.memory_space<vmem>>, vector<1x8x1x8x128xf32>
    %swap3A_1413 = vector.shape_cast %swap3A_1412 : vector<1x8x1x8x128xf32> to vector<8x8x128xf32>
    %swap3A_1414 = vector.shape_cast %reshape3A_1406 : vector<8x8x128xf32> to vector<1x8x1x8x128xf32>
    tpu.vector_store %arg3[%swap3A_1407, %swap3A_1408, %swap3A_1409, %swap3A_1410, %swap3A_1411], %swap3A_1414 {strides = array<i32>} : memref<1x8x128x8x128xf32, #tpu.memory_space<vmem>>, vector<1x8x1x8x128xf32>,
    %slice3A_1415 = vector.extract_strided_slice %dot_general3A_1404 {offsets = [64, 0], sizes = [64, 128], strides = [1, 1]} : vector<128x128xf32> to vector<64x128xf32>
    %reshape3A_1416 = vector.shape_cast %slice3A_1415 : vector<64x128xf32> to vector<8x8x128xf32>
    %swap3A_1417 = arith.constant 0 : index
    %swap3A_1418 = arith.constant 0 : index
    %swap3A_1419 = arith.constant 101 : index
    %swap3A_1420 = arith.constant 0 : index
    %swap3A_1421 = arith.constant 0 : index
    %swap3A_1422 = vector.load %arg3[%swap3A_1417, %swap3A_1418, %swap3A_1419, %swap3A_1420, %swap3A_1421] : memref<1x8x128x8x128xf32, #tpu.memory_space<vmem>>, vector<1x8x1x8x128xf32>
    %swap3A_1423 = vector.shape_cast %swap3A_1422 : vector<1x8x1x8x128xf32> to vector<8x8x128xf32>
    %swap3A_1424 = vector.shape_cast %reshape3A_1416 : vector<8x8x128xf32> to vector<1x8x1x8x128xf32>
    tpu.vector_store %arg3[%swap3A_1417, %swap3A_1418, %swap3A_1419, %swap3A_1420, %swap3A_1421], %swap3A_1424 {strides = array<i32>} : memref<1x8x128x8x128xf32, #tpu.memory_space<vmem>>, vector<1x8x1x8x128xf32>,
    %get3A_1425 = arith.constant 0 : index
    %get3A_1426 = arith.constant 51 : index
    %get3A_1427 = arith.constant 0 : index
    %get3A_1428 = arith.constant 0 : index
    %get3A_1429 = vector.load %arg2[%get3A_1425, %get3A_1426, %get3A_1427, %get3A_1428] : memref<1x64x128x128xf32, #tpu.memory_space<vmem>>, vector<1x1x128x128xf32>
    %get3A_1430 = vector.shape_cast %get3A_1429 : vector<1x1x128x128xf32> to vector<128x128xf32>
    %dot_general3A_1431 = arith.constant dense<0.000000e+00> : vector<128x128xf32>
    %dot_general3A_1432 = tpu.matmul %get3A_1430, %convert_element_type3A_1, %dot_general3A_1431 {dimension_numbers = #tpu.dot_dimension_numbers<[0], [0], [1], [1], [0, 1, 1, 1], [], []>, transpose_lhs_hint = false} : vector<128x128xf32>, vector<128x128xf32>, vector<128x128xf32> -> vector<128x128xf32>
    %slice3A_1433 = vector.extract_strided_slice %dot_general3A_1432 {offsets = [0, 0], sizes = [64, 128], strides = [1, 1]} : vector<128x128xf32> to vector<64x128xf32>
    %reshape3A_1434 = vector.shape_cast %slice3A_1433 : vector<64x128xf32> to vector<8x8x128xf32>
    %swap3A_1435 = arith.constant 0 : index
    %swap3A_1436 = arith.constant 0 : index
    %swap3A_1437 = arith.constant 102 : index
    %swap3A_1438 = arith.constant 0 : index
    %swap3A_1439 = arith.constant 0 : index
    %swap3A_1440 = vector.load %arg3[%swap3A_1435, %swap3A_1436, %swap3A_1437, %swap3A_1438, %swap3A_1439] : memref<1x8x128x8x128xf32, #tpu.memory_space<vmem>>, vector<1x8x1x8x128xf32>
    %swap3A_1441 = vector.shape_cast %swap3A_1440 : vector<1x8x1x8x128xf32> to vector<8x8x128xf32>
    %swap3A_1442 = vector.shape_cast %reshape3A_1434 : vector<8x8x128xf32> to vector<1x8x1x8x128xf32>
    tpu.vector_store %arg3[%swap3A_1435, %swap3A_1436, %swap3A_1437, %swap3A_1438, %swap3A_1439], %swap3A_1442 {strides = array<i32>} : memref<1x8x128x8x128xf32, #tpu.memory_space<vmem>>, vector<1x8x1x8x128xf32>,
    %slice3A_1443 = vector.extract_strided_slice %dot_general3A_1432 {offsets = [64, 0], sizes = [64, 128], strides = [1, 1]} : vector<128x128xf32> to vector<64x128xf32>
    %reshape3A_1444 = vector.shape_cast %slice3A_1443 : vector<64x128xf32> to vector<8x8x128xf32>
    %swap3A_1445 = arith.constant 0 : index
    %swap3A_1446 = arith.constant 0 : index
    %swap3A_1447 = arith.constant 103 : index
    %swap3A_1448 = arith.constant 0 : index
    %swap3A_1449 = arith.constant 0 : index
    %swap3A_1450 = vector.load %arg3[%swap3A_1445, %swap3A_1446, %swap3A_1447, %swap3A_1448, %swap3A_1449] : memref<1x8x128x8x128xf32, #tpu.memory_space<vmem>>, vector<1x8x1x8x128xf32>
    %swap3A_1451 = vector.shape_cast %swap3A_1450 : vector<1x8x1x8x128xf32> to vector<8x8x128xf32>
    %swap3A_1452 = vector.shape_cast %reshape3A_1444 : vector<8x8x128xf32> to vector<1x8x1x8x128xf32>
    tpu.vector_store %arg3[%swap3A_1445, %swap3A_1446, %swap3A_1447, %swap3A_1448, %swap3A_1449], %swap3A_1452 {strides = array<i32>} : memref<1x8x128x8x128xf32, #tpu.memory_space<vmem>>, vector<1x8x1x8x128xf32>,
    %get3A_1453 = arith.constant 0 : index
    %get3A_1454 = arith.constant 52 : index
    %get3A_1455 = arith.constant 0 : index
    %get3A_1456 = arith.constant 0 : index
    %get3A_1457 = vector.load %arg2[%get3A_1453, %get3A_1454, %get3A_1455, %get3A_1456] : memref<1x64x128x128xf32, #tpu.memory_space<vmem>>, vector<1x1x128x128xf32>
    %get3A_1458 = vector.shape_cast %get3A_1457 : vector<1x1x128x128xf32> to vector<128x128xf32>
    %dot_general3A_1459 = arith.constant dense<0.000000e+00> : vector<128x128xf32>
    %dot_general3A_1460 = tpu.matmul %get3A_1458, %convert_element_type3A_1, %dot_general3A_1459 {dimension_numbers = #tpu.dot_dimension_numbers<[0], [0], [1], [1], [0, 1, 1, 1], [], []>, transpose_lhs_hint = false} : vector<128x128xf32>, vector<128x128xf32>, vector<128x128xf32> -> vector<128x128xf32>
    %slice3A_1461 = vector.extract_strided_slice %dot_general3A_1460 {offsets = [0, 0], sizes = [64, 128], strides = [1, 1]} : vector<128x128xf32> to vector<64x128xf32>
    %reshape3A_1462 = vector.shape_cast %slice3A_1461 : vector<64x128xf32> to vector<8x8x128xf32>
    %swap3A_1463 = arith.constant 0 : index
    %swap3A_1464 = arith.constant 0 : index
    %swap3A_1465 = arith.constant 104 : index
    %swap3A_1466 = arith.constant 0 : index
    %swap3A_1467 = arith.constant 0 : index
    %swap3A_1468 = vector.load %arg3[%swap3A_1463, %swap3A_1464, %swap3A_1465, %swap3A_1466, %swap3A_1467] : memref<1x8x128x8x128xf32, #tpu.memory_space<vmem>>, vector<1x8x1x8x128xf32>
    %swap3A_1469 = vector.shape_cast %swap3A_1468 : vector<1x8x1x8x128xf32> to vector<8x8x128xf32>
    %swap3A_1470 = vector.shape_cast %reshape3A_1462 : vector<8x8x128xf32> to vector<1x8x1x8x128xf32>
    tpu.vector_store %arg3[%swap3A_1463, %swap3A_1464, %swap3A_1465, %swap3A_1466, %swap3A_1467], %swap3A_1470 {strides = array<i32>} : memref<1x8x128x8x128xf32, #tpu.memory_space<vmem>>, vector<1x8x1x8x128xf32>,
    %slice3A_1471 = vector.extract_strided_slice %dot_general3A_1460 {offsets = [64, 0], sizes = [64, 128], strides = [1, 1]} : vector<128x128xf32> to vector<64x128xf32>
    %reshape3A_1472 = vector.shape_cast %slice3A_1471 : vector<64x128xf32> to vector<8x8x128xf32>
    %swap3A_1473 = arith.constant 0 : index
    %swap3A_1474 = arith.constant 0 : index
    %swap3A_1475 = arith.constant 105 : index
    %swap3A_1476 = arith.constant 0 : index
    %swap3A_1477 = arith.constant 0 : index
    %swap3A_1478 = vector.load %arg3[%swap3A_1473, %swap3A_1474, %swap3A_1475, %swap3A_1476, %swap3A_1477] : memref<1x8x128x8x128xf32, #tpu.memory_space<vmem>>, vector<1x8x1x8x128xf32>
    %swap3A_1479 = vector.shape_cast %swap3A_1478 : vector<1x8x1x8x128xf32> to vector<8x8x128xf32>
    %swap3A_1480 = vector.shape_cast %reshape3A_1472 : vector<8x8x128xf32> to vector<1x8x1x8x128xf32>
    tpu.vector_store %arg3[%swap3A_1473, %swap3A_1474, %swap3A_1475, %swap3A_1476, %swap3A_1477], %swap3A_1480 {strides = array<i32>} : memref<1x8x128x8x128xf32, #tpu.memory_space<vmem>>, vector<1x8x1x8x128xf32>,
    %get3A_1481 = arith.constant 0 : index
    %get3A_1482 = arith.constant 53 : index
    %get3A_1483 = arith.constant 0 : index
    %get3A_1484 = arith.constant 0 : index
    %get3A_1485 = vector.load %arg2[%get3A_1481, %get3A_1482, %get3A_1483, %get3A_1484] : memref<1x64x128x128xf32, #tpu.memory_space<vmem>>, vector<1x1x128x128xf32>
    %get3A_1486 = vector.shape_cast %get3A_1485 : vector<1x1x128x128xf32> to vector<128x128xf32>
    %dot_general3A_1487 = arith.constant dense<0.000000e+00> : vector<128x128xf32>
    %dot_general3A_1488 = tpu.matmul %get3A_1486, %convert_element_type3A_1, %dot_general3A_1487 {dimension_numbers = #tpu.dot_dimension_numbers<[0], [0], [1], [1], [0, 1, 1, 1], [], []>, transpose_lhs_hint = false} : vector<128x128xf32>, vector<128x128xf32>, vector<128x128xf32> -> vector<128x128xf32>
    %slice3A_1489 = vector.extract_strided_slice %dot_general3A_1488 {offsets = [0, 0], sizes = [64, 128], strides = [1, 1]} : vector<128x128xf32> to vector<64x128xf32>
    %reshape3A_1490 = vector.shape_cast %slice3A_1489 : vector<64x128xf32> to vector<8x8x128xf32>
    %swap3A_1491 = arith.constant 0 : index
    %swap3A_1492 = arith.constant 0 : index
    %swap3A_1493 = arith.constant 106 : index
    %swap3A_1494 = arith.constant 0 : index
    %swap3A_1495 = arith.constant 0 : index
    %swap3A_1496 = vector.load %arg3[%swap3A_1491, %swap3A_1492, %swap3A_1493, %swap3A_1494, %swap3A_1495] : memref<1x8x128x8x128xf32, #tpu.memory_space<vmem>>, vector<1x8x1x8x128xf32>
    %swap3A_1497 = vector.shape_cast %swap3A_1496 : vector<1x8x1x8x128xf32> to vector<8x8x128xf32>
    %swap3A_1498 = vector.shape_cast %reshape3A_1490 : vector<8x8x128xf32> to vector<1x8x1x8x128xf32>
    tpu.vector_store %arg3[%swap3A_1491, %swap3A_1492, %swap3A_1493, %swap3A_1494, %swap3A_1495], %swap3A_1498 {strides = array<i32>} : memref<1x8x128x8x128xf32, #tpu.memory_space<vmem>>, vector<1x8x1x8x128xf32>,
    %slice3A_1499 = vector.extract_strided_slice %dot_general3A_1488 {offsets = [64, 0], sizes = [64, 128], strides = [1, 1]} : vector<128x128xf32> to vector<64x128xf32>
    %reshape3A_1500 = vector.shape_cast %slice3A_1499 : vector<64x128xf32> to vector<8x8x128xf32>
    %swap3A_1501 = arith.constant 0 : index
    %swap3A_1502 = arith.constant 0 : index
    %swap3A_1503 = arith.constant 107 : index
    %swap3A_1504 = arith.constant 0 : index
    %swap3A_1505 = arith.constant 0 : index
    %swap3A_1506 = vector.load %arg3[%swap3A_1501, %swap3A_1502, %swap3A_1503, %swap3A_1504, %swap3A_1505] : memref<1x8x128x8x128xf32, #tpu.memory_space<vmem>>, vector<1x8x1x8x128xf32>
    %swap3A_1507 = vector.shape_cast %swap3A_1506 : vector<1x8x1x8x128xf32> to vector<8x8x128xf32>
    %swap3A_1508 = vector.shape_cast %reshape3A_1500 : vector<8x8x128xf32> to vector<1x8x1x8x128xf32>
    tpu.vector_store %arg3[%swap3A_1501, %swap3A_1502, %swap3A_1503, %swap3A_1504, %swap3A_1505], %swap3A_1508 {strides = array<i32>} : memref<1x8x128x8x128xf32, #tpu.memory_space<vmem>>, vector<1x8x1x8x128xf32>,
    %get3A_1509 = arith.constant 0 : index
    %get3A_1510 = arith.constant 54 : index
    %get3A_1511 = arith.constant 0 : index
    %get3A_1512 = arith.constant 0 : index
    %get3A_1513 = vector.load %arg2[%get3A_1509, %get3A_1510, %get3A_1511, %get3A_1512] : memref<1x64x128x128xf32, #tpu.memory_space<vmem>>, vector<1x1x128x128xf32>
    %get3A_1514 = vector.shape_cast %get3A_1513 : vector<1x1x128x128xf32> to vector<128x128xf32>
    %dot_general3A_1515 = arith.constant dense<0.000000e+00> : vector<128x128xf32>
    %dot_general3A_1516 = tpu.matmul %get3A_1514, %convert_element_type3A_1, %dot_general3A_1515 {dimension_numbers = #tpu.dot_dimension_numbers<[0], [0], [1], [1], [0, 1, 1, 1], [], []>, transpose_lhs_hint = false} : vector<128x128xf32>, vector<128x128xf32>, vector<128x128xf32> -> vector<128x128xf32>
    %slice3A_1517 = vector.extract_strided_slice %dot_general3A_1516 {offsets = [0, 0], sizes = [64, 128], strides = [1, 1]} : vector<128x128xf32> to vector<64x128xf32>
    %reshape3A_1518 = vector.shape_cast %slice3A_1517 : vector<64x128xf32> to vector<8x8x128xf32>
    %swap3A_1519 = arith.constant 0 : index
    %swap3A_1520 = arith.constant 0 : index
    %swap3A_1521 = arith.constant 108 : index
    %swap3A_1522 = arith.constant 0 : index
    %swap3A_1523 = arith.constant 0 : index
    %swap3A_1524 = vector.load %arg3[%swap3A_1519, %swap3A_1520, %swap3A_1521, %swap3A_1522, %swap3A_1523] : memref<1x8x128x8x128xf32, #tpu.memory_space<vmem>>, vector<1x8x1x8x128xf32>
    %swap3A_1525 = vector.shape_cast %swap3A_1524 : vector<1x8x1x8x128xf32> to vector<8x8x128xf32>
    %swap3A_1526 = vector.shape_cast %reshape3A_1518 : vector<8x8x128xf32> to vector<1x8x1x8x128xf32>
    tpu.vector_store %arg3[%swap3A_1519, %swap3A_1520, %swap3A_1521, %swap3A_1522, %swap3A_1523], %swap3A_1526 {strides = array<i32>} : memref<1x8x128x8x128xf32, #tpu.memory_space<vmem>>, vector<1x8x1x8x128xf32>,
    %slice3A_1527 = vector.extract_strided_slice %dot_general3A_1516 {offsets = [64, 0], sizes = [64, 128], strides = [1, 1]} : vector<128x128xf32> to vector<64x128xf32>
    %reshape3A_1528 = vector.shape_cast %slice3A_1527 : vector<64x128xf32> to vector<8x8x128xf32>
    %swap3A_1529 = arith.constant 0 : index
    %swap3A_1530 = arith.constant 0 : index
    %swap3A_1531 = arith.constant 109 : index
    %swap3A_1532 = arith.constant 0 : index
    %swap3A_1533 = arith.constant 0 : index
    %swap3A_1534 = vector.load %arg3[%swap3A_1529, %swap3A_1530, %swap3A_1531, %swap3A_1532, %swap3A_1533] : memref<1x8x128x8x128xf32, #tpu.memory_space<vmem>>, vector<1x8x1x8x128xf32>
    %swap3A_1535 = vector.shape_cast %swap3A_1534 : vector<1x8x1x8x128xf32> to vector<8x8x128xf32>
    %swap3A_1536 = vector.shape_cast %reshape3A_1528 : vector<8x8x128xf32> to vector<1x8x1x8x128xf32>
    tpu.vector_store %arg3[%swap3A_1529, %swap3A_1530, %swap3A_1531, %swap3A_1532, %swap3A_1533], %swap3A_1536 {strides = array<i32>} : memref<1x8x128x8x128xf32, #tpu.memory_space<vmem>>, vector<1x8x1x8x128xf32>,
    %get3A_1537 = arith.constant 0 : index
    %get3A_1538 = arith.constant 55 : index
    %get3A_1539 = arith.constant 0 : index
    %get3A_1540 = arith.constant 0 : index
    %get3A_1541 = vector.load %arg2[%get3A_1537, %get3A_1538, %get3A_1539, %get3A_1540] : memref<1x64x128x128xf32, #tpu.memory_space<vmem>>, vector<1x1x128x128xf32>
    %get3A_1542 = vector.shape_cast %get3A_1541 : vector<1x1x128x128xf32> to vector<128x128xf32>
    %dot_general3A_1543 = arith.constant dense<0.000000e+00> : vector<128x128xf32>
    %dot_general3A_1544 = tpu.matmul %get3A_1542, %convert_element_type3A_1, %dot_general3A_1543 {dimension_numbers = #tpu.dot_dimension_numbers<[0], [0], [1], [1], [0, 1, 1, 1], [], []>, transpose_lhs_hint = false} : vector<128x128xf32>, vector<128x128xf32>, vector<128x128xf32> -> vector<128x128xf32>
    %slice3A_1545 = vector.extract_strided_slice %dot_general3A_1544 {offsets = [0, 0], sizes = [64, 128], strides = [1, 1]} : vector<128x128xf32> to vector<64x128xf32>
    %reshape3A_1546 = vector.shape_cast %slice3A_1545 : vector<64x128xf32> to vector<8x8x128xf32>
    %swap3A_1547 = arith.constant 0 : index
    %swap3A_1548 = arith.constant 0 : index
    %swap3A_1549 = arith.constant 110 : index
    %swap3A_1550 = arith.constant 0 : index
    %swap3A_1551 = arith.constant 0 : index
    %swap3A_1552 = vector.load %arg3[%swap3A_1547, %swap3A_1548, %swap3A_1549, %swap3A_1550, %swap3A_1551] : memref<1x8x128x8x128xf32, #tpu.memory_space<vmem>>, vector<1x8x1x8x128xf32>
    %swap3A_1553 = vector.shape_cast %swap3A_1552 : vector<1x8x1x8x128xf32> to vector<8x8x128xf32>
    %swap3A_1554 = vector.shape_cast %reshape3A_1546 : vector<8x8x128xf32> to vector<1x8x1x8x128xf32>
    tpu.vector_store %arg3[%swap3A_1547, %swap3A_1548, %swap3A_1549, %swap3A_1550, %swap3A_1551], %swap3A_1554 {strides = array<i32>} : memref<1x8x128x8x128xf32, #tpu.memory_space<vmem>>, vector<1x8x1x8x128xf32>,
    %slice3A_1555 = vector.extract_strided_slice %dot_general3A_1544 {offsets = [64, 0], sizes = [64, 128], strides = [1, 1]} : vector<128x128xf32> to vector<64x128xf32>
    %reshape3A_1556 = vector.shape_cast %slice3A_1555 : vector<64x128xf32> to vector<8x8x128xf32>
    %swap3A_1557 = arith.constant 0 : index
    %swap3A_1558 = arith.constant 0 : index
    %swap3A_1559 = arith.constant 111 : index
    %swap3A_1560 = arith.constant 0 : index
    %swap3A_1561 = arith.constant 0 : index
    %swap3A_1562 = vector.load %arg3[%swap3A_1557, %swap3A_1558, %swap3A_1559, %swap3A_1560, %swap3A_1561] : memref<1x8x128x8x128xf32, #tpu.memory_space<vmem>>, vector<1x8x1x8x128xf32>
    %swap3A_1563 = vector.shape_cast %swap3A_1562 : vector<1x8x1x8x128xf32> to vector<8x8x128xf32>
    %swap3A_1564 = vector.shape_cast %reshape3A_1556 : vector<8x8x128xf32> to vector<1x8x1x8x128xf32>
    tpu.vector_store %arg3[%swap3A_1557, %swap3A_1558, %swap3A_1559, %swap3A_1560, %swap3A_1561], %swap3A_1564 {strides = array<i32>} : memref<1x8x128x8x128xf32, #tpu.memory_space<vmem>>, vector<1x8x1x8x128xf32>,
    %get3A_1565 = arith.constant 0 : index
    %get3A_1566 = arith.constant 56 : index
    %get3A_1567 = arith.constant 0 : index
    %get3A_1568 = arith.constant 0 : index
    %get3A_1569 = vector.load %arg2[%get3A_1565, %get3A_1566, %get3A_1567, %get3A_1568] : memref<1x64x128x128xf32, #tpu.memory_space<vmem>>, vector<1x1x128x128xf32>
    %get3A_1570 = vector.shape_cast %get3A_1569 : vector<1x1x128x128xf32> to vector<128x128xf32>
    %dot_general3A_1571 = arith.constant dense<0.000000e+00> : vector<128x128xf32>
    %dot_general3A_1572 = tpu.matmul %get3A_1570, %convert_element_type3A_1, %dot_general3A_1571 {dimension_numbers = #tpu.dot_dimension_numbers<[0], [0], [1], [1], [0, 1, 1, 1], [], []>, transpose_lhs_hint = false} : vector<128x128xf32>, vector<128x128xf32>, vector<128x128xf32> -> vector<128x128xf32>
    %slice3A_1573 = vector.extract_strided_slice %dot_general3A_1572 {offsets = [0, 0], sizes = [64, 128], strides = [1, 1]} : vector<128x128xf32> to vector<64x128xf32>
    %reshape3A_1574 = vector.shape_cast %slice3A_1573 : vector<64x128xf32> to vector<8x8x128xf32>
    %swap3A_1575 = arith.constant 0 : index
    %swap3A_1576 = arith.constant 0 : index
    %swap3A_1577 = arith.constant 112 : index
    %swap3A_1578 = arith.constant 0 : index
    %swap3A_1579 = arith.constant 0 : index
    %swap3A_1580 = vector.load %arg3[%swap3A_1575, %swap3A_1576, %swap3A_1577, %swap3A_1578, %swap3A_1579] : memref<1x8x128x8x128xf32, #tpu.memory_space<vmem>>, vector<1x8x1x8x128xf32>
    %swap3A_1581 = vector.shape_cast %swap3A_1580 : vector<1x8x1x8x128xf32> to vector<8x8x128xf32>
    %swap3A_1582 = vector.shape_cast %reshape3A_1574 : vector<8x8x128xf32> to vector<1x8x1x8x128xf32>
    tpu.vector_store %arg3[%swap3A_1575, %swap3A_1576, %swap3A_1577, %swap3A_1578, %swap3A_1579], %swap3A_1582 {strides = array<i32>} : memref<1x8x128x8x128xf32, #tpu.memory_space<vmem>>, vector<1x8x1x8x128xf32>,
    %slice3A_1583 = vector.extract_strided_slice %dot_general3A_1572 {offsets = [64, 0], sizes = [64, 128], strides = [1, 1]} : vector<128x128xf32> to vector<64x128xf32>
    %reshape3A_1584 = vector.shape_cast %slice3A_1583 : vector<64x128xf32> to vector<8x8x128xf32>
    %swap3A_1585 = arith.constant 0 : index
    %swap3A_1586 = arith.constant 0 : index
    %swap3A_1587 = arith.constant 113 : index
    %swap3A_1588 = arith.constant 0 : index
    %swap3A_1589 = arith.constant 0 : index
    %swap3A_1590 = vector.load %arg3[%swap3A_1585, %swap3A_1586, %swap3A_1587, %swap3A_1588, %swap3A_1589] : memref<1x8x128x8x128xf32, #tpu.memory_space<vmem>>, vector<1x8x1x8x128xf32>
    %swap3A_1591 = vector.shape_cast %swap3A_1590 : vector<1x8x1x8x128xf32> to vector<8x8x128xf32>
    %swap3A_1592 = vector.shape_cast %reshape3A_1584 : vector<8x8x128xf32> to vector<1x8x1x8x128xf32>
    tpu.vector_store %arg3[%swap3A_1585, %swap3A_1586, %swap3A_1587, %swap3A_1588, %swap3A_1589], %swap3A_1592 {strides = array<i32>} : memref<1x8x128x8x128xf32, #tpu.memory_space<vmem>>, vector<1x8x1x8x128xf32>,
    %get3A_1593 = arith.constant 0 : index
    %get3A_1594 = arith.constant 57 : index
    %get3A_1595 = arith.constant 0 : index
    %get3A_1596 = arith.constant 0 : index
    %get3A_1597 = vector.load %arg2[%get3A_1593, %get3A_1594, %get3A_1595, %get3A_1596] : memref<1x64x128x128xf32, #tpu.memory_space<vmem>>, vector<1x1x128x128xf32>
    %get3A_1598 = vector.shape_cast %get3A_1597 : vector<1x1x128x128xf32> to vector<128x128xf32>
    %dot_general3A_1599 = arith.constant dense<0.000000e+00> : vector<128x128xf32>
    %dot_general3A_1600 = tpu.matmul %get3A_1598, %convert_element_type3A_1, %dot_general3A_1599 {dimension_numbers = #tpu.dot_dimension_numbers<[0], [0], [1], [1], [0, 1, 1, 1], [], []>, transpose_lhs_hint = false} : vector<128x128xf32>, vector<128x128xf32>, vector<128x128xf32> -> vector<128x128xf32>
    %slice3A_1601 = vector.extract_strided_slice %dot_general3A_1600 {offsets = [0, 0], sizes = [64, 128], strides = [1, 1]} : vector<128x128xf32> to vector<64x128xf32>
    %reshape3A_1602 = vector.shape_cast %slice3A_1601 : vector<64x128xf32> to vector<8x8x128xf32>
    %swap3A_1603 = arith.constant 0 : index
    %swap3A_1604 = arith.constant 0 : index
    %swap3A_1605 = arith.constant 114 : index
    %swap3A_1606 = arith.constant 0 : index
    %swap3A_1607 = arith.constant 0 : index
    %swap3A_1608 = vector.load %arg3[%swap3A_1603, %swap3A_1604, %swap3A_1605, %swap3A_1606, %swap3A_1607] : memref<1x8x128x8x128xf32, #tpu.memory_space<vmem>>, vector<1x8x1x8x128xf32>
    %swap3A_1609 = vector.shape_cast %swap3A_1608 : vector<1x8x1x8x128xf32> to vector<8x8x128xf32>
    %swap3A_1610 = vector.shape_cast %reshape3A_1602 : vector<8x8x128xf32> to vector<1x8x1x8x128xf32>
    tpu.vector_store %arg3[%swap3A_1603, %swap3A_1604, %swap3A_1605, %swap3A_1606, %swap3A_1607], %swap3A_1610 {strides = array<i32>} : memref<1x8x128x8x128xf32, #tpu.memory_space<vmem>>, vector<1x8x1x8x128xf32>,
    %slice3A_1611 = vector.extract_strided_slice %dot_general3A_1600 {offsets = [64, 0], sizes = [64, 128], strides = [1, 1]} : vector<128x128xf32> to vector<64x128xf32>
    %reshape3A_1612 = vector.shape_cast %slice3A_1611 : vector<64x128xf32> to vector<8x8x128xf32>
    %swap3A_1613 = arith.constant 0 : index
    %swap3A_1614 = arith.constant 0 : index
    %swap3A_1615 = arith.constant 115 : index
    %swap3A_1616 = arith.constant 0 : index
    %swap3A_1617 = arith.constant 0 : index
    %swap3A_1618 = vector.load %arg3[%swap3A_1613, %swap3A_1614, %swap3A_1615, %swap3A_1616, %swap3A_1617] : memref<1x8x128x8x128xf32, #tpu.memory_space<vmem>>, vector<1x8x1x8x128xf32>
    %swap3A_1619 = vector.shape_cast %swap3A_1618 : vector<1x8x1x8x128xf32> to vector<8x8x128xf32>
    %swap3A_1620 = vector.shape_cast %reshape3A_1612 : vector<8x8x128xf32> to vector<1x8x1x8x128xf32>
    tpu.vector_store %arg3[%swap3A_1613, %swap3A_1614, %swap3A_1615, %swap3A_1616, %swap3A_1617], %swap3A_1620 {strides = array<i32>} : memref<1x8x128x8x128xf32, #tpu.memory_space<vmem>>, vector<1x8x1x8x128xf32>,
    %get3A_1621 = arith.constant 0 : index
    %get3A_1622 = arith.constant 58 : index
    %get3A_1623 = arith.constant 0 : index
    %get3A_1624 = arith.constant 0 : index
    %get3A_1625 = vector.load %arg2[%get3A_1621, %get3A_1622, %get3A_1623, %get3A_1624] : memref<1x64x128x128xf32, #tpu.memory_space<vmem>>, vector<1x1x128x128xf32>
    %get3A_1626 = vector.shape_cast %get3A_1625 : vector<1x1x128x128xf32> to vector<128x128xf32>
    %dot_general3A_1627 = arith.constant dense<0.000000e+00> : vector<128x128xf32>
    %dot_general3A_1628 = tpu.matmul %get3A_1626, %convert_element_type3A_1, %dot_general3A_1627 {dimension_numbers = #tpu.dot_dimension_numbers<[0], [0], [1], [1], [0, 1, 1, 1], [], []>, transpose_lhs_hint = false} : vector<128x128xf32>, vector<128x128xf32>, vector<128x128xf32> -> vector<128x128xf32>
    %slice3A_1629 = vector.extract_strided_slice %dot_general3A_1628 {offsets = [0, 0], sizes = [64, 128], strides = [1, 1]} : vector<128x128xf32> to vector<64x128xf32>
    %reshape3A_1630 = vector.shape_cast %slice3A_1629 : vector<64x128xf32> to vector<8x8x128xf32>
    %swap3A_1631 = arith.constant 0 : index
    %swap3A_1632 = arith.constant 0 : index
    %swap3A_1633 = arith.constant 116 : index
    %swap3A_1634 = arith.constant 0 : index
    %swap3A_1635 = arith.constant 0 : index
    %swap3A_1636 = vector.load %arg3[%swap3A_1631, %swap3A_1632, %swap3A_1633, %swap3A_1634, %swap3A_1635] : memref<1x8x128x8x128xf32, #tpu.memory_space<vmem>>, vector<1x8x1x8x128xf32>
    %swap3A_1637 = vector.shape_cast %swap3A_1636 : vector<1x8x1x8x128xf32> to vector<8x8x128xf32>
    %swap3A_1638 = vector.shape_cast %reshape3A_1630 : vector<8x8x128xf32> to vector<1x8x1x8x128xf32>
    tpu.vector_store %arg3[%swap3A_1631, %swap3A_1632, %swap3A_1633, %swap3A_1634, %swap3A_1635], %swap3A_1638 {strides = array<i32>} : memref<1x8x128x8x128xf32, #tpu.memory_space<vmem>>, vector<1x8x1x8x128xf32>,
    %slice3A_1639 = vector.extract_strided_slice %dot_general3A_1628 {offsets = [64, 0], sizes = [64, 128], strides = [1, 1]} : vector<128x128xf32> to vector<64x128xf32>
    %reshape3A_1640 = vector.shape_cast %slice3A_1639 : vector<64x128xf32> to vector<8x8x128xf32>
    %swap3A_1641 = arith.constant 0 : index
    %swap3A_1642 = arith.constant 0 : index
    %swap3A_1643 = arith.constant 117 : index
    %swap3A_1644 = arith.constant 0 : index
    %swap3A_1645 = arith.constant 0 : index
    %swap3A_1646 = vector.load %arg3[%swap3A_1641, %swap3A_1642, %swap3A_1643, %swap3A_1644, %swap3A_1645] : memref<1x8x128x8x128xf32, #tpu.memory_space<vmem>>, vector<1x8x1x8x128xf32>
    %swap3A_1647 = vector.shape_cast %swap3A_1646 : vector<1x8x1x8x128xf32> to vector<8x8x128xf32>
    %swap3A_1648 = vector.shape_cast %reshape3A_1640 : vector<8x8x128xf32> to vector<1x8x1x8x128xf32>
    tpu.vector_store %arg3[%swap3A_1641, %swap3A_1642, %swap3A_1643, %swap3A_1644, %swap3A_1645], %swap3A_1648 {strides = array<i32>} : memref<1x8x128x8x128xf32, #tpu.memory_space<vmem>>, vector<1x8x1x8x128xf32>,
    %get3A_1649 = arith.constant 0 : index
    %get3A_1650 = arith.constant 59 : index
    %get3A_1651 = arith.constant 0 : index
    %get3A_1652 = arith.constant 0 : index
    %get3A_1653 = vector.load %arg2[%get3A_1649, %get3A_1650, %get3A_1651, %get3A_1652] : memref<1x64x128x128xf32, #tpu.memory_space<vmem>>, vector<1x1x128x128xf32>
    %get3A_1654 = vector.shape_cast %get3A_1653 : vector<1x1x128x128xf32> to vector<128x128xf32>
    %dot_general3A_1655 = arith.constant dense<0.000000e+00> : vector<128x128xf32>
    %dot_general3A_1656 = tpu.matmul %get3A_1654, %convert_element_type3A_1, %dot_general3A_1655 {dimension_numbers = #tpu.dot_dimension_numbers<[0], [0], [1], [1], [0, 1, 1, 1], [], []>, transpose_lhs_hint = false} : vector<128x128xf32>, vector<128x128xf32>, vector<128x128xf32> -> vector<128x128xf32>
    %slice3A_1657 = vector.extract_strided_slice %dot_general3A_1656 {offsets = [0, 0], sizes = [64, 128], strides = [1, 1]} : vector<128x128xf32> to vector<64x128xf32>
    %reshape3A_1658 = vector.shape_cast %slice3A_1657 : vector<64x128xf32> to vector<8x8x128xf32>
    %swap3A_1659 = arith.constant 0 : index
    %swap3A_1660 = arith.constant 0 : index
    %swap3A_1661 = arith.constant 118 : index
    %swap3A_1662 = arith.constant 0 : index
    %swap3A_1663 = arith.constant 0 : index
    %swap3A_1664 = vector.load %arg3[%swap3A_1659, %swap3A_1660, %swap3A_1661, %swap3A_1662, %swap3A_1663] : memref<1x8x128x8x128xf32, #tpu.memory_space<vmem>>, vector<1x8x1x8x128xf32>
    %swap3A_1665 = vector.shape_cast %swap3A_1664 : vector<1x8x1x8x128xf32> to vector<8x8x128xf32>
    %swap3A_1666 = vector.shape_cast %reshape3A_1658 : vector<8x8x128xf32> to vector<1x8x1x8x128xf32>
    tpu.vector_store %arg3[%swap3A_1659, %swap3A_1660, %swap3A_1661, %swap3A_1662, %swap3A_1663], %swap3A_1666 {strides = array<i32>} : memref<1x8x128x8x128xf32, #tpu.memory_space<vmem>>, vector<1x8x1x8x128xf32>,
    %slice3A_1667 = vector.extract_strided_slice %dot_general3A_1656 {offsets = [64, 0], sizes = [64, 128], strides = [1, 1]} : vector<128x128xf32> to vector<64x128xf32>
    %reshape3A_1668 = vector.shape_cast %slice3A_1667 : vector<64x128xf32> to vector<8x8x128xf32>
    %swap3A_1669 = arith.constant 0 : index
    %swap3A_1670 = arith.constant 0 : index
    %swap3A_1671 = arith.constant 119 : index
    %swap3A_1672 = arith.constant 0 : index
    %swap3A_1673 = arith.constant 0 : index
    %swap3A_1674 = vector.load %arg3[%swap3A_1669, %swap3A_1670, %swap3A_1671, %swap3A_1672, %swap3A_1673] : memref<1x8x128x8x128xf32, #tpu.memory_space<vmem>>, vector<1x8x1x8x128xf32>
    %swap3A_1675 = vector.shape_cast %swap3A_1674 : vector<1x8x1x8x128xf32> to vector<8x8x128xf32>
    %swap3A_1676 = vector.shape_cast %reshape3A_1668 : vector<8x8x128xf32> to vector<1x8x1x8x128xf32>
    tpu.vector_store %arg3[%swap3A_1669, %swap3A_1670, %swap3A_1671, %swap3A_1672, %swap3A_1673], %swap3A_1676 {strides = array<i32>} : memref<1x8x128x8x128xf32, #tpu.memory_space<vmem>>, vector<1x8x1x8x128xf32>,
    %get3A_1677 = arith.constant 0 : index
    %get3A_1678 = arith.constant 60 : index
    %get3A_1679 = arith.constant 0 : index
    %get3A_1680 = arith.constant 0 : index
    %get3A_1681 = vector.load %arg2[%get3A_1677, %get3A_1678, %get3A_1679, %get3A_1680] : memref<1x64x128x128xf32, #tpu.memory_space<vmem>>, vector<1x1x128x128xf32>
    %get3A_1682 = vector.shape_cast %get3A_1681 : vector<1x1x128x128xf32> to vector<128x128xf32>
    %dot_general3A_1683 = arith.constant dense<0.000000e+00> : vector<128x128xf32>
    %dot_general3A_1684 = tpu.matmul %get3A_1682, %convert_element_type3A_1, %dot_general3A_1683 {dimension_numbers = #tpu.dot_dimension_numbers<[0], [0], [1], [1], [0, 1, 1, 1], [], []>, transpose_lhs_hint = false} : vector<128x128xf32>, vector<128x128xf32>, vector<128x128xf32> -> vector<128x128xf32>
    %slice3A_1685 = vector.extract_strided_slice %dot_general3A_1684 {offsets = [0, 0], sizes = [64, 128], strides = [1, 1]} : vector<128x128xf32> to vector<64x128xf32>
    %reshape3A_1686 = vector.shape_cast %slice3A_1685 : vector<64x128xf32> to vector<8x8x128xf32>
    %swap3A_1687 = arith.constant 0 : index
    %swap3A_1688 = arith.constant 0 : index
    %swap3A_1689 = arith.constant 120 : index
    %swap3A_1690 = arith.constant 0 : index
    %swap3A_1691 = arith.constant 0 : index
    %swap3A_1692 = vector.load %arg3[%swap3A_1687, %swap3A_1688, %swap3A_1689, %swap3A_1690, %swap3A_1691] : memref<1x8x128x8x128xf32, #tpu.memory_space<vmem>>, vector<1x8x1x8x128xf32>
    %swap3A_1693 = vector.shape_cast %swap3A_1692 : vector<1x8x1x8x128xf32> to vector<8x8x128xf32>
    %swap3A_1694 = vector.shape_cast %reshape3A_1686 : vector<8x8x128xf32> to vector<1x8x1x8x128xf32>
    tpu.vector_store %arg3[%swap3A_1687, %swap3A_1688, %swap3A_1689, %swap3A_1690, %swap3A_1691], %swap3A_1694 {strides = array<i32>} : memref<1x8x128x8x128xf32, #tpu.memory_space<vmem>>, vector<1x8x1x8x128xf32>,
    %slice3A_1695 = vector.extract_strided_slice %dot_general3A_1684 {offsets = [64, 0], sizes = [64, 128], strides = [1, 1]} : vector<128x128xf32> to vector<64x128xf32>
    %reshape3A_1696 = vector.shape_cast %slice3A_1695 : vector<64x128xf32> to vector<8x8x128xf32>
    %swap3A_1697 = arith.constant 0 : index
    %swap3A_1698 = arith.constant 0 : index
    %swap3A_1699 = arith.constant 121 : index
    %swap3A_1700 = arith.constant 0 : index
    %swap3A_1701 = arith.constant 0 : index
    %swap3A_1702 = vector.load %arg3[%swap3A_1697, %swap3A_1698, %swap3A_1699, %swap3A_1700, %swap3A_1701] : memref<1x8x128x8x128xf32, #tpu.memory_space<vmem>>, vector<1x8x1x8x128xf32>
    %swap3A_1703 = vector.shape_cast %swap3A_1702 : vector<1x8x1x8x128xf32> to vector<8x8x128xf32>
    %swap3A_1704 = vector.shape_cast %reshape3A_1696 : vector<8x8x128xf32> to vector<1x8x1x8x128xf32>
    tpu.vector_store %arg3[%swap3A_1697, %swap3A_1698, %swap3A_1699, %swap3A_1700, %swap3A_1701], %swap3A_1704 {strides = array<i32>} : memref<1x8x128x8x128xf32, #tpu.memory_space<vmem>>, vector<1x8x1x8x128xf32>,
    %get3A_1705 = arith.constant 0 : index
    %get3A_1706 = arith.constant 61 : index
    %get3A_1707 = arith.constant 0 : index
    %get3A_1708 = arith.constant 0 : index
    %get3A_1709 = vector.load %arg2[%get3A_1705, %get3A_1706, %get3A_1707, %get3A_1708] : memref<1x64x128x128xf32, #tpu.memory_space<vmem>>, vector<1x1x128x128xf32>
    %get3A_1710 = vector.shape_cast %get3A_1709 : vector<1x1x128x128xf32> to vector<128x128xf32>
    %dot_general3A_1711 = arith.constant dense<0.000000e+00> : vector<128x128xf32>
    %dot_general3A_1712 = tpu.matmul %get3A_1710, %convert_element_type3A_1, %dot_general3A_1711 {dimension_numbers = #tpu.dot_dimension_numbers<[0], [0], [1], [1], [0, 1, 1, 1], [], []>, transpose_lhs_hint = false} : vector<128x128xf32>, vector<128x128xf32>, vector<128x128xf32> -> vector<128x128xf32>
    %slice3A_1713 = vector.extract_strided_slice %dot_general3A_1712 {offsets = [0, 0], sizes = [64, 128], strides = [1, 1]} : vector<128x128xf32> to vector<64x128xf32>
    %reshape3A_1714 = vector.shape_cast %slice3A_1713 : vector<64x128xf32> to vector<8x8x128xf32>
    %swap3A_1715 = arith.constant 0 : index
    %swap3A_1716 = arith.constant 0 : index
    %swap3A_1717 = arith.constant 122 : index
    %swap3A_1718 = arith.constant 0 : index
    %swap3A_1719 = arith.constant 0 : index
    %swap3A_1720 = vector.load %arg3[%swap3A_1715, %swap3A_1716, %swap3A_1717, %swap3A_1718, %swap3A_1719] : memref<1x8x128x8x128xf32, #tpu.memory_space<vmem>>, vector<1x8x1x8x128xf32>
    %swap3A_1721 = vector.shape_cast %swap3A_1720 : vector<1x8x1x8x128xf32> to vector<8x8x128xf32>
    %swap3A_1722 = vector.shape_cast %reshape3A_1714 : vector<8x8x128xf32> to vector<1x8x1x8x128xf32>
    tpu.vector_store %arg3[%swap3A_1715, %swap3A_1716, %swap3A_1717, %swap3A_1718, %swap3A_1719], %swap3A_1722 {strides = array<i32>} : memref<1x8x128x8x128xf32, #tpu.memory_space<vmem>>, vector<1x8x1x8x128xf32>,
    %slice3A_1723 = vector.extract_strided_slice %dot_general3A_1712 {offsets = [64, 0], sizes = [64, 128], strides = [1, 1]} : vector<128x128xf32> to vector<64x128xf32>
    %reshape3A_1724 = vector.shape_cast %slice3A_1723 : vector<64x128xf32> to vector<8x8x128xf32>
    %swap3A_1725 = arith.constant 0 : index
    %swap3A_1726 = arith.constant 0 : index
    %swap3A_1727 = arith.constant 123 : index
    %swap3A_1728 = arith.constant 0 : index
    %swap3A_1729 = arith.constant 0 : index
    %swap3A_1730 = vector.load %arg3[%swap3A_1725, %swap3A_1726, %swap3A_1727, %swap3A_1728, %swap3A_1729] : memref<1x8x128x8x128xf32, #tpu.memory_space<vmem>>, vector<1x8x1x8x128xf32>
    %swap3A_1731 = vector.shape_cast %swap3A_1730 : vector<1x8x1x8x128xf32> to vector<8x8x128xf32>
    %swap3A_1732 = vector.shape_cast %reshape3A_1724 : vector<8x8x128xf32> to vector<1x8x1x8x128xf32>
    tpu.vector_store %arg3[%swap3A_1725, %swap3A_1726, %swap3A_1727, %swap3A_1728, %swap3A_1729], %swap3A_1732 {strides = array<i32>} : memref<1x8x128x8x128xf32, #tpu.memory_space<vmem>>, vector<1x8x1x8x128xf32>,
    %get3A_1733 = arith.constant 0 : index
    %get3A_1734 = arith.constant 62 : index
    %get3A_1735 = arith.constant 0 : index
    %get3A_1736 = arith.constant 0 : index
    %get3A_1737 = vector.load %arg2[%get3A_1733, %get3A_1734, %get3A_1735, %get3A_1736] : memref<1x64x128x128xf32, #tpu.memory_space<vmem>>, vector<1x1x128x128xf32>
    %get3A_1738 = vector.shape_cast %get3A_1737 : vector<1x1x128x128xf32> to vector<128x128xf32>
    %dot_general3A_1739 = arith.constant dense<0.000000e+00> : vector<128x128xf32>
    %dot_general3A_1740 = tpu.matmul %get3A_1738, %convert_element_type3A_1, %dot_general3A_1739 {dimension_numbers = #tpu.dot_dimension_numbers<[0], [0], [1], [1], [0, 1, 1, 1], [], []>, transpose_lhs_hint = false} : vector<128x128xf32>, vector<128x128xf32>, vector<128x128xf32> -> vector<128x128xf32>
    %slice3A_1741 = vector.extract_strided_slice %dot_general3A_1740 {offsets = [0, 0], sizes = [64, 128], strides = [1, 1]} : vector<128x128xf32> to vector<64x128xf32>
    %reshape3A_1742 = vector.shape_cast %slice3A_1741 : vector<64x128xf32> to vector<8x8x128xf32>
    %swap3A_1743 = arith.constant 0 : index
    %swap3A_1744 = arith.constant 0 : index
    %swap3A_1745 = arith.constant 124 : index
    %swap3A_1746 = arith.constant 0 : index
    %swap3A_1747 = arith.constant 0 : index
    %swap3A_1748 = vector.load %arg3[%swap3A_1743, %swap3A_1744, %swap3A_1745, %swap3A_1746, %swap3A_1747] : memref<1x8x128x8x128xf32, #tpu.memory_space<vmem>>, vector<1x8x1x8x128xf32>
    %swap3A_1749 = vector.shape_cast %swap3A_1748 : vector<1x8x1x8x128xf32> to vector<8x8x128xf32>
    %swap3A_1750 = vector.shape_cast %reshape3A_1742 : vector<8x8x128xf32> to vector<1x8x1x8x128xf32>
    tpu.vector_store %arg3[%swap3A_1743, %swap3A_1744, %swap3A_1745, %swap3A_1746, %swap3A_1747], %swap3A_1750 {strides = array<i32>} : memref<1x8x128x8x128xf32, #tpu.memory_space<vmem>>, vector<1x8x1x8x128xf32>,
    %slice3A_1751 = vector.extract_strided_slice %dot_general3A_1740 {offsets = [64, 0], sizes = [64, 128], strides = [1, 1]} : vector<128x128xf32> to vector<64x128xf32>
    %reshape3A_1752 = vector.shape_cast %slice3A_1751 : vector<64x128xf32> to vector<8x8x128xf32>
    %swap3A_1753 = arith.constant 0 : index
    %swap3A_1754 = arith.constant 0 : index
    %swap3A_1755 = arith.constant 125 : index
    %swap3A_1756 = arith.constant 0 : index
    %swap3A_1757 = arith.constant 0 : index
    %swap3A_1758 = vector.load %arg3[%swap3A_1753, %swap3A_1754, %swap3A_1755, %swap3A_1756, %swap3A_1757] : memref<1x8x128x8x128xf32, #tpu.memory_space<vmem>>, vector<1x8x1x8x128xf32>
    %swap3A_1759 = vector.shape_cast %swap3A_1758 : vector<1x8x1x8x128xf32> to vector<8x8x128xf32>
    %swap3A_1760 = vector.shape_cast %reshape3A_1752 : vector<8x8x128xf32> to vector<1x8x1x8x128xf32>
    tpu.vector_store %arg3[%swap3A_1753, %swap3A_1754, %swap3A_1755, %swap3A_1756, %swap3A_1757], %swap3A_1760 {strides = array<i32>} : memref<1x8x128x8x128xf32, #tpu.memory_space<vmem>>, vector<1x8x1x8x128xf32>,
    %get3A_1761 = arith.constant 0 : index
    %get3A_1762 = arith.constant 63 : index
    %get3A_1763 = arith.constant 0 : index
    %get3A_1764 = arith.constant 0 : index
    %get3A_1765 = vector.load %arg2[%get3A_1761, %get3A_1762, %get3A_1763, %get3A_1764] : memref<1x64x128x128xf32, #tpu.memory_space<vmem>>, vector<1x1x128x128xf32>
    %get3A_1766 = vector.shape_cast %get3A_1765 : vector<1x1x128x128xf32> to vector<128x128xf32>
    %dot_general3A_1767 = arith.constant dense<0.000000e+00> : vector<128x128xf32>
    %dot_general3A_1768 = tpu.matmul %get3A_1766, %convert_element_type3A_1, %dot_general3A_1767 {dimension_numbers = #tpu.dot_dimension_numbers<[0], [0], [1], [1], [0, 1, 1, 1], [], []>, transpose_lhs_hint = false} : vector<128x128xf32>, vector<128x128xf32>, vector<128x128xf32> -> vector<128x128xf32>
    %slice3A_1769 = vector.extract_strided_slice %dot_general3A_1768 {offsets = [0, 0], sizes = [64, 128], strides = [1, 1]} : vector<128x128xf32> to vector<64x128xf32>
    %reshape3A_1770 = vector.shape_cast %slice3A_1769 : vector<64x128xf32> to vector<8x8x128xf32>
    %swap3A_1771 = arith.constant 0 : index
    %swap3A_1772 = arith.constant 0 : index
    %swap3A_1773 = arith.constant 126 : index
    %swap3A_1774 = arith.constant 0 : index
    %swap3A_1775 = arith.constant 0 : index
    %swap3A_1776 = vector.load %arg3[%swap3A_1771, %swap3A_1772, %swap3A_1773, %swap3A_1774, %swap3A_1775] : memref<1x8x128x8x128xf32, #tpu.memory_space<vmem>>, vector<1x8x1x8x128xf32>
    %swap3A_1777 = vector.shape_cast %swap3A_1776 : vector<1x8x1x8x128xf32> to vector<8x8x128xf32>
    %swap3A_1778 = vector.shape_cast %reshape3A_1770 : vector<8x8x128xf32> to vector<1x8x1x8x128xf32>
    tpu.vector_store %arg3[%swap3A_1771, %swap3A_1772, %swap3A_1773, %swap3A_1774, %swap3A_1775], %swap3A_1778 {strides = array<i32>} : memref<1x8x128x8x128xf32, #tpu.memory_space<vmem>>, vector<1x8x1x8x128xf32>,
    %slice3A_1779 = vector.extract_strided_slice %dot_general3A_1768 {offsets = [64, 0], sizes = [64, 128], strides = [1, 1]} : vector<128x128xf32> to vector<64x128xf32>
    %reshape3A_1780 = vector.shape_cast %slice3A_1779 : vector<64x128xf32> to vector<8x8x128xf32>
    %swap3A_1781 = arith.constant 0 : index
    %swap3A_1782 = arith.constant 0 : index
    %swap3A_1783 = arith.constant 127 : index
    %swap3A_1784 = arith.constant 0 : index
    %swap3A_1785 = arith.constant 0 : index
    %swap3A_1786 = vector.load %arg3[%swap3A_1781, %swap3A_1782, %swap3A_1783, %swap3A_1784, %swap3A_1785] : memref<1x8x128x8x128xf32, #tpu.memory_space<vmem>>, vector<1x8x1x8x128xf32>
    %swap3A_1787 = vector.shape_cast %swap3A_1786 : vector<1x8x1x8x128xf32> to vector<8x8x128xf32>
    %swap3A_1788 = vector.shape_cast %reshape3A_1780 : vector<8x8x128xf32> to vector<1x8x1x8x128xf32>
    tpu.vector_store %arg3[%swap3A_1781, %swap3A_1782, %swap3A_1783, %swap3A_1784, %swap3A_1785], %swap3A_1788 {strides = array<i32>} : memref<1x8x128x8x128xf32, #tpu.memory_space<vmem>>, vector<1x8x1x8x128xf32>,
    return
  }
  func.func @transform_0(%arg0: i32, %arg1: i32) -> (i32, i32, i32, i32) {
    %c0_i32 = arith.constant 0 : i32
    %c0_i32_0 = arith.constant 0 : i32
    %c0_i32_1 = arith.constant 0 : i32
    return %arg0, %arg1, %c0_i32, %c0_i32_0 : i32, i32, i32, i32
  }
  func.func @transform_1(%arg0: i32, %arg1: i32) -> (i32, i32, i32, i32, i32) {
    %c0_i32 = arith.constant 0 : i32
    %c0_i32_0 = arith.constant 0 : i32
    %c0_i32_1 = arith.constant 0 : i32
    %c0_i32_2 = arith.constant 0 : i32
    return %arg0, %c0_i32, %arg1, %c0_i32_0, %c0_i32_1 : i32, i32, i32, i32, i32
  }
}

</mosaic_0001>

<sc_bundles>
// kernel: kernel.4.cloned.1.call-start
scs
__scs_entry_jumppad:
0x0: {  	(pc) =	sbr.rel $0x88, $3  }
0x1: {  	(tag) =	ssettag $0x0;
	lr =	simm.s32 $0x1  }
0x2: {  	[smem:$0x3F9F] =	sst lr;
	_ =	strace $0xD0000000  }
0x3: {  	_ = 	snop  }
0x4: {  	_ = 	snop  }
0x5: {  	_ = 	snop  }
0x6: {  	_ = 	snop  }
0x7: {  	_ = 	snop  }
__scs_overlays_trampoline_lowered:
0x8: {  	[smem:$0x3FAE] =	sst s0  }
0x9: {  	[smem:$0x3FAF] =	sst s1  }
0xa: {  	[smem:$0x3FB0] =	sst s2  }
0xb: {  	[smem:$0x3FB1] =	sst s3  }
0xc: {  	[smem:$0x3FB2] =	sst s4  }
0xd: {  	[smem:$0x3FB3] =	sst s5  }
0xe: {  	[smem:$0x3FB4] =	sst s6  }
0xf: {  	[smem:$0x3FB5] =	sst s7  }
0x10: {  	[smem:$0x3FB6] =	sst s8  }
0x11: {  	[smem:$0x3FB7] =	sst s9;
	s0 =	simm.s32 @!p0 $0x0  }
0x12: {  	s1 =	sld [smem:$0x3F9D];
	s0 =	simm.s32 @p0 $0x1  }
0x13: {  	[smem:$0x3FB8] =	sst s0;
	s0 =	simm.s32 @!p1 $0x0  }
0x14: {  	s2 =	sld [smem:$0x3F9C];
	s0 =	simm.s32 @p1 $0x1  }
0x15: {  	[smem:$0x3FB9] =	sst s0;
	s0 =	simm.s32 @!p2 $0x0  }
0x16: {  	s3 =	sld [smem:$0x3FDB];
	s0 =	simm.s32 @p2 $0x1  }
0x17: {  	s4 =	simm.s32 $0x1BF5;
	[smem:$0x3FBB] =	sst s0  }
0x18: {  	s0 =	sld [smem:$0x3F9E];
	_ =	swait.ge [sflag:s4], $0x0  }
0x19: {  	s7 =	sld [smem:$0x3F9F]  }
0x1a: {  	s8 =	sadd.s32 $0xFFFFE003, lr  }
0x1b: {  	s9 =	sadd.s32 $0xFFFFFEF7, lr;
	s5 =	simm.s32 $0xFFFFFFFF;
	p2 =	slt.u32 s8, $0xFFFFF086  }
0x1c: {  	p1 =	slt.u32 s9, $0xF7A;
	s5 =	simm.s32 @!p2 $0x0  }
0x1d: {  	s5 =	simm.s32 @p1 $0x1;
	p0 =	seq.s32 s7, s2  }
0x1e: {  	s7 =	smul.u32 @!p0 $0xF7A, s2;
	p2 =	seq.s32 @!p0 s5, $0x0  }
0x1f: {  	s9 =	smul.u32 $0xF7A, s1;
	s8 =	simm.s32 @!p0 $0x1BF5;
	p2 =	por !p2, p0  }
0x20: {  	[sflag:s8] =	ssyncset.s32 @!p0 $0xFFFFF086;
	s6 =	sadd.s32 @!p0 s3, s7;
	s7 =	simm.s32 @!p0 $0x108  }
0x21: {  	s3 =	sadd.s32 s3, s9;
	s6 =	sadd.s32 @!p0 $0x88, s6;
	s7 =	simm.s32 @p2 $0x1082  }
0x22: {  	[simem:s7], [sflag:s8] =	dma.local @!p0 [hbm:s6], $0xF7A  }
0x23: {  	s9 =	sor.u32 $0xD0000000, s2;
	s6 =	simm.s32 $0x108;
	_ =	swait.ge @!p0 [sflag:s8], $0x0  }
0x24: {  	s3 =	sadd.s32 $0x88, s3;
	s6 =	simm.s32 @!p1 $0x1082;
	[sflag:s4] =	ssyncset.s32 $0xFFFFF086  }
0x25: {  	[simem:s6], [sflag:s4] =	dma.local [hbm:s3], $0xF7A  }
0x26: {  	[smem:$0x3F9F] =	sst s1;
	(tag) =	ssettag s2;
	_ =	strace s9  }
0x27: {  	s1 =	sld [smem:$0x3FAF]  }
0x28: {  	s2 =	sld [smem:$0x3FB0]  }
0x29: {  	s4 =	sld [smem:$0x3FB2]  }
0x2a: {  	p0 =	seq.s32 s5, $0x0;
	s5 =	sld [smem:$0x3FB3]  }
0x2b: {  	s6 =	sld [smem:$0x3FB4]  }
0x2c: {  	s7 =	sld [smem:$0x3FB5]  }
0x2d: {  	s3 =	simm.s32 $0x108;
	s8 =	sld [smem:$0x3FB6]  }
0x2e: {  	s3 =	simm.s32 @!p0 $0x1082;
	s9 =	sld [smem:$0x3FB7]  }
0x2f: {  	lr =	sadd.s32 s0, s3;
	s0 =	sld [smem:$0x3FAE]  }
0x30: {  	s3 =	sld [smem:$0x3FB1]  }
0x31: {  	[smem:$0x3FBA] =	sst s10  }
0x32: {  	s10 =	sld [smem:$0x3FB8];
	_ =	sdelay $0x3  }
0x33: {  	p0 =	seq.s32 s10, $0x1;
	s10 =	sld [smem:$0x3FBA];
	_ =	sdelay $0x3  }
0x34: {  	[smem:$0x3FBA] =	sst s10  }
0x35: {  	s10 =	sld [smem:$0x3FB9];
	_ =	sdelay $0x3  }
0x36: {  	p1 =	seq.s32 s10, $0x1;
	s10 =	sld [smem:$0x3FBA];
	_ =	sdelay $0x3  }
0x37: {  	[smem:$0x3FBA] =	sst s10  }
0x38: {  	s10 =	sld [smem:$0x3FBB]  }
0x39: {  	_ = 	snop;
	(pc) =	sbr.ind lr, $3  }
0x3a: {  	_ = 	snop  }
0x3b: {  	_ = 	snop  }
0x3c: {  	p2 =	seq.s32 s10, $0x1;
	s10 =	sld [smem:$0x3FBA]  }
0x3d: {  	_ =	shalt  }
0x3e: {  	_ =	shalt  }
0x3f: {  	_ =	shalt  }
0x40: {  	_ =	shalt  }
0x41: {  	_ =	shalt  }
0x42: {  	_ =	shalt  }
0x43: {  	_ =	shalt  }
0x44: {  	_ =	shalt  }
0x45: {  	_ =	shalt  }
0x46: {  	_ =	shalt  }
0x47: {  	_ =	shalt  }
0x48: {  	_ =	shalt  }
0x49: {  	_ =	shalt  }
0x4a: {  	_ =	shalt  }
0x4b: {  	_ =	shalt  }
0x4c: {  	_ =	shalt  }
0x4d: {  	_ =	shalt  }
0x4e: {  	_ =	shalt  }
0x4f: {  	_ =	shalt  }
0x50: {  	_ =	shalt  }
0x51: {  	_ =	shalt  }
0x52: {  	_ =	shalt  }
0x53: {  	_ =	shalt  }
0x54: {  	_ =	shalt  }
0x55: {  	_ =	shalt  }
0x56: {  	_ =	shalt  }
0x57: {  	_ =	shalt  }
0x58: {  	_ =	shalt  }
0x59: {  	_ =	shalt  }
0x5a: {  	_ =	shalt  }
0x5b: {  	_ =	shalt  }
0x5c: {  	_ =	shalt  }
0x5d: {  	_ =	shalt  }
0x5e: {  	_ =	shalt  }
0x5f: {  	_ =	shalt  }
0x60: {  	_ =	shalt  }
0x61: {  	_ =	shalt  }
0x62: {  	_ =	shalt  }
0x63: {  	_ =	shalt  }
0x64: {  	_ =	shalt  }
0x65: {  	_ =	shalt  }
0x66: {  	_ =	shalt  }
0x67: {  	_ =	shalt  }
0x68: {  	_ =	shalt  }
0x69: {  	_ =	shalt  }
0x6a: {  	_ =	shalt  }
0x6b: {  	_ =	shalt  }
0x6c: {  	_ =	shalt  }
0x6d: {  	_ =	shalt  }
0x6e: {  	_ =	shalt  }
0x6f: {  	_ =	shalt  }
0x70: {  	_ =	shalt  }
0x71: {  	_ =	shalt  }
0x72: {  	_ =	shalt  }
0x73: {  	_ =	shalt  }
0x74: {  	_ =	shalt  }
0x75: {  	_ =	shalt  }
0x76: {  	_ =	shalt  }
0x77: {  	_ =	shalt  }
0x78: {  	_ =	shalt  }
0x79: {  	_ =	shalt  }
0x7a: {  	_ =	shalt  }
0x7b: {  	_ =	shalt  }
0x7c: {  	_ =	shalt  }
0x7d: {  	_ =	shalt  }
0x7e: {  	_ =	shalt  }
0x7f: {  	_ =	shalt  }
0x80: {  	_ =	shalt  }
0x81: {  	_ =	shalt  }
0x82: {  	_ =	shalt  }
0x83: {  	_ =	shalt  }
0x84: {  	_ =	shalt  }
0x85: {  	_ =	shalt  }
0x86: {  	_ =	shalt  }
0x87: {  	_ =	shalt  }
.Lfunc_end0:
.L_simem_size_0:
called_computation_lowered:
.L_overlay_start_0:
0x88: {  	s2 =	sld [smem:$0x3FD9]  }
0x89: {  	s3 =	sld [smem:$0x3FFE];
	_ =	sdelay $0x1  }
0x8a: {  	s1 =	srdreg.scid  }
0x8b: {  	s0 =	sand.u32 $0x1, s1  }
0x8c: {  	s17 =	sshll.u32 s0, $0xA;
	s2 =	sadd.s32 s3, s2  }
0x8d: {  	s2 =	sadd.s32 s2, s17  }
0x8e: {  	[smem:$0x3FC6] =	sst s2  }
0x8f: {  	_ = 	snop  }
0x90: {  	s2 =	sld [smem:$0x3FD0];
	(tm) =	ssettm $0x1  }
0x91: {  	s18 =	sld [smem:$0x3FFB];
	_ =	sdelay $0x3  }
0x92: {  	_ =	strace s18  }
0x93: {  	s3 =	sld [smem:$0x3FFC];
	_ =	sdelay $0x3  }
0x94: {  	_ =	strace s3  }
0x95: {  	s3 =	sld [smem:$0x3FFD];
	_ =	sdelay $0x3  }
0x96: {  	_ =	strace s3  }
0x97: {  	_ =	strace $0x8FFFFFFF  }
0x98: {  	s19 =	sld [smem:$0x3FDB];
	_ =	sdelay $0x1  }
0x99: {  	s4 =	simm.s32 $_scs_section_size  }
0x9a: {  	s5 =	simm.s32 $_size__tile_overlayer_lowered;
	s6 =	simm.s32 $_tile_overlayer_lowered  }
0x9b: {  	s22 =	simm.s32 $0x1BFF;
	s21 =	sshll.u32 s6, $0x1;
	s3 =	sadd.s32 s4, s19  }
0x9c: {  	s7 =	simm.s32 $0x0;
	s20 =	sshll.u32 s5, $0x1;
	s5 =	sadd.s32 s21, s3  }
0x9d: {  	[timem:s7], [sflag:s22] =	dma.local [hbm:s5], s20  }
0x9e: {  	_ =	swait.ge [sflag:s22], s20  }
0x9f: {  	s4 =	ssub.s32 $0x0, s20;
	[sflag:s22] =	ssyncset.done $0x0  }
0xa0: {  	[sflag:s22] =	ssyncadd.s32 s4;
	_ =	sdelay $0x1  }
0xa1: {  	s23 =	simm.s32 $0x1B8B  }
0xa2: {  	_ =	swait.ge [sflag:s23], $0x1  }
0xa3: {  	[sflag:s23] =	ssyncset.done $0x0  }
0xa4: {  	s25 =	simm.s32 $0x1B8E;
	s24 =	sld [smem:$0x3FFE];
	[sflag:s23] =	ssyncadd.s32 $0xFFFFFFFF  }
0xa5: {  	s26 =	simm.s32 $execute0_lowered;
	[smem:$0x3FD2] =	sst s25  }
0xa6: {  	s5 =	sshll.u32 s26, $0x1;
	_ =	strace $0x80000046;
	[dreg:$0x1] =	wrdreg $0xFFFFFFFF  }
0xa7: {  	s28 =	simm.s32 $_size_execute0_lowered;
	s3 =	sadd.s32 s3, s5;
	[dreg:$0x0] =	wrdreg $0x0  }
0xa8: {  	s5 =	sshll.u32 s28, $0x1;
	[dreg:$0x2] =	wrdreg s3  }
0xa9: {  	[dreg:$0x3] =	wrdreg s5  }
0xaa: {  	[dreg:$0x4] =	wrdreg $0xC0  }
0xab: {  	_ =	task [dreg:s7], $0x5FFFF  }
0xac: {  	[dreg:$0x1] =	wrdreg $0xFFFFFFFF  }
0xad: {  	[dreg:$0x0] =	wrdreg $0x60  }
0xae: {  	[dreg:$0x2] =	wrdreg s2  }
0xaf: {  	[dreg:$0x3] =	wrdreg s24  }
0xb0: {  	[dreg:$0x4] =	wrdreg $0x9  }
0xb1: {  	_ =	task.clear_ibuf [dreg:s7], $0x5FFFF;
	_ =	strace $0x90000046  }
0xb2: {  	s29 =	simm.s32 $0x9;
	_ =	strace $0x80000048  }
0xb3: {  	_ =	swait.ge [sflag:s29], $0x1  }
0xb4: {  	[sflag:s29] =	ssyncadd.s32 $0xFFFFFFFF  }
0xb5: {  	_ =	strace $0x90000048  }
0xb6: {  	_ =	sfence  }
0xb7: {  	s30 =	sld [smem:$0x0];
	_ =	sdelay $0x2  }
0xb8: {  	s31 =	sshll.u32 s1, $0xD;
	s1 =	sshrl.u32 s1, $0x2  }
0xb9: {  	s3 =	sand.u32 $0x4000, s31;
	s1 =	sadd.s32 s1, s30  }
0xba: {  	s0 =	sor.u32 s3, s0;
	s1 =	sshll.u32 s1, $0x11  }
0xbb: {  	s0 =	sor.u32 s1, s0  }
0xbc: {  	s0 =	sadd.s32 $0x8F2B, s0  }
0xbd: {  	[sflag:s0] =	ssyncadd.remote.s32 $0x1  }
0xbe: {  	_ =	sfence.sel $0xFFFF  }
0xbf: {  	[dreg:$0x0] =	wrdreg $0xFFFFFFFF;
	(pc) =	sbr.abs _section_cstart, $3  }
0xc0: {  	[dreg:$0x1] =	wrdreg $0xFFFFFFFF  }
0xc1: {  	_ =	task.clear_ibuf [dreg:s7], $0x2FFFF;
	_ =	strace $0x9FFFFFFF  }
0xc2: {  	(tm) =	ssettm $0x7FFFFFFF  }
0xc3: {  	_ =	shalt  }
tec
execute0_lowered:
.L_overlay_start_1:
0x0: {  	(tag) =	ssettag $0x1  }
0x1: {  	s0 =	rddreg [dreg:$0x0]  }
0x2: {  	s1 =	rddreg [dreg:$0x1];
	s2 =	simm.s32 $0x0;
	s3 =	srdreg.scid  }
0x3: {  	s10 =	stileid.u32;
	[smem:$0x7FF] =	sst s2  }
0x4: {  	s7 =	sand.u32 $0x1, s3;
	s4 =	sshll.u32 s10, $0x1;
	s3 =	sadd.s32 $0xF42A00, s1  }
0x5: {  	s17 =	sshll.u32 s10, $0x10;
	s10 =	simm.s32 $0x3900;
	s5 =	ssub.s32 $0x2, s7  }
0x6: {  	_ =	strace $0x80000047;
	s6 =	sor.u32 s7, s4;
	s8 =	sshrl.u32 s5, $0x1  }
0x7: {  	s4 =	sadd.s32 $0x600, s1;
	s9 =	sshll.u32 s6, $0x6;
	s8 =	ssub.s32 s5, s8  }
0x8: {  	s5 =	sadd.s32 s0, s9;
	s0 =	sshll.u32 s6, $0xC;
	s19 =	smax.u32 s8, $0x1  }
0x9: {  	s6 =	sadd.s32 $0x608, s1;
	s21 =	sadd.s32 s4, s0;
	[dreg:$0x3] =	wrdreg s19  }
0xa: {  	s20 =	sor.u32 $0x20000, s0;
	s23 =	sadd.s32 s0, s6;
	[dreg:$0x4] =	wrdreg s21  }
0xb: {  	s7 =	sshll.u32 s7, $0xF;
	s22 =	sadd.s32 s4, s20;
	[dreg:$0x6] =	wrdreg s23  }
0xc: {  	s24 =	sor.u32 $0x800, s0;
	s1 =	sadd.s32 s20, s6;
	[dreg:$0x5] =	wrdreg s22  }
0xd: {  	s25 =	sor.u32 $0x20800, s0;
	s26 =	sadd.s32 s4, s24;
	[dreg:$0x7] =	wrdreg s1  }
0xe: {  	s9 =	simm.s32 $0x1;
	s29 =	sadd.s32 s4, s25;
	[dreg:$0x8] =	wrdreg s26  }
0xf: {  	s12 =	sor.u32 $0x600000, s0;
	s11 =	sadd.s32 s25, s6;
	[dreg:$0x9] =	wrdreg s29  }
0x10: {  	s13 =	sor.u32 $0x620000, s0;
	s14 =	sadd.s32 s4, s12;
	[dreg:$0xb] =	wrdreg s11  }
0x11: {  	s18 =	sor.u32 $0x600800, s0;
	s15 =	sadd.s32 s4, s13;
	[dreg:$0xc] =	wrdreg s14  }
0x12: {  	s0 =	sor.u32 $0x620800, s0;
	s16 =	sadd.s32 s13, s6;
	[dreg:$0xd] =	wrdreg s15  }
0x13: {  	s30 =	sadd.s32 $0x20, s5;
	s19 =	sadd.s32 s4, s18;
	[dreg:$0xf] =	wrdreg s16  }
0x14: {  	s31 =	sadd.s32 $0x30, s5;
	s20 =	sadd.s32 s4, s0;
	[dreg:$0x10] =	wrdreg s19  }
0x15: {  	s8 =	sadd.s32 s18, s6;
	s0 =	sadd.s32 s0, s6;
	[dreg:$0x11] =	wrdreg s20  }
0x16: {  	s13 =	simm.s32 $0x3;
	s1 =	sadd.s32 s24, s6;
	[dreg:$0x12] =	wrdreg s8  }
0x17: {  	[dreg:$0x13] =	wrdreg s0;
	s29 =	sadd.s32 $0x10, s5;
	s0 =	simm.s32 $0x80  }
0x18: {  	s8 =	simm.s32 $0x1900;
	s11 =	simm.s32 $0x40;
	s14 =	simm.s32 $0x100  }
0x19: {  	s15 =	simm.s32 $0x4;
	s16 =	simm.s32 $0x1880;
	[dreg:$0xa] =	wrdreg s1  }
0x1a: {  	s1 =	sadd.s32 s12, s6;
	[dreg:$0x14] =	wrdreg s29;
	s12 =	simm.s32 $0x2  }
0x1b: {  	[dreg:$0xe] =	wrdreg s1;
	s1 =	sor.u32 s7, s17;
	s7 =	simm.s32 $0x5  }
0x1c: {  	s17 =	simm.s32 $0x0;
	s21 =	sor.u32 $0x300000, s1;
	s24 =	sor.u32 $0x200000, s1  }
0x1d: {  	s23 =	sor.u32 $0x204000, s1;
	s1 =	sor.u32 $0x304000, s1;
	s22 =	sshrl.u32 s21, $0x3  }
0x1e: {  	s26 =	sshrl.u32 s23, $0x3;
	s1 =	sshrl.u32 s1, $0x3;
	s25 =	sadd.s32 s22, s4  }
0x1f: {  	s26 =	sadd.s32 s26, s4;
	s28 =	sadd.s32 s1, s4;
	s1 =	simm.s32 $0x4000  }
.LBB2_1:
0x20: {  	[tilespmem:s2], [sflag:$0x5] =	stream.strided.gather [hbm4b:s5+s0], $0x1900, s1, s0, $0x38;
	[tilespmem:$0x5900] =	vst v63  }
0x21: {  	_ =	swait.ge [sflag:s7], $0x1900  }
0x22: {  	[sflag:s7] =	ssyncset.done $0x0  }
0x23: {  	[sflag:s7] =	ssyncadd.s32 $0xFFFFE700  }
0x24: {  	[tilespmem:s8], [sflag:$0x1] =	stream.indirect.gather [hbm4b:s3+s0], $0x40, s2, s0, $0xb8;
	[tilespmem:$0x5900] =	vst v63  }
0x25: {  	_ =	swait.ge [sflag:s9], $0x2000  }
0x26: {  	[sflag:s9] =	ssyncset.done $0x0  }
0x27: {  	[sflag:s9] =	ssyncadd.s32 $0xFFFFE000  }
0x28: {  	[tilespmem:s10], [sflag:$0x2] =	stream.indirect.gather [hbm4b:s3+s0], $0x40, s0, s0, $0xb8;
	[tilespmem:$0x5900] =	vst v63  }
0x29: {  	s18 =	rddreg [dreg:$0x4]  }
0x2a: {  	[hbm4b:s18+s11] =	stream.strided.scatter [tilespmem:s8], [sflag:$0x3], $0x2000, s0, s11, $0x38;
	[tilespmem:$0x5900] =	vst v63  }
0x2b: {  	_ =	swait.ge [sflag:s12], $0x2000  }
0x2c: {  	[sflag:s12] =	ssyncset.done $0x0  }
0x2d: {  	[sflag:s12] =	ssyncadd.s32 $0xFFFFE000  }
0x2e: {  	_ =	swait.ge [sflag:s13], $0x2000  }
0x2f: {  	[sflag:s13] =	ssyncset.done $0x0  }
0x30: {  	[sflag:s13] =	ssyncadd.s32 $0xFFFFE000  }
0x31: {  	[tilespmem:s8], [sflag:$0x1] =	stream.indirect.gather [hbm4b:s3+s0], $0x40, s14, s0, $0xb8;
	[tilespmem:$0x5900] =	vst v63  }
0x32: {  	s22 =	rddreg [dreg:$0x5]  }
0x33: {  	[hbm4b:s22+s11] =	stream.strided.scatter [tilespmem:s10], [sflag:$0x4], $0x2000, s0, s11, $0x38;
	[tilespmem:$0x5900] =	vst v63  }
0x34: {  	_ =	swait.ge [sflag:s9], $0x2000  }
0x35: {  	[sflag:s9] =	ssyncset.done $0x0  }
0x36: {  	[sflag:s9] =	ssyncadd.s32 $0xFFFFE000  }
0x37: {  	_ =	swait.ge [sflag:s15], $0x2000  }
0x38: {  	[sflag:s15] =	ssyncset.done $0x0  }
0x39: {  	s19 =	simm.s32 $0x180;
	s18 =	sshrl.u32 s24, $0x3;
	[sflag:s15] =	ssyncadd.s32 $0xFFFFE000  }
0x3a: {  	[tilespmem:s10], [sflag:$0x2] =	stream.indirect.gather [hbm4b:s3+s0], $0x40, s19, s0, $0xb8;
	[tilespmem:$0x5900] =	vst v63  }
0x3b: {  	s23 =	sadd.s32 s4, s18  }
0x3c: {  	[hbm4b:s23+s11] =	stream.strided.scatter [tilespmem:s8], [sflag:$0x3], $0x2000, s0, s11, $0x38;
	[tilespmem:$0x5900] =	vst v63  }
0x3d: {  	_ =	swait.ge [sflag:s12], $0x2000  }
0x3e: {  	[sflag:s12] =	ssyncset.done $0x0  }
0x3f: {  	[sflag:s12] =	ssyncadd.s32 $0xFFFFE000  }
0x40: {  	s29 =	simm.s32 $0x200;
	_ =	swait.ge [sflag:s13], $0x2000  }
0x41: {  	s20 =	simm.s32 $0x300;
	s21 =	sadd.s32 $0x200000, s24;
	[sflag:s13] =	ssyncset.done $0x0  }
0x42: {  	s22 =	sadd.s32 $0x0, s25;
	s19 =	simm.s32 $0x40000;
	[sflag:s13] =	ssyncadd.s32 $0xFFFFE000  }
0x43: {  	[tilespmem:s8], [sflag:$0x1] =	stream.indirect.gather [hbm4b:s3+s0], $0x40, s29, s0, $0xb8;
	[tilespmem:$0x5900] =	vst v63  }
.LBB2_2:
0x44: {  	[hbm4b:s22+s11] =	stream.strided.scatter [tilespmem:s10], [sflag:$0x4], $0x2000, s0, s11, $0x38;
	[tilespmem:$0x5900] =	vst v63  }
0x45: {  	s22 =	smov.u32 s19  }
0x46: {  	p0 =	sne.s32 s19, $0x580000;
	s19 =	sadd.s32 $0x40000, s19;
	_ =	swait.ge [sflag:s9], $0x2000  }
0x47: {  	[sflag:s9] =	ssyncset.done $0x0  }
0x48: {  	[sflag:s9] =	ssyncadd.s32 $0xFFFFE000  }
0x49: {  	_ =	swait.ge [sflag:s15], $0x2000  }
0x4a: {  	[sflag:s15] =	ssyncset.done $0x0  }
0x4b: {  	s23 =	sadd.s32 $0xFFFFFF80, s20;
	s29 =	sshrl.u32 s21, $0x3;
	[sflag:s15] =	ssyncadd.s32 $0xFFFFE000  }
0x4c: {  	[tilespmem:s10], [sflag:$0x2] =	stream.indirect.gather [hbm4b:s3+s0], $0x40, s23, s0, $0xb8;
	[tilespmem:$0x5900] =	vst v63  }
0x4d: {  	s23 =	sadd.s32 s4, s29  }
0x4e: {  	[hbm4b:s23+s11] =	stream.strided.scatter [tilespmem:s8], [sflag:$0x3], $0x2000, s0, s11, $0x38;
	[tilespmem:$0x5900] =	vst v63  }
0x4f: {  	_ =	swait.ge [sflag:s12], $0x2000  }
0x50: {  	[sflag:s12] =	ssyncset.done $0x0  }
0x51: {  	[sflag:s12] =	ssyncadd.s32 $0xFFFFE000  }
.Ltmp0:
0x52: {  	_ =	swait.ge [sflag:s13], $0x2000;
	(pc) =	sbr.rel @p0 .LBB2_2-.Ltmp0, $4  }
0x53: {  	[sflag:s13] =	ssyncset.done $0x0  }
0x54: {  	[sflag:s13] =	ssyncadd.s32 $0xFFFFE000  }
0x55: {  	[tilespmem:s8], [sflag:$0x1] =	stream.indirect.gather [hbm4b:s3+s0], $0x40, s20, s0, $0xb8;
	[tilespmem:$0x5900] =	vst v63  }
0x56: {  	s21 =	sadd.s32 $0x200000, s21;
	s22 =	sadd.s32 s22, s25;
	s20 =	sadd.s32 $0x100, s20  }
0x57: {  	[hbm4b:s22+s11] =	stream.strided.scatter [tilespmem:s10], [sflag:$0x4], $0x2000, s0, s11, $0x38;
	[tilespmem:$0x5900] =	vst v63  }
0x58: {  	_ =	swait.ge [sflag:s9], $0x2000  }
0x59: {  	[sflag:s9] =	ssyncset.done $0x0  }
0x5a: {  	[sflag:s9] =	ssyncadd.s32 $0xFFFFE000  }
0x5b: {  	_ =	swait.ge [sflag:s15], $0x2000  }
0x5c: {  	[sflag:s15] =	ssyncset.done $0x0  }
0x5d: {  	[sflag:s15] =	ssyncadd.s32 $0xFFFFE000  }
0x5e: {  	[tilespmem:s10], [sflag:$0x2] =	stream.indirect.gather [hbm4b:s3+s0], $0x40, s16, s0, $0xb8;
	[tilespmem:$0x5900] =	vst v63  }
0x5f: {  	s19 =	rddreg [dreg:$0xc]  }
0x60: {  	[hbm4b:s19+s11] =	stream.strided.scatter [tilespmem:s8], [sflag:$0x3], $0x2000, s0, s11, $0x38;
	[tilespmem:$0x5900] =	vst v63  }
0x61: {  	_ =	swait.ge [sflag:s12], $0x2000  }
0x62: {  	[sflag:s12] =	ssyncset.done $0x0  }
0x63: {  	s29 =	rddreg [dreg:$0xd];
	[sflag:s12] =	ssyncadd.s32 $0xFFFFE000  }
0x64: {  	[hbm4b:s29+s11] =	stream.strided.scatter [tilespmem:s10], [sflag:$0x4], $0x2000, s0, s11, $0x38;
	[tilespmem:$0x5900] =	vst v63  }
0x65: {  	_ =	swait.ge [sflag:s13], $0x2000  }
0x66: {  	[sflag:s13] =	ssyncset.done $0x0  }
0x67: {  	[sflag:s13] =	ssyncadd.s32 $0xFFFFE000  }
0x68: {  	_ =	swait.ge [sflag:s15], $0x2000  }
0x69: {  	[sflag:s15] =	ssyncset.done $0x0  }
0x6a: {  	s20 =	rddreg [dreg:$0x14];
	[sflag:s15] =	ssyncadd.s32 $0xFFFFE000  }
0x6b: {  	[tilespmem:s2], [sflag:$0x5] =	stream.strided.gather [hbm4b:s20+s0], $0x1900, s1, s0, $0x38;
	[tilespmem:$0x5900] =	vst v63  }
0x6c: {  	_ =	swait.ge [sflag:s7], $0x1900  }
0x6d: {  	[sflag:s7] =	ssyncset.done $0x0  }
0x6e: {  	[sflag:s7] =	ssyncadd.s32 $0xFFFFE700  }
0x6f: {  	[tilespmem:s8], [sflag:$0x1] =	stream.indirect.gather [hbm4b:s3+s0], $0x40, s2, s0, $0xb8;
	[tilespmem:$0x5900] =	vst v63  }
0x70: {  	_ =	swait.ge [sflag:s9], $0x2000  }
0x71: {  	[sflag:s9] =	ssyncset.done $0x0  }
0x72: {  	[sflag:s9] =	ssyncadd.s32 $0xFFFFE000  }
0x73: {  	[tilespmem:s10], [sflag:$0x2] =	stream.indirect.gather [hbm4b:s3+s0], $0x40, s0, s0, $0xb8;
	[tilespmem:$0x5900] =	vst v63  }
0x74: {  	s21 =	rddreg [dreg:$0x6]  }
0x75: {  	[hbm4b:s21+s11] =	stream.strided.scatter [tilespmem:s8], [sflag:$0x3], $0x2000, s0, s11, $0x38;
	[tilespmem:$0x5900] =	vst v63  }
0x76: {  	_ =	swait.ge [sflag:s12], $0x2000  }
0x77: {  	[sflag:s12] =	ssyncset.done $0x0  }
0x78: {  	[sflag:s12] =	ssyncadd.s32 $0xFFFFE000  }
0x79: {  	_ =	swait.ge [sflag:s13], $0x2000  }
0x7a: {  	[sflag:s13] =	ssyncset.done $0x0  }
0x7b: {  	[sflag:s13] =	ssyncadd.s32 $0xFFFFE000  }
0x7c: {  	[tilespmem:s8], [sflag:$0x1] =	stream.indirect.gather [hbm4b:s3+s0], $0x40, s14, s0, $0xb8;
	[tilespmem:$0x5900] =	vst v63  }
0x7d: {  	s22 =	rddreg [dreg:$0x7]  }
0x7e: {  	[hbm4b:s22+s11] =	stream.strided.scatter [tilespmem:s10], [sflag:$0x4], $0x2000, s0, s11, $0x38;
	[tilespmem:$0x5900] =	vst v63  }
0x7f: {  	_ =	swait.ge [sflag:s9], $0x2000  }
0x80: {  	[sflag:s9] =	ssyncset.done $0x0  }
0x81: {  	[sflag:s9] =	ssyncadd.s32 $0xFFFFE000  }
0x82: {  	_ =	swait.ge [sflag:s15], $0x2000  }
0x83: {  	[sflag:s15] =	ssyncset.done $0x0  }
0x84: {  	s23 =	simm.s32 $0x180;
	[sflag:s15] =	ssyncadd.s32 $0xFFFFE000  }
0x85: {  	[tilespmem:s10], [sflag:$0x2] =	stream.indirect.gather [hbm4b:s3+s0], $0x40, s23, s0, $0xb8;
	[tilespmem:$0x5900] =	vst v63  }
0x86: {  	s18 =	sadd.s32 s18, s6  }
0x87: {  	[hbm4b:s18+s11] =	stream.strided.scatter [tilespmem:s8], [sflag:$0x3], $0x2000, s0, s11, $0x38;
	[tilespmem:$0x5900] =	vst v63  }
0x88: {  	_ =	swait.ge [sflag:s12], $0x2000  }
0x89: {  	[sflag:s12] =	ssyncset.done $0x0  }
0x8a: {  	[sflag:s12] =	ssyncadd.s32 $0xFFFFE000  }
0x8b: {  	s19 =	simm.s32 $0x300;
	_ =	swait.ge [sflag:s13], $0x2000  }
0x8c: {  	s29 =	simm.s32 $0x200;
	s20 =	sadd.s32 $0x200000, s24;
	[sflag:s13] =	ssyncset.done $0x0  }
0x8d: {  	s21 =	sadd.s32 $0x8, s25;
	s18 =	simm.s32 $0x40008;
	[sflag:s13] =	ssyncadd.s32 $0xFFFFE000  }
0x8e: {  	[tilespmem:s8], [sflag:$0x1] =	stream.indirect.gather [hbm4b:s3+s0], $0x40, s29, s0, $0xb8;
	[tilespmem:$0x5900] =	vst v63  }
.LBB2_4:
0x8f: {  	[hbm4b:s21+s11] =	stream.strided.scatter [tilespmem:s10], [sflag:$0x4], $0x2000, s0, s11, $0x38;
	[tilespmem:$0x5900] =	vst v63  }
0x90: {  	s21 =	smov.u32 s18  }
0x91: {  	p0 =	sne.s32 s18, $0x580008;
	s18 =	sadd.s32 $0x40000, s18;
	_ =	swait.ge [sflag:s9], $0x2000  }
0x92: {  	[sflag:s9] =	ssyncset.done $0x0  }
0x93: {  	[sflag:s9] =	ssyncadd.s32 $0xFFFFE000  }
0x94: {  	_ =	swait.ge [sflag:s15], $0x2000  }
0x95: {  	[sflag:s15] =	ssyncset.done $0x0  }
0x96: {  	s22 =	sadd.s32 $0xFFFFFF80, s19;
	s23 =	sshrl.u32 s20, $0x3;
	[sflag:s15] =	ssyncadd.s32 $0xFFFFE000  }
0x97: {  	[tilespmem:s10], [sflag:$0x2] =	stream.indirect.gather [hbm4b:s3+s0], $0x40, s22, s0, $0xb8;
	[tilespmem:$0x5900] =	vst v63  }
0x98: {  	s22 =	sadd.s32 s23, s6  }
0x99: {  	[hbm4b:s22+s11] =	stream.strided.scatter [tilespmem:s8], [sflag:$0x3], $0x2000, s0, s11, $0x38;
	[tilespmem:$0x5900] =	vst v63  }
0x9a: {  	_ =	swait.ge [sflag:s12], $0x2000  }
0x9b: {  	[sflag:s12] =	ssyncset.done $0x0  }
0x9c: {  	[sflag:s12] =	ssyncadd.s32 $0xFFFFE000  }
.Ltmp1:
0x9d: {  	_ =	swait.ge [sflag:s13], $0x2000;
	(pc) =	sbr.rel @p0 .LBB2_4-.Ltmp1, $4  }
0x9e: {  	[sflag:s13] =	ssyncset.done $0x0  }
0x9f: {  	[sflag:s13] =	ssyncadd.s32 $0xFFFFE000  }
0xa0: {  	[tilespmem:s8], [sflag:$0x1] =	stream.indirect.gather [hbm4b:s3+s0], $0x40, s19, s0, $0xb8;
	[tilespmem:$0x5900] =	vst v63  }
0xa1: {  	s20 =	sadd.s32 $0x200000, s20;
	s21 =	sadd.s32 s21, s25;
	s19 =	sadd.s32 $0x100, s19  }
0xa2: {  	[hbm4b:s21+s11] =	stream.strided.scatter [tilespmem:s10], [sflag:$0x4], $0x2000, s0, s11, $0x38;
	[tilespmem:$0x5900] =	vst v63  }
0xa3: {  	_ =	swait.ge [sflag:s9], $0x2000  }
0xa4: {  	[sflag:s9] =	ssyncset.done $0x0  }
0xa5: {  	[sflag:s9] =	ssyncadd.s32 $0xFFFFE000  }
0xa6: {  	_ =	swait.ge [sflag:s15], $0x2000  }
0xa7: {  	[sflag:s15] =	ssyncset.done $0x0  }
0xa8: {  	[sflag:s15] =	ssyncadd.s32 $0xFFFFE000  }
0xa9: {  	[tilespmem:s10], [sflag:$0x2] =	stream.indirect.gather [hbm4b:s3+s0], $0x40, s16, s0, $0xb8;
	[tilespmem:$0x5900] =	vst v63  }
0xaa: {  	s18 =	rddreg [dreg:$0xe]  }
0xab: {  	[hbm4b:s18+s11] =	stream.strided.scatter [tilespmem:s8], [sflag:$0x3], $0x2000, s0, s11, $0x38;
	[tilespmem:$0x5900] =	vst v63  }
0xac: {  	_ =	swait.ge [sflag:s12], $0x2000  }
0xad: {  	[sflag:s12] =	ssyncset.done $0x0  }
0xae: {  	s29 =	rddreg [dreg:$0xf];
	[sflag:s12] =	ssyncadd.s32 $0xFFFFE000  }
0xaf: {  	[hbm4b:s29+s11] =	stream.strided.scatter [tilespmem:s10], [sflag:$0x4], $0x2000, s0, s11, $0x38;
	[tilespmem:$0x5900] =	vst v63  }
0xb0: {  	_ =	swait.ge [sflag:s13], $0x2000  }
0xb1: {  	[sflag:s13] =	ssyncset.done $0x0  }
0xb2: {  	[sflag:s13] =	ssyncadd.s32 $0xFFFFE000  }
0xb3: {  	_ =	swait.ge [sflag:s15], $0x2000  }
0xb4: {  	[sflag:s15] =	ssyncset.done $0x0  }
0xb5: {  	s19 =	simm.s32 $0x0;
	[sflag:s15] =	ssyncadd.s32 $0xFFFFE000  }
0xb6: {  	[tilespmem:s19], [sflag:$0x5] =	stream.strided.gather [hbm4b:s30+s0], $0x1900, s1, s0, $0x38;
	[tilespmem:$0x5900] =	vst v63  }
0xb7: {  	_ =	swait.ge [sflag:s7], $0x1900  }
0xb8: {  	[sflag:s7] =	ssyncset.done $0x0  }
0xb9: {  	[sflag:s7] =	ssyncadd.s32 $0xFFFFE700  }
0xba: {  	[tilespmem:s8], [sflag:$0x1] =	stream.indirect.gather [hbm4b:s3+s0], $0x40, s19, s0, $0xb8;
	[tilespmem:$0x5900] =	vst v63  }
0xbb: {  	_ =	swait.ge [sflag:s9], $0x2000  }
0xbc: {  	[sflag:s9] =	ssyncset.done $0x0  }
0xbd: {  	[sflag:s9] =	ssyncadd.s32 $0xFFFFE000  }
0xbe: {  	[tilespmem:s10], [sflag:$0x2] =	stream.indirect.gather [hbm4b:s3+s0], $0x40, s0, s0, $0xb8;
	[tilespmem:$0x5900] =	vst v63  }
0xbf: {  	s20 =	rddreg [dreg:$0x8]  }
0xc0: {  	[hbm4b:s20+s11] =	stream.strided.scatter [tilespmem:s8], [sflag:$0x3], $0x2000, s0, s11, $0x38;
	[tilespmem:$0x5900] =	vst v63  }
0xc1: {  	_ =	swait.ge [sflag:s12], $0x2000  }
0xc2: {  	[sflag:s12] =	ssyncset.done $0x0  }
0xc3: {  	[sflag:s12] =	ssyncadd.s32 $0xFFFFE000  }
0xc4: {  	_ =	swait.ge [sflag:s13], $0x2000  }
0xc5: {  	[sflag:s13] =	ssyncset.done $0x0  }
0xc6: {  	[sflag:s13] =	ssyncadd.s32 $0xFFFFE000  }
0xc7: {  	[tilespmem:s8], [sflag:$0x1] =	stream.indirect.gather [hbm4b:s3+s0], $0x40, s14, s0, $0xb8;
	[tilespmem:$0x5900] =	vst v63  }
0xc8: {  	s21 =	rddreg [dreg:$0x9]  }
0xc9: {  	[hbm4b:s21+s11] =	stream.strided.scatter [tilespmem:s10], [sflag:$0x4], $0x2000, s0, s11, $0x38;
	[tilespmem:$0x5900] =	vst v63  }
0xca: {  	_ =	swait.ge [sflag:s9], $0x2000  }
0xcb: {  	[sflag:s9] =	ssyncset.done $0x0  }
0xcc: {  	[sflag:s9] =	ssyncadd.s32 $0xFFFFE000  }
0xcd: {  	_ =	swait.ge [sflag:s15], $0x2000  }
0xce: {  	[sflag:s15] =	ssyncset.done $0x0  }
0xcf: {  	s22 =	simm.s32 $0x180;
	[sflag:s15] =	ssyncadd.s32 $0xFFFFE000  }
0xd0: {  	[tilespmem:s10], [sflag:$0x2] =	stream.indirect.gather [hbm4b:s3+s0], $0x40, s22, s0, $0xb8;
	[tilespmem:$0x5900] =	vst v63  }
0xd1: {  	s23 =	sadd.s32 $0x0, s26  }
0xd2: {  	[hbm4b:s23+s11] =	stream.strided.scatter [tilespmem:s8], [sflag:$0x3], $0x2000, s0, s11, $0x38;
	[tilespmem:$0x5900] =	vst v63  }
0xd3: {  	_ =	swait.ge [sflag:s12], $0x2000  }
0xd4: {  	[sflag:s12] =	ssyncset.done $0x0  }
0xd5: {  	[sflag:s12] =	ssyncadd.s32 $0xFFFFE000  }
0xd6: {  	_ =	swait.ge [sflag:s13], $0x2000  }
0xd7: {  	s18 =	simm.s32 $0x40000;
	s29 =	simm.s32 $0x200;
	[sflag:s13] =	ssyncset.done $0x0  }
0xd8: {  	s19 =	simm.s32 $0x300;
	s20 =	sadd.s32 $0x0, s28;
	[sflag:s13] =	ssyncadd.s32 $0xFFFFE000  }
0xd9: {  	[tilespmem:s8], [sflag:$0x1] =	stream.indirect.gather [hbm4b:s3+s0], $0x40, s29, s0, $0xb8;
	[tilespmem:$0x5900] =	vst v63  }
.LBB2_6:
0xda: {  	[hbm4b:s20+s11] =	stream.strided.scatter [tilespmem:s10], [sflag:$0x4], $0x2000, s0, s11, $0x38;
	[tilespmem:$0x5900] =	vst v63  }
0xdb: {  	s20 =	smov.u32 s18  }
0xdc: {  	p0 =	sne.s32 s18, $0x580000;
	s18 =	sadd.s32 $0x40000, s18;
	_ =	swait.ge [sflag:s9], $0x2000  }
0xdd: {  	[sflag:s9] =	ssyncset.done $0x0  }
0xde: {  	[sflag:s9] =	ssyncadd.s32 $0xFFFFE000  }
0xdf: {  	_ =	swait.ge [sflag:s15], $0x2000  }
0xe0: {  	[sflag:s15] =	ssyncset.done $0x0  }
0xe1: {  	s21 =	sadd.s32 $0xFFFFFF80, s19;
	[sflag:s15] =	ssyncadd.s32 $0xFFFFE000  }
0xe2: {  	[tilespmem:s10], [sflag:$0x2] =	stream.indirect.gather [hbm4b:s3+s0], $0x40, s21, s0, $0xb8;
	[tilespmem:$0x5900] =	vst v63  }
0xe3: {  	s21 =	sadd.s32 s20, s26  }
0xe4: {  	[hbm4b:s21+s11] =	stream.strided.scatter [tilespmem:s8], [sflag:$0x3], $0x2000, s0, s11, $0x38;
	[tilespmem:$0x5900] =	vst v63  }
0xe5: {  	_ =	swait.ge [sflag:s12], $0x2000  }
0xe6: {  	[sflag:s12] =	ssyncset.done $0x0  }
0xe7: {  	[sflag:s12] =	ssyncadd.s32 $0xFFFFE000  }
.Ltmp2:
0xe8: {  	_ =	swait.ge [sflag:s13], $0x2000;
	(pc) =	sbr.rel @p0 .LBB2_6-.Ltmp2, $4  }
0xe9: {  	[sflag:s13] =	ssyncset.done $0x0  }
0xea: {  	[sflag:s13] =	ssyncadd.s32 $0xFFFFE000  }
0xeb: {  	[tilespmem:s8], [sflag:$0x1] =	stream.indirect.gather [hbm4b:s3+s0], $0x40, s19, s0, $0xb8;
	[tilespmem:$0x5900] =	vst v63  }
0xec: {  	s20 =	sadd.s32 s20, s28;
	s19 =	sadd.s32 $0x100, s19  }
0xed: {  	[hbm4b:s20+s11] =	stream.strided.scatter [tilespmem:s10], [sflag:$0x4], $0x2000, s0, s11, $0x38;
	[tilespmem:$0x5900] =	vst v63  }
0xee: {  	_ =	swait.ge [sflag:s9], $0x2000  }
0xef: {  	[sflag:s9] =	ssyncset.done $0x0  }
0xf0: {  	[sflag:s9] =	ssyncadd.s32 $0xFFFFE000  }
0xf1: {  	_ =	swait.ge [sflag:s15], $0x2000  }
0xf2: {  	[sflag:s15] =	ssyncset.done $0x0  }
0xf3: {  	[sflag:s15] =	ssyncadd.s32 $0xFFFFE000  }
0xf4: {  	[tilespmem:s10], [sflag:$0x2] =	stream.indirect.gather [hbm4b:s3+s0], $0x40, s16, s0, $0xb8;
	[tilespmem:$0x5900] =	vst v63  }
0xf5: {  	s18 =	rddreg [dreg:$0x10]  }
0xf6: {  	[hbm4b:s18+s11] =	stream.strided.scatter [tilespmem:s8], [sflag:$0x3], $0x2000, s0, s11, $0x38;
	[tilespmem:$0x5900] =	vst v63  }
0xf7: {  	_ =	swait.ge [sflag:s12], $0x2000  }
0xf8: {  	[sflag:s12] =	ssyncset.done $0x0  }
0xf9: {  	s19 =	rddreg [dreg:$0x11];
	[sflag:s12] =	ssyncadd.s32 $0xFFFFE000  }
0xfa: {  	[hbm4b:s19+s11] =	stream.strided.scatter [tilespmem:s10], [sflag:$0x4], $0x2000, s0, s11, $0x38;
	[tilespmem:$0x5900] =	vst v63  }
0xfb: {  	_ =	swait.ge [sflag:s13], $0x2000  }
0xfc: {  	[sflag:s13] =	ssyncset.done $0x0  }
0xfd: {  	[sflag:s13] =	ssyncadd.s32 $0xFFFFE000  }
0xfe: {  	_ =	swait.ge [sflag:s15], $0x2000  }
0xff: {  	[sflag:s15] =	ssyncset.done $0x0  }
0x100: {  	[sflag:s15] =	ssyncadd.s32 $0xFFFFE000  }
0x101: {  	[tilespmem:s2], [sflag:$0x5] =	stream.strided.gather [hbm4b:s31+s0], $0x1900, s1, s0, $0x38;
	[tilespmem:$0x5900] =	vst v63  }
0x102: {  	_ =	swait.ge [sflag:s7], $0x1900  }
0x103: {  	[sflag:s7] =	ssyncset.done $0x0  }
0x104: {  	[sflag:s7] =	ssyncadd.s32 $0xFFFFE700  }
0x105: {  	[tilespmem:s8], [sflag:$0x1] =	stream.indirect.gather [hbm4b:s3+s0], $0x40, s2, s0, $0xb8;
	[tilespmem:$0x5900] =	vst v63  }
0x106: {  	_ =	swait.ge [sflag:s9], $0x2000  }
0x107: {  	[sflag:s9] =	ssyncset.done $0x0  }
0x108: {  	[sflag:s9] =	ssyncadd.s32 $0xFFFFE000  }
0x109: {  	[tilespmem:s10], [sflag:$0x2] =	stream.indirect.gather [hbm4b:s3+s0], $0x40, s0, s0, $0xb8;
	[tilespmem:$0x5900] =	vst v63  }
0x10a: {  	s20 =	rddreg [dreg:$0xa]  }
0x10b: {  	[hbm4b:s20+s11] =	stream.strided.scatter [tilespmem:s8], [sflag:$0x3], $0x2000, s0, s11, $0x38;
	[tilespmem:$0x5900] =	vst v63  }
0x10c: {  	_ =	swait.ge [sflag:s12], $0x2000  }
0x10d: {  	[sflag:s12] =	ssyncset.done $0x0  }
0x10e: {  	[sflag:s12] =	ssyncadd.s32 $0xFFFFE000  }
0x10f: {  	_ =	swait.ge [sflag:s13], $0x2000  }
0x110: {  	[sflag:s13] =	ssyncset.done $0x0  }
0x111: {  	[sflag:s13] =	ssyncadd.s32 $0xFFFFE000  }
0x112: {  	[tilespmem:s8], [sflag:$0x1] =	stream.indirect.gather [hbm4b:s3+s0], $0x40, s14, s0, $0xb8;
	[tilespmem:$0x5900] =	vst v63  }
0x113: {  	s21 =	rddreg [dreg:$0xb]  }
0x114: {  	[hbm4b:s21+s11] =	stream.strided.scatter [tilespmem:s10], [sflag:$0x4], $0x2000, s0, s11, $0x38;
	[tilespmem:$0x5900] =	vst v63  }
0x115: {  	_ =	swait.ge [sflag:s9], $0x2000  }
0x116: {  	[sflag:s9] =	ssyncset.done $0x0  }
0x117: {  	[sflag:s9] =	ssyncadd.s32 $0xFFFFE000  }
0x118: {  	_ =	swait.ge [sflag:s15], $0x2000  }
0x119: {  	[sflag:s15] =	ssyncset.done $0x0  }
0x11a: {  	s22 =	simm.s32 $0x180;
	[sflag:s15] =	ssyncadd.s32 $0xFFFFE000  }
0x11b: {  	[tilespmem:s10], [sflag:$0x2] =	stream.indirect.gather [hbm4b:s3+s0], $0x40, s22, s0, $0xb8;
	[tilespmem:$0x5900] =	vst v63  }
0x11c: {  	s23 =	sadd.s32 $0x8, s26  }
0x11d: {  	[hbm4b:s23+s11] =	stream.strided.scatter [tilespmem:s8], [sflag:$0x3], $0x2000, s0, s11, $0x38;
	[tilespmem:$0x5900] =	vst v63  }
0x11e: {  	_ =	swait.ge [sflag:s12], $0x2000  }
0x11f: {  	[sflag:s12] =	ssyncset.done $0x0  }
0x120: {  	[sflag:s12] =	ssyncadd.s32 $0xFFFFE000  }
0x121: {  	_ =	swait.ge [sflag:s13], $0x2000  }
0x122: {  	s29 =	simm.s32 $0x200;
	s18 =	simm.s32 $0x40008;
	[sflag:s13] =	ssyncset.done $0x0  }
0x123: {  	s19 =	simm.s32 $0x300;
	s20 =	sadd.s32 $0x8, s28;
	[sflag:s13] =	ssyncadd.s32 $0xFFFFE000  }
0x124: {  	[tilespmem:s8], [sflag:$0x1] =	stream.indirect.gather [hbm4b:s3+s0], $0x40, s29, s0, $0xb8;
	[tilespmem:$0x5900] =	vst v63  }
.LBB2_8:
0x125: {  	[hbm4b:s20+s11] =	stream.strided.scatter [tilespmem:s10], [sflag:$0x4], $0x2000, s0, s11, $0x38;
	[tilespmem:$0x5900] =	vst v63  }
0x126: {  	s20 =	smov.u32 s18  }
0x127: {  	p0 =	sne.s32 s18, $0x580008;
	s18 =	sadd.s32 $0x40000, s18;
	_ =	swait.ge [sflag:s9], $0x2000  }
0x128: {  	[sflag:s9] =	ssyncset.done $0x0  }
0x129: {  	[sflag:s9] =	ssyncadd.s32 $0xFFFFE000  }
0x12a: {  	_ =	swait.ge [sflag:s15], $0x2000  }
0x12b: {  	[sflag:s15] =	ssyncset.done $0x0  }
0x12c: {  	s21 =	sadd.s32 $0xFFFFFF80, s19;
	[sflag:s15] =	ssyncadd.s32 $0xFFFFE000  }
0x12d: {  	[tilespmem:s10], [sflag:$0x2] =	stream.indirect.gather [hbm4b:s3+s0], $0x40, s21, s0, $0xb8;
	[tilespmem:$0x5900] =	vst v63  }
0x12e: {  	s21 =	sadd.s32 s20, s26  }
0x12f: {  	[hbm4b:s21+s11] =	stream.strided.scatter [tilespmem:s8], [sflag:$0x3], $0x2000, s0, s11, $0x38;
	[tilespmem:$0x5900] =	vst v63  }
0x130: {  	_ =	swait.ge [sflag:s12], $0x2000  }
0x131: {  	[sflag:s12] =	ssyncset.done $0x0  }
0x132: {  	[sflag:s12] =	ssyncadd.s32 $0xFFFFE000  }
.Ltmp3:
0x133: {  	_ =	swait.ge [sflag:s13], $0x2000;
	(pc) =	sbr.rel @p0 .LBB2_8-.Ltmp3, $4  }
0x134: {  	[sflag:s13] =	ssyncset.done $0x0  }
0x135: {  	[sflag:s13] =	ssyncadd.s32 $0xFFFFE000  }
0x136: {  	[tilespmem:s8], [sflag:$0x1] =	stream.indirect.gather [hbm4b:s3+s0], $0x40, s19, s0, $0xb8;
	[tilespmem:$0x5900] =	vst v63  }
0x137: {  	s20 =	sadd.s32 s20, s28;
	s19 =	sadd.s32 $0x100, s19  }
0x138: {  	[hbm4b:s20+s11] =	stream.strided.scatter [tilespmem:s10], [sflag:$0x4], $0x2000, s0, s11, $0x38;
	[tilespmem:$0x5900] =	vst v63  }
0x139: {  	_ =	swait.ge [sflag:s9], $0x2000  }
0x13a: {  	[sflag:s9] =	ssyncset.done $0x0  }
0x13b: {  	[sflag:s9] =	ssyncadd.s32 $0xFFFFE000  }
0x13c: {  	_ =	swait.ge [sflag:s15], $0x2000  }
0x13d: {  	[sflag:s15] =	ssyncset.done $0x0  }
0x13e: {  	[sflag:s15] =	ssyncadd.s32 $0xFFFFE000  }
0x13f: {  	[tilespmem:s10], [sflag:$0x2] =	stream.indirect.gather [hbm4b:s3+s0], $0x40, s16, s0, $0xb8;
	[tilespmem:$0x5900] =	vst v63  }
0x140: {  	s18 =	rddreg [dreg:$0x12]  }
0x141: {  	[hbm4b:s18+s11] =	stream.strided.scatter [tilespmem:s8], [sflag:$0x3], $0x2000, s0, s11, $0x38;
	[tilespmem:$0x5900] =	vst v63  }
0x142: {  	_ =	swait.ge [sflag:s12], $0x2000  }
0x143: {  	[sflag:s12] =	ssyncset.done $0x0  }
0x144: {  	s23 =	rddreg [dreg:$0x13];
	[sflag:s12] =	ssyncadd.s32 $0xFFFFE000  }
0x145: {  	[hbm4b:s23+s11] =	stream.strided.scatter [tilespmem:s10], [sflag:$0x4], $0x2000, s0, s11, $0x38;
	[tilespmem:$0x5900] =	vst v63  }
0x146: {  	_ =	swait.ge [sflag:s13], $0x2000  }
0x147: {  	[sflag:s13] =	ssyncset.done $0x0  }
0x148: {  	[sflag:s13] =	ssyncadd.s32 $0xFFFFE000  }
0x149: {  	_ =	swait.ge [sflag:s15], $0x2000  }
0x14a: {  	s17 =	sadd.s32 $0x1, s17;
	s29 =	rddreg [dreg:$0x3]  }
0x14b: {  	p0 =	sne.s32 s17, s29  }
.Ltmp4:
0x14c: {  	_ = 	snop;
	(pc) =	sbr.rel @p0 .LBB2_1-.Ltmp4, $3  }
0x14d: {  	_ =	sdelay $0x1  }
0x14e: {  	[sflag:s15] =	ssyncset.done $0x0  }
0x14f: {  	[sflag:s15] =	ssyncadd.s32 $0xFFFFE000  }
0x150: {  	_ =	sfence.sel $0x180000  }
0x151: {  	[bflag:$0x0] =	sbarrier.arrive $0xFFFF  }
0x152: {  	_ =	strace $0x90000047  }
0x153: {  	s0 =	stileid.u32;
	[bflag:$0x2] =	sbarrier.arrive $0xFFFF  }
0x154: {  	p0 =	sne.s32 s0, $0x0;
	s0 =	rddreg [dreg:$0x2]  }
0x155: {  	s0 =	sadd.s32 @!p0 $0x100000, s0  }
0x156: {  	[sflag:s0] =	ssyncadd.tile.s32 @!p0 $0x1;
	_ =	shalt  }
.Lfunc_end2:
_tile_overlayer_lowered:
.L_overlay_start_2:
0x157: {  	(tag) =	ssettag $0x2  }
0x158: {  	s0 =	rddreg [dreg:$0x0];
	s2 =	stileid.u32  }
0x159: {  	s1 =	rddreg [dreg:$0x1];
	p0 =	sne.s32 s2, $0x0  }
0x15a: {  	s3 =	rddreg [dreg:$0x2];
	[bflag:$0x3] =	sbarrier.arrive $0xFFFF;
	s2 =	simm.s32 @!p0 $0x1C05  }
0x15b: {  	[timem:s3], [sflag:s2] =	dma.local @!p0 [hbm:s0], s1  }
0x15c: {  	s0 =	simm.s32 @!p0 $0x5  }
0x15d: {  	_ =	swait.ge @!p0 [sflag:s0], s1  }
0x15e: {  	s1 =	ssub.s32 @!p0 $0x0, s1;
	[sflag:s0] =	ssyncset.done @!p0 $0x0  }
0x15f: {  	[sflag:s0] =	ssyncadd.s32 @!p0 s1  }
0x160: {  	[bflag:$0x3] =	sbarrier.arrive $0xFFFF  }
0x161: {  	_ =	shalt  }

</sc_bundles>
